<compile_context>
chip_gen: v7x
topology: tpu7x:2x2x1
jax: 0.10.2.dev20260603
libtpu: 0.0.44.dev20260713+nightly
codegen_flags: <defaults>
</compile_context>

<pallas_src>
import jax
import jax.numpy as jnp
from jax import lax
from jax.experimental import pallas as pl
from jax.experimental.pallas import tpu as pltpu
from jax.experimental.pallas import tpu_sc as plsc

INPUT = 784
HIDDEN = 8192
OUT = 10

NWORKERS = 32
SC_GRP = 128
SC_HIDDEN = NWORKERS * SC_GRP
TC_HIDDEN = HIDDEN - SC_HIDDEN
TC_BLK = 2048


def _tc_kernel(x_ref, wt_ref, wsup_ref, b_ref, out_ref):
    i = pl.program_id(0)
    h = jax.lax.dot_general(
        x_ref[...], wt_ref[...],
        (((1,), (0,)), ((), ())),
        preferred_element_type=jnp.float32,
    )
    h = jnp.maximum(h, 0.0)
    part = jax.lax.dot_general(
        wsup_ref[...], h,
        (((1,), (1,)), ((), ())),
        preferred_element_type=jnp.float32,
    )

    @pl.when(i == 0)
    def _():
        out_ref[...] = b_ref[...] + part

    @pl.when(i != 0)
    def _():
        out_ref[...] = out_ref[...] + part


def _sc_body(wt_hbm, x_hbm, wsup_hbm, out_hbm, wbuf, xbuf, wsupbuf, outbuf, sem):
    wid = lax.axis_index("s") * 2 + lax.axis_index("c")
    j0 = TC_HIDDEN + wid * SC_GRP

    copy = pltpu.make_async_copy(
        wt_hbm.at[:, pl.ds(j0, SC_GRP)], wbuf, sem)
    copy.start()
    pltpu.sync_copy(x_hbm, xbuf)
    pltpu.sync_copy(wsup_hbm.at[:, pl.ds(j0, SC_GRP)], wsupbuf)
    copy.wait()

    ngrp = SC_GRP // 16
    zeros = jnp.zeros((16,), jnp.float32)

    def kstep(kk, accs):
        k0 = kk * 16
        xv = xbuf[pl.ds(k0, 16)]
        accs = list(accs)
        for i in range(16):
            xs = xv[i]
            for c in range(ngrp):
                accs[c] = accs[c] + wbuf[k0 + i, pl.ds(c * 16, 16)] * xs
        return tuple(accs)

    accs = lax.fori_loop(0, INPUT // 16, kstep, (zeros,) * ngrp)
    hs = [jnp.maximum(a, 0.0) for a in accs]

    for r in range(OUT):
        t = zeros
        for c in range(ngrp):
            t = t + wsupbuf[r, pl.ds(c * 16, 16)] * hs[c]
        outbuf[r] = t
    pltpu.sync_copy(outbuf, out_hbm.at[wid])


def kernel(x, W_uns, W_sup, b_sup):
    x2 = x.reshape(1, INPUT)
    b2 = b_sup.reshape(OUT, 1)
    wt = W_uns.T

    out_tc = pl.pallas_call(
        _tc_kernel,
        grid=(TC_HIDDEN // TC_BLK,),
        in_specs=[
            pl.BlockSpec((1, INPUT), lambda i: (0, 0)),
            pl.BlockSpec((INPUT, TC_BLK), lambda i: (0, i)),
            pl.BlockSpec((OUT, TC_BLK), lambda i: (0, i)),
            pl.BlockSpec((OUT, 1), lambda i: (0, 0)),
        ],
        out_specs=pl.BlockSpec((OUT, 1), lambda i: (0, 0)),
        out_shape=jax.ShapeDtypeStruct((OUT, 1), jnp.float32),
    )(x2, wt, W_sup, b2)

    sc_fn = pl.kernel(
        _sc_body,
        out_type=jax.ShapeDtypeStruct((NWORKERS, OUT, 16), jnp.float32),
        mesh=plsc.VectorSubcoreMesh(core_axis_name="c", subcore_axis_name="s"),
        scratch_types=[
            pltpu.VMEM((INPUT, SC_GRP), jnp.float32),
            pltpu.VMEM((INPUT,), jnp.float32),
            pltpu.VMEM((OUT, SC_GRP), jnp.float32),
            pltpu.VMEM((OUT, 16), jnp.float32),
            pltpu.SemaphoreType.DMA,
        ],
    )
    out_sc = sc_fn(wt, x, W_sup)

    return out_tc.reshape(OUT) + jnp.sum(out_sc, axis=(0, 2))

# --- scband reference (transcript-rebuilt; emitter-appended) ---
"""Pipeline reference for scband-bio-classifier-58162447122741 (READ-ONLY COPY).

The authoritative reference and input builder live on the scoring server;
editing this copy changes nothing except your own understanding.
"""

import jax, jax.numpy as jnp
import numpy as np

INPUT_SIZE = 784
HIDDEN_SIZE = 8192
OUTPUT_SIZE = 10


def setup_inputs(seed: int = 0) -> dict:
    key = jax.random.key(seed)
    k1, k2, k3, k4 = jax.random.split(key, 4)
    x = jax.random.normal(k1, (INPUT_SIZE,), dtype=jnp.float32)
    # unsupervised_weights = torch.randn(hidden_size, input_size)
    W_uns = jax.random.normal(k2, (HIDDEN_SIZE, INPUT_SIZE), dtype=jnp.float32)
    # supervised_weights = nn.Linear(hidden_size, output_size)
    bound = 1.0 / np.sqrt(HIDDEN_SIZE)
    W_sup = jax.random.uniform(k3, (OUTPUT_SIZE, HIDDEN_SIZE), dtype=jnp.float32, minval=-bound, maxval=bound)
    b_sup = jax.random.uniform(k4, (OUTPUT_SIZE,), dtype=jnp.float32, minval=-bound, maxval=bound)
    return {"x": x, "W_uns": W_uns, "W_sup": W_sup, "b_sup": b_sup}


def reference(x, W_uns, W_sup, b_sup):
    # x = self.unsupervised_weights @ x
    h = W_uns @ x
    # x = self.relu(x)
    h = jnp.maximum(h, 0.0)
    # x = self.supervised_weights(x)
    out = W_sup @ h + b_sup
    return out

if __name__ == "__main__":
    import jax
    _d = setup_inputs()
    print(jax.jit(kernel)(*tuple(_d.values())))

</pallas_src>

<mosaic_0001>
#map = affine_map<(d0, d1) -> (0, 0)>
#map1 = affine_map<(d0, d1) -> (0)>
#map2 = affine_map<(d0, d1) -> (0, 0, 0)>
module attributes {stable_mosaic.version = 14 : i64} {
  func.func @_sc_body(%arg0: i32, %arg1: i32, %arg2: memref<784x8192xf32, #tpu.memory_space<hbm>>, %arg3: memref<784xf32, #tpu.memory_space<hbm>>, %arg4: memref<10x8192xf32, #tpu.memory_space<hbm>>, %arg5: memref<32x10x16xf32, #tpu.memory_space<hbm>>, %arg6: memref<784x128xf32, #tpu.memory_space<vmem>>, %arg7: memref<784xf32, #tpu.memory_space<vmem>>, %arg8: memref<10x128xf32, #tpu.memory_space<vmem>>, %arg9: memref<10x16xf32, #tpu.memory_space<vmem>>, %arg10: memref<!tpu.dma_semaphore, #tpu.memory_space<semaphore_mem>>) attributes {dimension_semantics = [#tpu.dimension_semantics<core_parallel>, #tpu.dimension_semantics<subcore_parallel>], iteration_bounds = array<i64: 2, 16>, scalar_prefetch = 0 : i64, scratch_operands = 5 : i64, tpu.core_type = #tpu.core_type<sc_vector_subcore>, window_params = [{transform_indices = #map}, {transform_indices = #map1}, {transform_indices = #map}, {transform_indices = #map2}]} {
    %mul3A = arith.constant 2 : i32
    %mul3A_0 = arith.muli %arg1, %mul3A : i32
    %add3A = arith.addi %mul3A_0, %arg0 : i32
    %mul3A_1 = arith.constant 128 : i32
    %mul3A_2 = arith.muli %add3A, %mul3A_1 : i32
    %add3A_3 = arith.constant 4096 : i32
    %add3A_4 = arith.addi %add3A_3, %mul3A_2 : i32
    %dma_start3A = arith.constant 0 : i32
    %dma_start3A_5 = tpu.memref_slice %arg2[%dma_start3A, %add3A_4] : memref<784x8192xf32, #tpu.memory_space<hbm>> -> memref<784x128xf32, #tpu.memory_space<hbm>>
    %dma_start3A_6 = arith.constant 0 : i32
    %dma_start3A_7 = tpu.memref_slice %arg2[%dma_start3A_6, %add3A_4] : memref<784x8192xf32, #tpu.memory_space<hbm>> -> memref<784x128xf32, #tpu.memory_space<hbm>>
    tpu.enqueue_dma source(%dma_start3A_7 : memref<784x128xf32, #tpu.memory_space<hbm>>) target(%arg6 : memref<784x128xf32, #tpu.memory_space<vmem>>) target_semaphore(%arg10 : memref<!tpu.dma_semaphore, #tpu.memory_space<semaphore_mem>>)
    "tpu.region"() ({
      %run_scoped3A = tpu.sem_alloc : memref<!tpu.dma_semaphore, #tpu.memory_space<semaphore_mem>>
      tpu.enqueue_dma source(%arg3 : memref<784xf32, #tpu.memory_space<hbm>>) target(%arg7 : memref<784xf32, #tpu.memory_space<vmem>>) target_semaphore(%run_scoped3A : memref<!tpu.dma_semaphore, #tpu.memory_space<semaphore_mem>>)
      tpu.wait_dma2 semaphore(%run_scoped3A : memref<!tpu.dma_semaphore, #tpu.memory_space<semaphore_mem>>) src(%arg3 : memref<784xf32, #tpu.memory_space<hbm>>) dst(%arg7 : memref<784xf32, #tpu.memory_space<vmem>>)
      tpu.yield
    }) : () -> ()
    "tpu.region"() ({
      %run_scoped3A = tpu.sem_alloc : memref<!tpu.dma_semaphore, #tpu.memory_space<semaphore_mem>>
      %dma_start3A_658 = arith.constant 0 : i32
      %dma_start3A_659 = tpu.memref_slice %arg4[%dma_start3A_658, %add3A_4] : memref<10x8192xf32, #tpu.memory_space<hbm>> -> memref<10x128xf32, #tpu.memory_space<hbm>>
      %dma_start3A_660 = arith.constant 0 : i32
      %dma_start3A_661 = tpu.memref_slice %arg4[%dma_start3A_660, %add3A_4] : memref<10x8192xf32, #tpu.memory_space<hbm>> -> memref<10x128xf32, #tpu.memory_space<hbm>>
      tpu.enqueue_dma source(%dma_start3A_661 : memref<10x128xf32, #tpu.memory_space<hbm>>) target(%arg8 : memref<10x128xf32, #tpu.memory_space<vmem>>) target_semaphore(%run_scoped3A : memref<!tpu.dma_semaphore, #tpu.memory_space<semaphore_mem>>)
      %dma_wait3A_662 = arith.constant 0 : i32
      %dma_wait3A_663 = tpu.memref_slice %arg4[%dma_wait3A_662, %add3A_4] : memref<10x8192xf32, #tpu.memory_space<hbm>> -> memref<10x128xf32, #tpu.memory_space<hbm>>
      %dma_wait3A_664 = arith.constant 0 : i32
      %dma_wait3A_665 = tpu.memref_slice %arg4[%dma_wait3A_664, %add3A_4] : memref<10x8192xf32, #tpu.memory_space<hbm>> -> memref<10x128xf32, #tpu.memory_space<hbm>>
      tpu.wait_dma2 semaphore(%run_scoped3A : memref<!tpu.dma_semaphore, #tpu.memory_space<semaphore_mem>>) src(%dma_wait3A_665 : memref<10x128xf32, #tpu.memory_space<hbm>>) dst(%arg8 : memref<10x128xf32, #tpu.memory_space<vmem>>)
      tpu.yield
    }) : () -> ()
    %dma_wait3A = arith.constant 0 : i32
    %dma_wait3A_8 = tpu.memref_slice %arg2[%dma_wait3A, %add3A_4] : memref<784x8192xf32, #tpu.memory_space<hbm>> -> memref<784x128xf32, #tpu.memory_space<hbm>>
    %dma_wait3A_9 = arith.constant 0 : i32
    %dma_wait3A_10 = tpu.memref_slice %arg2[%dma_wait3A_9, %add3A_4] : memref<784x8192xf32, #tpu.memory_space<hbm>> -> memref<784x128xf32, #tpu.memory_space<hbm>>
    tpu.wait_dma2 semaphore(%arg10 : memref<!tpu.dma_semaphore, #tpu.memory_space<semaphore_mem>>) src(%dma_wait3A_10 : memref<784x128xf32, #tpu.memory_space<hbm>>) dst(%arg6 : memref<784x128xf32, #tpu.memory_space<vmem>>)
    %broadcast_in_dim3A = arith.constant 0.000000e+00 : f32
    %broadcast_in_dim3A_11 = vector.broadcast %broadcast_in_dim3A : f32 to vector<16xf32>
    %scan3A = arith.constant 0 : i32
    %scan3A_12 = arith.constant 49 : i32
    %scan3A_13 = arith.addi %scan3A, %scan3A_12 : i32
    %scan3A_14 = arith.constant 1 : i32
    %scan3A_15:8 = scf.for %scan3A_658 = %scan3A to %scan3A_13 step %scan3A_14 iter_args(%scan3A_659 = %broadcast_in_dim3A_11, %scan3A_660 = %broadcast_in_dim3A_11, %scan3A_661 = %broadcast_in_dim3A_11, %scan3A_662 = %broadcast_in_dim3A_11, %scan3A_663 = %broadcast_in_dim3A_11, %scan3A_664 = %broadcast_in_dim3A_11, %scan3A_665 = %broadcast_in_dim3A_11, %scan3A_666 = %broadcast_in_dim3A_11) -> (vector<16xf32>, vector<16xf32>, vector<16xf32>, vector<16xf32>, vector<16xf32>, vector<16xf32>, vector<16xf32>, vector<16xf32>)  : i32 {
      %mul3A_667 = arith.constant 16 : i32
      %mul3A_668 = arith.muli %scan3A_658, %mul3A_667 : i32
      %get3A_669 = arith.index_cast %mul3A_668 : i32 to index
      %get3A_670 = tpu.vector_load %arg7[%get3A_669] {strides = array<i32>} : memref<784xf32, #tpu.memory_space<vmem>>, vector<16xf32>,
      %get3A_671 = vector.shape_cast %get3A_670 : vector<16xf32> to vector<16xf32>
      %slice3A = vector.extract_strided_slice %get3A_671 {offsets = [0], sizes = [1], strides = [1]} : vector<16xf32> to vector<1xf32>
      %squeeze3A = vector.extract %slice3A[0] : f32 from vector<1xf32>
      %add3A_672 = arith.constant 0 : i32
      %add3A_673 = arith.addi %mul3A_668, %add3A_672 : i32
      %get3A_674 = arith.index_cast %add3A_673 : i32 to index
      %get3A_675 = arith.constant 0 : index
      %get3A_676 = tpu.vector_load %arg6[%get3A_674, %get3A_675] {strides = array<i32>} : memref<784x128xf32, #tpu.memory_space<vmem>>, vector<1x16xf32>,
      %get3A_677 = vector.shape_cast %get3A_676 : vector<1x16xf32> to vector<16xf32>
      %mul3A_678 = vector.broadcast %squeeze3A : f32 to vector<16xf32>
      %mul3A_679 = arith.mulf %get3A_677, %mul3A_678 : vector<16xf32>
      %add3A_680 = arith.addf %scan3A_659, %mul3A_679 : vector<16xf32>
      %add3A_681 = arith.constant 0 : i32
      %add3A_682 = arith.addi %mul3A_668, %add3A_681 : i32
      %get3A_683 = arith.index_cast %add3A_682 : i32 to index
      %get3A_684 = arith.constant 16 : index
      %get3A_685 = tpu.vector_load %arg6[%get3A_683, %get3A_684] {strides = array<i32>} : memref<784x128xf32, #tpu.memory_space<vmem>>, vector<1x16xf32>,
      %get3A_686 = vector.shape_cast %get3A_685 : vector<1x16xf32> to vector<16xf32>
      %mul3A_687 = vector.broadcast %squeeze3A : f32 to vector<16xf32>
      %mul3A_688 = arith.mulf %get3A_686, %mul3A_687 : vector<16xf32>
      %add3A_689 = arith.addf %scan3A_660, %mul3A_688 : vector<16xf32>
      %add3A_690 = arith.constant 0 : i32
      %add3A_691 = arith.addi %mul3A_668, %add3A_690 : i32
      %get3A_692 = arith.index_cast %add3A_691 : i32 to index
      %get3A_693 = arith.constant 32 : index
      %get3A_694 = tpu.vector_load %arg6[%get3A_692, %get3A_693] {strides = array<i32>} : memref<784x128xf32, #tpu.memory_space<vmem>>, vector<1x16xf32>,
      %get3A_695 = vector.shape_cast %get3A_694 : vector<1x16xf32> to vector<16xf32>
      %mul3A_696 = vector.broadcast %squeeze3A : f32 to vector<16xf32>
      %mul3A_697 = arith.mulf %get3A_695, %mul3A_696 : vector<16xf32>
      %add3A_698 = arith.addf %scan3A_661, %mul3A_697 : vector<16xf32>
      %add3A_699 = arith.constant 0 : i32
      %add3A_700 = arith.addi %mul3A_668, %add3A_699 : i32
      %get3A_701 = arith.index_cast %add3A_700 : i32 to index
      %get3A_702 = arith.constant 48 : index
      %get3A_703 = tpu.vector_load %arg6[%get3A_701, %get3A_702] {strides = array<i32>} : memref<784x128xf32, #tpu.memory_space<vmem>>, vector<1x16xf32>,
      %get3A_704 = vector.shape_cast %get3A_703 : vector<1x16xf32> to vector<16xf32>
      %mul3A_705 = vector.broadcast %squeeze3A : f32 to vector<16xf32>
      %mul3A_706 = arith.mulf %get3A_704, %mul3A_705 : vector<16xf32>
      %add3A_707 = arith.addf %scan3A_662, %mul3A_706 : vector<16xf32>
      %add3A_708 = arith.constant 0 : i32
      %add3A_709 = arith.addi %mul3A_668, %add3A_708 : i32
      %get3A_710 = arith.index_cast %add3A_709 : i32 to index
      %get3A_711 = arith.constant 64 : index
      %get3A_712 = tpu.vector_load %arg6[%get3A_710, %get3A_711] {strides = array<i32>} : memref<784x128xf32, #tpu.memory_space<vmem>>, vector<1x16xf32>,
      %get3A_713 = vector.shape_cast %get3A_712 : vector<1x16xf32> to vector<16xf32>
      %mul3A_714 = vector.broadcast %squeeze3A : f32 to vector<16xf32>
      %mul3A_715 = arith.mulf %get3A_713, %mul3A_714 : vector<16xf32>
      %add3A_716 = arith.addf %scan3A_663, %mul3A_715 : vector<16xf32>
      %add3A_717 = arith.constant 0 : i32
      %add3A_718 = arith.addi %mul3A_668, %add3A_717 : i32
      %get3A_719 = arith.index_cast %add3A_718 : i32 to index
      %get3A_720 = arith.constant 80 : index
      %get3A_721 = tpu.vector_load %arg6[%get3A_719, %get3A_720] {strides = array<i32>} : memref<784x128xf32, #tpu.memory_space<vmem>>, vector<1x16xf32>,
      %get3A_722 = vector.shape_cast %get3A_721 : vector<1x16xf32> to vector<16xf32>
      %mul3A_723 = vector.broadcast %squeeze3A : f32 to vector<16xf32>
      %mul3A_724 = arith.mulf %get3A_722, %mul3A_723 : vector<16xf32>
      %add3A_725 = arith.addf %scan3A_664, %mul3A_724 : vector<16xf32>
      %add3A_726 = arith.constant 0 : i32
      %add3A_727 = arith.addi %mul3A_668, %add3A_726 : i32
      %get3A_728 = arith.index_cast %add3A_727 : i32 to index
      %get3A_729 = arith.constant 96 : index
      %get3A_730 = tpu.vector_load %arg6[%get3A_728, %get3A_729] {strides = array<i32>} : memref<784x128xf32, #tpu.memory_space<vmem>>, vector<1x16xf32>,
      %get3A_731 = vector.shape_cast %get3A_730 : vector<1x16xf32> to vector<16xf32>
      %mul3A_732 = vector.broadcast %squeeze3A : f32 to vector<16xf32>
      %mul3A_733 = arith.mulf %get3A_731, %mul3A_732 : vector<16xf32>
      %add3A_734 = arith.addf %scan3A_665, %mul3A_733 : vector<16xf32>
      %add3A_735 = arith.constant 0 : i32
      %add3A_736 = arith.addi %mul3A_668, %add3A_735 : i32
      %get3A_737 = arith.index_cast %add3A_736 : i32 to index
      %get3A_738 = arith.constant 112 : index
      %get3A_739 = tpu.vector_load %arg6[%get3A_737, %get3A_738] {strides = array<i32>} : memref<784x128xf32, #tpu.memory_space<vmem>>, vector<1x16xf32>,
      %get3A_740 = vector.shape_cast %get3A_739 : vector<1x16xf32> to vector<16xf32>
      %mul3A_741 = vector.broadcast %squeeze3A : f32 to vector<16xf32>
      %mul3A_742 = arith.mulf %get3A_740, %mul3A_741 : vector<16xf32>
      %add3A_743 = arith.addf %scan3A_666, %mul3A_742 : vector<16xf32>
      %slice3A_744 = vector.extract_strided_slice %get3A_671 {offsets = [1], sizes = [1], strides = [1]} : vector<16xf32> to vector<1xf32>
      %squeeze3A_745 = vector.extract %slice3A_744[0] : f32 from vector<1xf32>
      %add3A_746 = arith.constant 1 : i32
      %add3A_747 = arith.addi %mul3A_668, %add3A_746 : i32
      %get3A_748 = arith.index_cast %add3A_747 : i32 to index
      %get3A_749 = arith.constant 0 : index
      %get3A_750 = tpu.vector_load %arg6[%get3A_748, %get3A_749] {strides = array<i32>} : memref<784x128xf32, #tpu.memory_space<vmem>>, vector<1x16xf32>,
      %get3A_751 = vector.shape_cast %get3A_750 : vector<1x16xf32> to vector<16xf32>
      %mul3A_752 = vector.broadcast %squeeze3A_745 : f32 to vector<16xf32>
      %mul3A_753 = arith.mulf %get3A_751, %mul3A_752 : vector<16xf32>
      %add3A_754 = arith.addf %add3A_680, %mul3A_753 : vector<16xf32>
      %add3A_755 = arith.constant 1 : i32
      %add3A_756 = arith.addi %mul3A_668, %add3A_755 : i32
      %get3A_757 = arith.index_cast %add3A_756 : i32 to index
      %get3A_758 = arith.constant 16 : index
      %get3A_759 = tpu.vector_load %arg6[%get3A_757, %get3A_758] {strides = array<i32>} : memref<784x128xf32, #tpu.memory_space<vmem>>, vector<1x16xf32>,
      %get3A_760 = vector.shape_cast %get3A_759 : vector<1x16xf32> to vector<16xf32>
      %mul3A_761 = vector.broadcast %squeeze3A_745 : f32 to vector<16xf32>
      %mul3A_762 = arith.mulf %get3A_760, %mul3A_761 : vector<16xf32>
      %add3A_763 = arith.addf %add3A_689, %mul3A_762 : vector<16xf32>
      %add3A_764 = arith.constant 1 : i32
      %add3A_765 = arith.addi %mul3A_668, %add3A_764 : i32
      %get3A_766 = arith.index_cast %add3A_765 : i32 to index
      %get3A_767 = arith.constant 32 : index
      %get3A_768 = tpu.vector_load %arg6[%get3A_766, %get3A_767] {strides = array<i32>} : memref<784x128xf32, #tpu.memory_space<vmem>>, vector<1x16xf32>,
      %get3A_769 = vector.shape_cast %get3A_768 : vector<1x16xf32> to vector<16xf32>
      %mul3A_770 = vector.broadcast %squeeze3A_745 : f32 to vector<16xf32>
      %mul3A_771 = arith.mulf %get3A_769, %mul3A_770 : vector<16xf32>
      %add3A_772 = arith.addf %add3A_698, %mul3A_771 : vector<16xf32>
      %add3A_773 = arith.constant 1 : i32
      %add3A_774 = arith.addi %mul3A_668, %add3A_773 : i32
      %get3A_775 = arith.index_cast %add3A_774 : i32 to index
      %get3A_776 = arith.constant 48 : index
      %get3A_777 = tpu.vector_load %arg6[%get3A_775, %get3A_776] {strides = array<i32>} : memref<784x128xf32, #tpu.memory_space<vmem>>, vector<1x16xf32>,
      %get3A_778 = vector.shape_cast %get3A_777 : vector<1x16xf32> to vector<16xf32>
      %mul3A_779 = vector.broadcast %squeeze3A_745 : f32 to vector<16xf32>
      %mul3A_780 = arith.mulf %get3A_778, %mul3A_779 : vector<16xf32>
      %add3A_781 = arith.addf %add3A_707, %mul3A_780 : vector<16xf32>
      %add3A_782 = arith.constant 1 : i32
      %add3A_783 = arith.addi %mul3A_668, %add3A_782 : i32
      %get3A_784 = arith.index_cast %add3A_783 : i32 to index
      %get3A_785 = arith.constant 64 : index
      %get3A_786 = tpu.vector_load %arg6[%get3A_784, %get3A_785] {strides = array<i32>} : memref<784x128xf32, #tpu.memory_space<vmem>>, vector<1x16xf32>,
      %get3A_787 = vector.shape_cast %get3A_786 : vector<1x16xf32> to vector<16xf32>
      %mul3A_788 = vector.broadcast %squeeze3A_745 : f32 to vector<16xf32>
      %mul3A_789 = arith.mulf %get3A_787, %mul3A_788 : vector<16xf32>
      %add3A_790 = arith.addf %add3A_716, %mul3A_789 : vector<16xf32>
      %add3A_791 = arith.constant 1 : i32
      %add3A_792 = arith.addi %mul3A_668, %add3A_791 : i32
      %get3A_793 = arith.index_cast %add3A_792 : i32 to index
      %get3A_794 = arith.constant 80 : index
      %get3A_795 = tpu.vector_load %arg6[%get3A_793, %get3A_794] {strides = array<i32>} : memref<784x128xf32, #tpu.memory_space<vmem>>, vector<1x16xf32>,
      %get3A_796 = vector.shape_cast %get3A_795 : vector<1x16xf32> to vector<16xf32>
      %mul3A_797 = vector.broadcast %squeeze3A_745 : f32 to vector<16xf32>
      %mul3A_798 = arith.mulf %get3A_796, %mul3A_797 : vector<16xf32>
      %add3A_799 = arith.addf %add3A_725, %mul3A_798 : vector<16xf32>
      %add3A_800 = arith.constant 1 : i32
      %add3A_801 = arith.addi %mul3A_668, %add3A_800 : i32
      %get3A_802 = arith.index_cast %add3A_801 : i32 to index
      %get3A_803 = arith.constant 96 : index
      %get3A_804 = tpu.vector_load %arg6[%get3A_802, %get3A_803] {strides = array<i32>} : memref<784x128xf32, #tpu.memory_space<vmem>>, vector<1x16xf32>,
      %get3A_805 = vector.shape_cast %get3A_804 : vector<1x16xf32> to vector<16xf32>
      %mul3A_806 = vector.broadcast %squeeze3A_745 : f32 to vector<16xf32>
      %mul3A_807 = arith.mulf %get3A_805, %mul3A_806 : vector<16xf32>
      %add3A_808 = arith.addf %add3A_734, %mul3A_807 : vector<16xf32>
      %add3A_809 = arith.constant 1 : i32
      %add3A_810 = arith.addi %mul3A_668, %add3A_809 : i32
      %get3A_811 = arith.index_cast %add3A_810 : i32 to index
      %get3A_812 = arith.constant 112 : index
      %get3A_813 = tpu.vector_load %arg6[%get3A_811, %get3A_812] {strides = array<i32>} : memref<784x128xf32, #tpu.memory_space<vmem>>, vector<1x16xf32>,
      %get3A_814 = vector.shape_cast %get3A_813 : vector<1x16xf32> to vector<16xf32>
      %mul3A_815 = vector.broadcast %squeeze3A_745 : f32 to vector<16xf32>
      %mul3A_816 = arith.mulf %get3A_814, %mul3A_815 : vector<16xf32>
      %add3A_817 = arith.addf %add3A_743, %mul3A_816 : vector<16xf32>
      %slice3A_818 = vector.extract_strided_slice %get3A_671 {offsets = [2], sizes = [1], strides = [1]} : vector<16xf32> to vector<1xf32>
      %squeeze3A_819 = vector.extract %slice3A_818[0] : f32 from vector<1xf32>
      %add3A_820 = arith.constant 2 : i32
      %add3A_821 = arith.addi %mul3A_668, %add3A_820 : i32
      %get3A_822 = arith.index_cast %add3A_821 : i32 to index
      %get3A_823 = arith.constant 0 : index
      %get3A_824 = tpu.vector_load %arg6[%get3A_822, %get3A_823] {strides = array<i32>} : memref<784x128xf32, #tpu.memory_space<vmem>>, vector<1x16xf32>,
      %get3A_825 = vector.shape_cast %get3A_824 : vector<1x16xf32> to vector<16xf32>
      %mul3A_826 = vector.broadcast %squeeze3A_819 : f32 to vector<16xf32>
      %mul3A_827 = arith.mulf %get3A_825, %mul3A_826 : vector<16xf32>
      %add3A_828 = arith.addf %add3A_754, %mul3A_827 : vector<16xf32>
      %add3A_829 = arith.constant 2 : i32
      %add3A_830 = arith.addi %mul3A_668, %add3A_829 : i32
      %get3A_831 = arith.index_cast %add3A_830 : i32 to index
      %get3A_832 = arith.constant 16 : index
      %get3A_833 = tpu.vector_load %arg6[%get3A_831, %get3A_832] {strides = array<i32>} : memref<784x128xf32, #tpu.memory_space<vmem>>, vector<1x16xf32>,
      %get3A_834 = vector.shape_cast %get3A_833 : vector<1x16xf32> to vector<16xf32>
      %mul3A_835 = vector.broadcast %squeeze3A_819 : f32 to vector<16xf32>
      %mul3A_836 = arith.mulf %get3A_834, %mul3A_835 : vector<16xf32>
      %add3A_837 = arith.addf %add3A_763, %mul3A_836 : vector<16xf32>
      %add3A_838 = arith.constant 2 : i32
      %add3A_839 = arith.addi %mul3A_668, %add3A_838 : i32
      %get3A_840 = arith.index_cast %add3A_839 : i32 to index
      %get3A_841 = arith.constant 32 : index
      %get3A_842 = tpu.vector_load %arg6[%get3A_840, %get3A_841] {strides = array<i32>} : memref<784x128xf32, #tpu.memory_space<vmem>>, vector<1x16xf32>,
      %get3A_843 = vector.shape_cast %get3A_842 : vector<1x16xf32> to vector<16xf32>
      %mul3A_844 = vector.broadcast %squeeze3A_819 : f32 to vector<16xf32>
      %mul3A_845 = arith.mulf %get3A_843, %mul3A_844 : vector<16xf32>
      %add3A_846 = arith.addf %add3A_772, %mul3A_845 : vector<16xf32>
      %add3A_847 = arith.constant 2 : i32
      %add3A_848 = arith.addi %mul3A_668, %add3A_847 : i32
      %get3A_849 = arith.index_cast %add3A_848 : i32 to index
      %get3A_850 = arith.constant 48 : index
      %get3A_851 = tpu.vector_load %arg6[%get3A_849, %get3A_850] {strides = array<i32>} : memref<784x128xf32, #tpu.memory_space<vmem>>, vector<1x16xf32>,
      %get3A_852 = vector.shape_cast %get3A_851 : vector<1x16xf32> to vector<16xf32>
      %mul3A_853 = vector.broadcast %squeeze3A_819 : f32 to vector<16xf32>
      %mul3A_854 = arith.mulf %get3A_852, %mul3A_853 : vector<16xf32>
      %add3A_855 = arith.addf %add3A_781, %mul3A_854 : vector<16xf32>
      %add3A_856 = arith.constant 2 : i32
      %add3A_857 = arith.addi %mul3A_668, %add3A_856 : i32
      %get3A_858 = arith.index_cast %add3A_857 : i32 to index
      %get3A_859 = arith.constant 64 : index
      %get3A_860 = tpu.vector_load %arg6[%get3A_858, %get3A_859] {strides = array<i32>} : memref<784x128xf32, #tpu.memory_space<vmem>>, vector<1x16xf32>,
      %get3A_861 = vector.shape_cast %get3A_860 : vector<1x16xf32> to vector<16xf32>
      %mul3A_862 = vector.broadcast %squeeze3A_819 : f32 to vector<16xf32>
      %mul3A_863 = arith.mulf %get3A_861, %mul3A_862 : vector<16xf32>
      %add3A_864 = arith.addf %add3A_790, %mul3A_863 : vector<16xf32>
      %add3A_865 = arith.constant 2 : i32
      %add3A_866 = arith.addi %mul3A_668, %add3A_865 : i32
      %get3A_867 = arith.index_cast %add3A_866 : i32 to index
      %get3A_868 = arith.constant 80 : index
      %get3A_869 = tpu.vector_load %arg6[%get3A_867, %get3A_868] {strides = array<i32>} : memref<784x128xf32, #tpu.memory_space<vmem>>, vector<1x16xf32>,
      %get3A_870 = vector.shape_cast %get3A_869 : vector<1x16xf32> to vector<16xf32>
      %mul3A_871 = vector.broadcast %squeeze3A_819 : f32 to vector<16xf32>
      %mul3A_872 = arith.mulf %get3A_870, %mul3A_871 : vector<16xf32>
      %add3A_873 = arith.addf %add3A_799, %mul3A_872 : vector<16xf32>
      %add3A_874 = arith.constant 2 : i32
      %add3A_875 = arith.addi %mul3A_668, %add3A_874 : i32
      %get3A_876 = arith.index_cast %add3A_875 : i32 to index
      %get3A_877 = arith.constant 96 : index
      %get3A_878 = tpu.vector_load %arg6[%get3A_876, %get3A_877] {strides = array<i32>} : memref<784x128xf32, #tpu.memory_space<vmem>>, vector<1x16xf32>,
      %get3A_879 = vector.shape_cast %get3A_878 : vector<1x16xf32> to vector<16xf32>
      %mul3A_880 = vector.broadcast %squeeze3A_819 : f32 to vector<16xf32>
      %mul3A_881 = arith.mulf %get3A_879, %mul3A_880 : vector<16xf32>
      %add3A_882 = arith.addf %add3A_808, %mul3A_881 : vector<16xf32>
      %add3A_883 = arith.constant 2 : i32
      %add3A_884 = arith.addi %mul3A_668, %add3A_883 : i32
      %get3A_885 = arith.index_cast %add3A_884 : i32 to index
      %get3A_886 = arith.constant 112 : index
      %get3A_887 = tpu.vector_load %arg6[%get3A_885, %get3A_886] {strides = array<i32>} : memref<784x128xf32, #tpu.memory_space<vmem>>, vector<1x16xf32>,
      %get3A_888 = vector.shape_cast %get3A_887 : vector<1x16xf32> to vector<16xf32>
      %mul3A_889 = vector.broadcast %squeeze3A_819 : f32 to vector<16xf32>
      %mul3A_890 = arith.mulf %get3A_888, %mul3A_889 : vector<16xf32>
      %add3A_891 = arith.addf %add3A_817, %mul3A_890 : vector<16xf32>
      %slice3A_892 = vector.extract_strided_slice %get3A_671 {offsets = [3], sizes = [1], strides = [1]} : vector<16xf32> to vector<1xf32>
      %squeeze3A_893 = vector.extract %slice3A_892[0] : f32 from vector<1xf32>
      %add3A_894 = arith.constant 3 : i32
      %add3A_895 = arith.addi %mul3A_668, %add3A_894 : i32
      %get3A_896 = arith.index_cast %add3A_895 : i32 to index
      %get3A_897 = arith.constant 0 : index
      %get3A_898 = tpu.vector_load %arg6[%get3A_896, %get3A_897] {strides = array<i32>} : memref<784x128xf32, #tpu.memory_space<vmem>>, vector<1x16xf32>,
      %get3A_899 = vector.shape_cast %get3A_898 : vector<1x16xf32> to vector<16xf32>
      %mul3A_900 = vector.broadcast %squeeze3A_893 : f32 to vector<16xf32>
      %mul3A_901 = arith.mulf %get3A_899, %mul3A_900 : vector<16xf32>
      %add3A_902 = arith.addf %add3A_828, %mul3A_901 : vector<16xf32>
      %add3A_903 = arith.constant 3 : i32
      %add3A_904 = arith.addi %mul3A_668, %add3A_903 : i32
      %get3A_905 = arith.index_cast %add3A_904 : i32 to index
      %get3A_906 = arith.constant 16 : index
      %get3A_907 = tpu.vector_load %arg6[%get3A_905, %get3A_906] {strides = array<i32>} : memref<784x128xf32, #tpu.memory_space<vmem>>, vector<1x16xf32>,
      %get3A_908 = vector.shape_cast %get3A_907 : vector<1x16xf32> to vector<16xf32>
      %mul3A_909 = vector.broadcast %squeeze3A_893 : f32 to vector<16xf32>
      %mul3A_910 = arith.mulf %get3A_908, %mul3A_909 : vector<16xf32>
      %add3A_911 = arith.addf %add3A_837, %mul3A_910 : vector<16xf32>
      %add3A_912 = arith.constant 3 : i32
      %add3A_913 = arith.addi %mul3A_668, %add3A_912 : i32
      %get3A_914 = arith.index_cast %add3A_913 : i32 to index
      %get3A_915 = arith.constant 32 : index
      %get3A_916 = tpu.vector_load %arg6[%get3A_914, %get3A_915] {strides = array<i32>} : memref<784x128xf32, #tpu.memory_space<vmem>>, vector<1x16xf32>,
      %get3A_917 = vector.shape_cast %get3A_916 : vector<1x16xf32> to vector<16xf32>
      %mul3A_918 = vector.broadcast %squeeze3A_893 : f32 to vector<16xf32>
      %mul3A_919 = arith.mulf %get3A_917, %mul3A_918 : vector<16xf32>
      %add3A_920 = arith.addf %add3A_846, %mul3A_919 : vector<16xf32>
      %add3A_921 = arith.constant 3 : i32
      %add3A_922 = arith.addi %mul3A_668, %add3A_921 : i32
      %get3A_923 = arith.index_cast %add3A_922 : i32 to index
      %get3A_924 = arith.constant 48 : index
      %get3A_925 = tpu.vector_load %arg6[%get3A_923, %get3A_924] {strides = array<i32>} : memref<784x128xf32, #tpu.memory_space<vmem>>, vector<1x16xf32>,
      %get3A_926 = vector.shape_cast %get3A_925 : vector<1x16xf32> to vector<16xf32>
      %mul3A_927 = vector.broadcast %squeeze3A_893 : f32 to vector<16xf32>
      %mul3A_928 = arith.mulf %get3A_926, %mul3A_927 : vector<16xf32>
      %add3A_929 = arith.addf %add3A_855, %mul3A_928 : vector<16xf32>
      %add3A_930 = arith.constant 3 : i32
      %add3A_931 = arith.addi %mul3A_668, %add3A_930 : i32
      %get3A_932 = arith.index_cast %add3A_931 : i32 to index
      %get3A_933 = arith.constant 64 : index
      %get3A_934 = tpu.vector_load %arg6[%get3A_932, %get3A_933] {strides = array<i32>} : memref<784x128xf32, #tpu.memory_space<vmem>>, vector<1x16xf32>,
      %get3A_935 = vector.shape_cast %get3A_934 : vector<1x16xf32> to vector<16xf32>
      %mul3A_936 = vector.broadcast %squeeze3A_893 : f32 to vector<16xf32>
      %mul3A_937 = arith.mulf %get3A_935, %mul3A_936 : vector<16xf32>
      %add3A_938 = arith.addf %add3A_864, %mul3A_937 : vector<16xf32>
      %add3A_939 = arith.constant 3 : i32
      %add3A_940 = arith.addi %mul3A_668, %add3A_939 : i32
      %get3A_941 = arith.index_cast %add3A_940 : i32 to index
      %get3A_942 = arith.constant 80 : index
      %get3A_943 = tpu.vector_load %arg6[%get3A_941, %get3A_942] {strides = array<i32>} : memref<784x128xf32, #tpu.memory_space<vmem>>, vector<1x16xf32>,
      %get3A_944 = vector.shape_cast %get3A_943 : vector<1x16xf32> to vector<16xf32>
      %mul3A_945 = vector.broadcast %squeeze3A_893 : f32 to vector<16xf32>
      %mul3A_946 = arith.mulf %get3A_944, %mul3A_945 : vector<16xf32>
      %add3A_947 = arith.addf %add3A_873, %mul3A_946 : vector<16xf32>
      %add3A_948 = arith.constant 3 : i32
      %add3A_949 = arith.addi %mul3A_668, %add3A_948 : i32
      %get3A_950 = arith.index_cast %add3A_949 : i32 to index
      %get3A_951 = arith.constant 96 : index
      %get3A_952 = tpu.vector_load %arg6[%get3A_950, %get3A_951] {strides = array<i32>} : memref<784x128xf32, #tpu.memory_space<vmem>>, vector<1x16xf32>,
      %get3A_953 = vector.shape_cast %get3A_952 : vector<1x16xf32> to vector<16xf32>
      %mul3A_954 = vector.broadcast %squeeze3A_893 : f32 to vector<16xf32>
      %mul3A_955 = arith.mulf %get3A_953, %mul3A_954 : vector<16xf32>
      %add3A_956 = arith.addf %add3A_882, %mul3A_955 : vector<16xf32>
      %add3A_957 = arith.constant 3 : i32
      %add3A_958 = arith.addi %mul3A_668, %add3A_957 : i32
      %get3A_959 = arith.index_cast %add3A_958 : i32 to index
      %get3A_960 = arith.constant 112 : index
      %get3A_961 = tpu.vector_load %arg6[%get3A_959, %get3A_960] {strides = array<i32>} : memref<784x128xf32, #tpu.memory_space<vmem>>, vector<1x16xf32>,
      %get3A_962 = vector.shape_cast %get3A_961 : vector<1x16xf32> to vector<16xf32>
      %mul3A_963 = vector.broadcast %squeeze3A_893 : f32 to vector<16xf32>
      %mul3A_964 = arith.mulf %get3A_962, %mul3A_963 : vector<16xf32>
      %add3A_965 = arith.addf %add3A_891, %mul3A_964 : vector<16xf32>
      %slice3A_966 = vector.extract_strided_slice %get3A_671 {offsets = [4], sizes = [1], strides = [1]} : vector<16xf32> to vector<1xf32>
      %squeeze3A_967 = vector.extract %slice3A_966[0] : f32 from vector<1xf32>
      %add3A_968 = arith.constant 4 : i32
      %add3A_969 = arith.addi %mul3A_668, %add3A_968 : i32
      %get3A_970 = arith.index_cast %add3A_969 : i32 to index
      %get3A_971 = arith.constant 0 : index
      %get3A_972 = tpu.vector_load %arg6[%get3A_970, %get3A_971] {strides = array<i32>} : memref<784x128xf32, #tpu.memory_space<vmem>>, vector<1x16xf32>,
      %get3A_973 = vector.shape_cast %get3A_972 : vector<1x16xf32> to vector<16xf32>
      %mul3A_974 = vector.broadcast %squeeze3A_967 : f32 to vector<16xf32>
      %mul3A_975 = arith.mulf %get3A_973, %mul3A_974 : vector<16xf32>
      %add3A_976 = arith.addf %add3A_902, %mul3A_975 : vector<16xf32>
      %add3A_977 = arith.constant 4 : i32
      %add3A_978 = arith.addi %mul3A_668, %add3A_977 : i32
      %get3A_979 = arith.index_cast %add3A_978 : i32 to index
      %get3A_980 = arith.constant 16 : index
      %get3A_981 = tpu.vector_load %arg6[%get3A_979, %get3A_980] {strides = array<i32>} : memref<784x128xf32, #tpu.memory_space<vmem>>, vector<1x16xf32>,
      %get3A_982 = vector.shape_cast %get3A_981 : vector<1x16xf32> to vector<16xf32>
      %mul3A_983 = vector.broadcast %squeeze3A_967 : f32 to vector<16xf32>
      %mul3A_984 = arith.mulf %get3A_982, %mul3A_983 : vector<16xf32>
      %add3A_985 = arith.addf %add3A_911, %mul3A_984 : vector<16xf32>
      %add3A_986 = arith.constant 4 : i32
      %add3A_987 = arith.addi %mul3A_668, %add3A_986 : i32
      %get3A_988 = arith.index_cast %add3A_987 : i32 to index
      %get3A_989 = arith.constant 32 : index
      %get3A_990 = tpu.vector_load %arg6[%get3A_988, %get3A_989] {strides = array<i32>} : memref<784x128xf32, #tpu.memory_space<vmem>>, vector<1x16xf32>,
      %get3A_991 = vector.shape_cast %get3A_990 : vector<1x16xf32> to vector<16xf32>
      %mul3A_992 = vector.broadcast %squeeze3A_967 : f32 to vector<16xf32>
      %mul3A_993 = arith.mulf %get3A_991, %mul3A_992 : vector<16xf32>
      %add3A_994 = arith.addf %add3A_920, %mul3A_993 : vector<16xf32>
      %add3A_995 = arith.constant 4 : i32
      %add3A_996 = arith.addi %mul3A_668, %add3A_995 : i32
      %get3A_997 = arith.index_cast %add3A_996 : i32 to index
      %get3A_998 = arith.constant 48 : index
      %get3A_999 = tpu.vector_load %arg6[%get3A_997, %get3A_998] {strides = array<i32>} : memref<784x128xf32, #tpu.memory_space<vmem>>, vector<1x16xf32>,
      %get3A_1000 = vector.shape_cast %get3A_999 : vector<1x16xf32> to vector<16xf32>
      %mul3A_1001 = vector.broadcast %squeeze3A_967 : f32 to vector<16xf32>
      %mul3A_1002 = arith.mulf %get3A_1000, %mul3A_1001 : vector<16xf32>
      %add3A_1003 = arith.addf %add3A_929, %mul3A_1002 : vector<16xf32>
      %add3A_1004 = arith.constant 4 : i32
      %add3A_1005 = arith.addi %mul3A_668, %add3A_1004 : i32
      %get3A_1006 = arith.index_cast %add3A_1005 : i32 to index
      %get3A_1007 = arith.constant 64 : index
      %get3A_1008 = tpu.vector_load %arg6[%get3A_1006, %get3A_1007] {strides = array<i32>} : memref<784x128xf32, #tpu.memory_space<vmem>>, vector<1x16xf32>,
      %get3A_1009 = vector.shape_cast %get3A_1008 : vector<1x16xf32> to vector<16xf32>
      %mul3A_1010 = vector.broadcast %squeeze3A_967 : f32 to vector<16xf32>
      %mul3A_1011 = arith.mulf %get3A_1009, %mul3A_1010 : vector<16xf32>
      %add3A_1012 = arith.addf %add3A_938, %mul3A_1011 : vector<16xf32>
      %add3A_1013 = arith.constant 4 : i32
      %add3A_1014 = arith.addi %mul3A_668, %add3A_1013 : i32
      %get3A_1015 = arith.index_cast %add3A_1014 : i32 to index
      %get3A_1016 = arith.constant 80 : index
      %get3A_1017 = tpu.vector_load %arg6[%get3A_1015, %get3A_1016] {strides = array<i32>} : memref<784x128xf32, #tpu.memory_space<vmem>>, vector<1x16xf32>,
      %get3A_1018 = vector.shape_cast %get3A_1017 : vector<1x16xf32> to vector<16xf32>
      %mul3A_1019 = vector.broadcast %squeeze3A_967 : f32 to vector<16xf32>
      %mul3A_1020 = arith.mulf %get3A_1018, %mul3A_1019 : vector<16xf32>
      %add3A_1021 = arith.addf %add3A_947, %mul3A_1020 : vector<16xf32>
      %add3A_1022 = arith.constant 4 : i32
      %add3A_1023 = arith.addi %mul3A_668, %add3A_1022 : i32
      %get3A_1024 = arith.index_cast %add3A_1023 : i32 to index
      %get3A_1025 = arith.constant 96 : index
      %get3A_1026 = tpu.vector_load %arg6[%get3A_1024, %get3A_1025] {strides = array<i32>} : memref<784x128xf32, #tpu.memory_space<vmem>>, vector<1x16xf32>,
      %get3A_1027 = vector.shape_cast %get3A_1026 : vector<1x16xf32> to vector<16xf32>
      %mul3A_1028 = vector.broadcast %squeeze3A_967 : f32 to vector<16xf32>
      %mul3A_1029 = arith.mulf %get3A_1027, %mul3A_1028 : vector<16xf32>
      %add3A_1030 = arith.addf %add3A_956, %mul3A_1029 : vector<16xf32>
      %add3A_1031 = arith.constant 4 : i32
      %add3A_1032 = arith.addi %mul3A_668, %add3A_1031 : i32
      %get3A_1033 = arith.index_cast %add3A_1032 : i32 to index
      %get3A_1034 = arith.constant 112 : index
      %get3A_1035 = tpu.vector_load %arg6[%get3A_1033, %get3A_1034] {strides = array<i32>} : memref<784x128xf32, #tpu.memory_space<vmem>>, vector<1x16xf32>,
      %get3A_1036 = vector.shape_cast %get3A_1035 : vector<1x16xf32> to vector<16xf32>
      %mul3A_1037 = vector.broadcast %squeeze3A_967 : f32 to vector<16xf32>
      %mul3A_1038 = arith.mulf %get3A_1036, %mul3A_1037 : vector<16xf32>
      %add3A_1039 = arith.addf %add3A_965, %mul3A_1038 : vector<16xf32>
      %slice3A_1040 = vector.extract_strided_slice %get3A_671 {offsets = [5], sizes = [1], strides = [1]} : vector<16xf32> to vector<1xf32>
      %squeeze3A_1041 = vector.extract %slice3A_1040[0] : f32 from vector<1xf32>
      %add3A_1042 = arith.constant 5 : i32
      %add3A_1043 = arith.addi %mul3A_668, %add3A_1042 : i32
      %get3A_1044 = arith.index_cast %add3A_1043 : i32 to index
      %get3A_1045 = arith.constant 0 : index
      %get3A_1046 = tpu.vector_load %arg6[%get3A_1044, %get3A_1045] {strides = array<i32>} : memref<784x128xf32, #tpu.memory_space<vmem>>, vector<1x16xf32>,
      %get3A_1047 = vector.shape_cast %get3A_1046 : vector<1x16xf32> to vector<16xf32>
      %mul3A_1048 = vector.broadcast %squeeze3A_1041 : f32 to vector<16xf32>
      %mul3A_1049 = arith.mulf %get3A_1047, %mul3A_1048 : vector<16xf32>
      %add3A_1050 = arith.addf %add3A_976, %mul3A_1049 : vector<16xf32>
      %add3A_1051 = arith.constant 5 : i32
      %add3A_1052 = arith.addi %mul3A_668, %add3A_1051 : i32
      %get3A_1053 = arith.index_cast %add3A_1052 : i32 to index
      %get3A_1054 = arith.constant 16 : index
      %get3A_1055 = tpu.vector_load %arg6[%get3A_1053, %get3A_1054] {strides = array<i32>} : memref<784x128xf32, #tpu.memory_space<vmem>>, vector<1x16xf32>,
      %get3A_1056 = vector.shape_cast %get3A_1055 : vector<1x16xf32> to vector<16xf32>
      %mul3A_1057 = vector.broadcast %squeeze3A_1041 : f32 to vector<16xf32>
      %mul3A_1058 = arith.mulf %get3A_1056, %mul3A_1057 : vector<16xf32>
      %add3A_1059 = arith.addf %add3A_985, %mul3A_1058 : vector<16xf32>
      %add3A_1060 = arith.constant 5 : i32
      %add3A_1061 = arith.addi %mul3A_668, %add3A_1060 : i32
      %get3A_1062 = arith.index_cast %add3A_1061 : i32 to index
      %get3A_1063 = arith.constant 32 : index
      %get3A_1064 = tpu.vector_load %arg6[%get3A_1062, %get3A_1063] {strides = array<i32>} : memref<784x128xf32, #tpu.memory_space<vmem>>, vector<1x16xf32>,
      %get3A_1065 = vector.shape_cast %get3A_1064 : vector<1x16xf32> to vector<16xf32>
      %mul3A_1066 = vector.broadcast %squeeze3A_1041 : f32 to vector<16xf32>
      %mul3A_1067 = arith.mulf %get3A_1065, %mul3A_1066 : vector<16xf32>
      %add3A_1068 = arith.addf %add3A_994, %mul3A_1067 : vector<16xf32>
      %add3A_1069 = arith.constant 5 : i32
      %add3A_1070 = arith.addi %mul3A_668, %add3A_1069 : i32
      %get3A_1071 = arith.index_cast %add3A_1070 : i32 to index
      %get3A_1072 = arith.constant 48 : index
      %get3A_1073 = tpu.vector_load %arg6[%get3A_1071, %get3A_1072] {strides = array<i32>} : memref<784x128xf32, #tpu.memory_space<vmem>>, vector<1x16xf32>,
      %get3A_1074 = vector.shape_cast %get3A_1073 : vector<1x16xf32> to vector<16xf32>
      %mul3A_1075 = vector.broadcast %squeeze3A_1041 : f32 to vector<16xf32>
      %mul3A_1076 = arith.mulf %get3A_1074, %mul3A_1075 : vector<16xf32>
      %add3A_1077 = arith.addf %add3A_1003, %mul3A_1076 : vector<16xf32>
      %add3A_1078 = arith.constant 5 : i32
      %add3A_1079 = arith.addi %mul3A_668, %add3A_1078 : i32
      %get3A_1080 = arith.index_cast %add3A_1079 : i32 to index
      %get3A_1081 = arith.constant 64 : index
      %get3A_1082 = tpu.vector_load %arg6[%get3A_1080, %get3A_1081] {strides = array<i32>} : memref<784x128xf32, #tpu.memory_space<vmem>>, vector<1x16xf32>,
      %get3A_1083 = vector.shape_cast %get3A_1082 : vector<1x16xf32> to vector<16xf32>
      %mul3A_1084 = vector.broadcast %squeeze3A_1041 : f32 to vector<16xf32>
      %mul3A_1085 = arith.mulf %get3A_1083, %mul3A_1084 : vector<16xf32>
      %add3A_1086 = arith.addf %add3A_1012, %mul3A_1085 : vector<16xf32>
      %add3A_1087 = arith.constant 5 : i32
      %add3A_1088 = arith.addi %mul3A_668, %add3A_1087 : i32
      %get3A_1089 = arith.index_cast %add3A_1088 : i32 to index
      %get3A_1090 = arith.constant 80 : index
      %get3A_1091 = tpu.vector_load %arg6[%get3A_1089, %get3A_1090] {strides = array<i32>} : memref<784x128xf32, #tpu.memory_space<vmem>>, vector<1x16xf32>,
      %get3A_1092 = vector.shape_cast %get3A_1091 : vector<1x16xf32> to vector<16xf32>
      %mul3A_1093 = vector.broadcast %squeeze3A_1041 : f32 to vector<16xf32>
      %mul3A_1094 = arith.mulf %get3A_1092, %mul3A_1093 : vector<16xf32>
      %add3A_1095 = arith.addf %add3A_1021, %mul3A_1094 : vector<16xf32>
      %add3A_1096 = arith.constant 5 : i32
      %add3A_1097 = arith.addi %mul3A_668, %add3A_1096 : i32
      %get3A_1098 = arith.index_cast %add3A_1097 : i32 to index
      %get3A_1099 = arith.constant 96 : index
      %get3A_1100 = tpu.vector_load %arg6[%get3A_1098, %get3A_1099] {strides = array<i32>} : memref<784x128xf32, #tpu.memory_space<vmem>>, vector<1x16xf32>,
      %get3A_1101 = vector.shape_cast %get3A_1100 : vector<1x16xf32> to vector<16xf32>
      %mul3A_1102 = vector.broadcast %squeeze3A_1041 : f32 to vector<16xf32>
      %mul3A_1103 = arith.mulf %get3A_1101, %mul3A_1102 : vector<16xf32>
      %add3A_1104 = arith.addf %add3A_1030, %mul3A_1103 : vector<16xf32>
      %add3A_1105 = arith.constant 5 : i32
      %add3A_1106 = arith.addi %mul3A_668, %add3A_1105 : i32
      %get3A_1107 = arith.index_cast %add3A_1106 : i32 to index
      %get3A_1108 = arith.constant 112 : index
      %get3A_1109 = tpu.vector_load %arg6[%get3A_1107, %get3A_1108] {strides = array<i32>} : memref<784x128xf32, #tpu.memory_space<vmem>>, vector<1x16xf32>,
      %get3A_1110 = vector.shape_cast %get3A_1109 : vector<1x16xf32> to vector<16xf32>
      %mul3A_1111 = vector.broadcast %squeeze3A_1041 : f32 to vector<16xf32>
      %mul3A_1112 = arith.mulf %get3A_1110, %mul3A_1111 : vector<16xf32>
      %add3A_1113 = arith.addf %add3A_1039, %mul3A_1112 : vector<16xf32>
      %slice3A_1114 = vector.extract_strided_slice %get3A_671 {offsets = [6], sizes = [1], strides = [1]} : vector<16xf32> to vector<1xf32>
      %squeeze3A_1115 = vector.extract %slice3A_1114[0] : f32 from vector<1xf32>
      %add3A_1116 = arith.constant 6 : i32
      %add3A_1117 = arith.addi %mul3A_668, %add3A_1116 : i32
      %get3A_1118 = arith.index_cast %add3A_1117 : i32 to index
      %get3A_1119 = arith.constant 0 : index
      %get3A_1120 = tpu.vector_load %arg6[%get3A_1118, %get3A_1119] {strides = array<i32>} : memref<784x128xf32, #tpu.memory_space<vmem>>, vector<1x16xf32>,
      %get3A_1121 = vector.shape_cast %get3A_1120 : vector<1x16xf32> to vector<16xf32>
      %mul3A_1122 = vector.broadcast %squeeze3A_1115 : f32 to vector<16xf32>
      %mul3A_1123 = arith.mulf %get3A_1121, %mul3A_1122 : vector<16xf32>
      %add3A_1124 = arith.addf %add3A_1050, %mul3A_1123 : vector<16xf32>
      %add3A_1125 = arith.constant 6 : i32
      %add3A_1126 = arith.addi %mul3A_668, %add3A_1125 : i32
      %get3A_1127 = arith.index_cast %add3A_1126 : i32 to index
      %get3A_1128 = arith.constant 16 : index
      %get3A_1129 = tpu.vector_load %arg6[%get3A_1127, %get3A_1128] {strides = array<i32>} : memref<784x128xf32, #tpu.memory_space<vmem>>, vector<1x16xf32>,
      %get3A_1130 = vector.shape_cast %get3A_1129 : vector<1x16xf32> to vector<16xf32>
      %mul3A_1131 = vector.broadcast %squeeze3A_1115 : f32 to vector<16xf32>
      %mul3A_1132 = arith.mulf %get3A_1130, %mul3A_1131 : vector<16xf32>
      %add3A_1133 = arith.addf %add3A_1059, %mul3A_1132 : vector<16xf32>
      %add3A_1134 = arith.constant 6 : i32
      %add3A_1135 = arith.addi %mul3A_668, %add3A_1134 : i32
      %get3A_1136 = arith.index_cast %add3A_1135 : i32 to index
      %get3A_1137 = arith.constant 32 : index
      %get3A_1138 = tpu.vector_load %arg6[%get3A_1136, %get3A_1137] {strides = array<i32>} : memref<784x128xf32, #tpu.memory_space<vmem>>, vector<1x16xf32>,
      %get3A_1139 = vector.shape_cast %get3A_1138 : vector<1x16xf32> to vector<16xf32>
      %mul3A_1140 = vector.broadcast %squeeze3A_1115 : f32 to vector<16xf32>
      %mul3A_1141 = arith.mulf %get3A_1139, %mul3A_1140 : vector<16xf32>
      %add3A_1142 = arith.addf %add3A_1068, %mul3A_1141 : vector<16xf32>
      %add3A_1143 = arith.constant 6 : i32
      %add3A_1144 = arith.addi %mul3A_668, %add3A_1143 : i32
      %get3A_1145 = arith.index_cast %add3A_1144 : i32 to index
      %get3A_1146 = arith.constant 48 : index
      %get3A_1147 = tpu.vector_load %arg6[%get3A_1145, %get3A_1146] {strides = array<i32>} : memref<784x128xf32, #tpu.memory_space<vmem>>, vector<1x16xf32>,
      %get3A_1148 = vector.shape_cast %get3A_1147 : vector<1x16xf32> to vector<16xf32>
      %mul3A_1149 = vector.broadcast %squeeze3A_1115 : f32 to vector<16xf32>
      %mul3A_1150 = arith.mulf %get3A_1148, %mul3A_1149 : vector<16xf32>
      %add3A_1151 = arith.addf %add3A_1077, %mul3A_1150 : vector<16xf32>
      %add3A_1152 = arith.constant 6 : i32
      %add3A_1153 = arith.addi %mul3A_668, %add3A_1152 : i32
      %get3A_1154 = arith.index_cast %add3A_1153 : i32 to index
      %get3A_1155 = arith.constant 64 : index
      %get3A_1156 = tpu.vector_load %arg6[%get3A_1154, %get3A_1155] {strides = array<i32>} : memref<784x128xf32, #tpu.memory_space<vmem>>, vector<1x16xf32>,
      %get3A_1157 = vector.shape_cast %get3A_1156 : vector<1x16xf32> to vector<16xf32>
      %mul3A_1158 = vector.broadcast %squeeze3A_1115 : f32 to vector<16xf32>
      %mul3A_1159 = arith.mulf %get3A_1157, %mul3A_1158 : vector<16xf32>
      %add3A_1160 = arith.addf %add3A_1086, %mul3A_1159 : vector<16xf32>
      %add3A_1161 = arith.constant 6 : i32
      %add3A_1162 = arith.addi %mul3A_668, %add3A_1161 : i32
      %get3A_1163 = arith.index_cast %add3A_1162 : i32 to index
      %get3A_1164 = arith.constant 80 : index
      %get3A_1165 = tpu.vector_load %arg6[%get3A_1163, %get3A_1164] {strides = array<i32>} : memref<784x128xf32, #tpu.memory_space<vmem>>, vector<1x16xf32>,
      %get3A_1166 = vector.shape_cast %get3A_1165 : vector<1x16xf32> to vector<16xf32>
      %mul3A_1167 = vector.broadcast %squeeze3A_1115 : f32 to vector<16xf32>
      %mul3A_1168 = arith.mulf %get3A_1166, %mul3A_1167 : vector<16xf32>
      %add3A_1169 = arith.addf %add3A_1095, %mul3A_1168 : vector<16xf32>
      %add3A_1170 = arith.constant 6 : i32
      %add3A_1171 = arith.addi %mul3A_668, %add3A_1170 : i32
      %get3A_1172 = arith.index_cast %add3A_1171 : i32 to index
      %get3A_1173 = arith.constant 96 : index
      %get3A_1174 = tpu.vector_load %arg6[%get3A_1172, %get3A_1173] {strides = array<i32>} : memref<784x128xf32, #tpu.memory_space<vmem>>, vector<1x16xf32>,
      %get3A_1175 = vector.shape_cast %get3A_1174 : vector<1x16xf32> to vector<16xf32>
      %mul3A_1176 = vector.broadcast %squeeze3A_1115 : f32 to vector<16xf32>
      %mul3A_1177 = arith.mulf %get3A_1175, %mul3A_1176 : vector<16xf32>
      %add3A_1178 = arith.addf %add3A_1104, %mul3A_1177 : vector<16xf32>
      %add3A_1179 = arith.constant 6 : i32
      %add3A_1180 = arith.addi %mul3A_668, %add3A_1179 : i32
      %get3A_1181 = arith.index_cast %add3A_1180 : i32 to index
      %get3A_1182 = arith.constant 112 : index
      %get3A_1183 = tpu.vector_load %arg6[%get3A_1181, %get3A_1182] {strides = array<i32>} : memref<784x128xf32, #tpu.memory_space<vmem>>, vector<1x16xf32>,
      %get3A_1184 = vector.shape_cast %get3A_1183 : vector<1x16xf32> to vector<16xf32>
      %mul3A_1185 = vector.broadcast %squeeze3A_1115 : f32 to vector<16xf32>
      %mul3A_1186 = arith.mulf %get3A_1184, %mul3A_1185 : vector<16xf32>
      %add3A_1187 = arith.addf %add3A_1113, %mul3A_1186 : vector<16xf32>
      %slice3A_1188 = vector.extract_strided_slice %get3A_671 {offsets = [7], sizes = [1], strides = [1]} : vector<16xf32> to vector<1xf32>
      %squeeze3A_1189 = vector.extract %slice3A_1188[0] : f32 from vector<1xf32>
      %add3A_1190 = arith.constant 7 : i32
      %add3A_1191 = arith.addi %mul3A_668, %add3A_1190 : i32
      %get3A_1192 = arith.index_cast %add3A_1191 : i32 to index
      %get3A_1193 = arith.constant 0 : index
      %get3A_1194 = tpu.vector_load %arg6[%get3A_1192, %get3A_1193] {strides = array<i32>} : memref<784x128xf32, #tpu.memory_space<vmem>>, vector<1x16xf32>,
      %get3A_1195 = vector.shape_cast %get3A_1194 : vector<1x16xf32> to vector<16xf32>
      %mul3A_1196 = vector.broadcast %squeeze3A_1189 : f32 to vector<16xf32>
      %mul3A_1197 = arith.mulf %get3A_1195, %mul3A_1196 : vector<16xf32>
      %add3A_1198 = arith.addf %add3A_1124, %mul3A_1197 : vector<16xf32>
      %add3A_1199 = arith.constant 7 : i32
      %add3A_1200 = arith.addi %mul3A_668, %add3A_1199 : i32
      %get3A_1201 = arith.index_cast %add3A_1200 : i32 to index
      %get3A_1202 = arith.constant 16 : index
      %get3A_1203 = tpu.vector_load %arg6[%get3A_1201, %get3A_1202] {strides = array<i32>} : memref<784x128xf32, #tpu.memory_space<vmem>>, vector<1x16xf32>,
      %get3A_1204 = vector.shape_cast %get3A_1203 : vector<1x16xf32> to vector<16xf32>
      %mul3A_1205 = vector.broadcast %squeeze3A_1189 : f32 to vector<16xf32>
      %mul3A_1206 = arith.mulf %get3A_1204, %mul3A_1205 : vector<16xf32>
      %add3A_1207 = arith.addf %add3A_1133, %mul3A_1206 : vector<16xf32>
      %add3A_1208 = arith.constant 7 : i32
      %add3A_1209 = arith.addi %mul3A_668, %add3A_1208 : i32
      %get3A_1210 = arith.index_cast %add3A_1209 : i32 to index
      %get3A_1211 = arith.constant 32 : index
      %get3A_1212 = tpu.vector_load %arg6[%get3A_1210, %get3A_1211] {strides = array<i32>} : memref<784x128xf32, #tpu.memory_space<vmem>>, vector<1x16xf32>,
      %get3A_1213 = vector.shape_cast %get3A_1212 : vector<1x16xf32> to vector<16xf32>
      %mul3A_1214 = vector.broadcast %squeeze3A_1189 : f32 to vector<16xf32>
      %mul3A_1215 = arith.mulf %get3A_1213, %mul3A_1214 : vector<16xf32>
      %add3A_1216 = arith.addf %add3A_1142, %mul3A_1215 : vector<16xf32>
      %add3A_1217 = arith.constant 7 : i32
      %add3A_1218 = arith.addi %mul3A_668, %add3A_1217 : i32
      %get3A_1219 = arith.index_cast %add3A_1218 : i32 to index
      %get3A_1220 = arith.constant 48 : index
      %get3A_1221 = tpu.vector_load %arg6[%get3A_1219, %get3A_1220] {strides = array<i32>} : memref<784x128xf32, #tpu.memory_space<vmem>>, vector<1x16xf32>,
      %get3A_1222 = vector.shape_cast %get3A_1221 : vector<1x16xf32> to vector<16xf32>
      %mul3A_1223 = vector.broadcast %squeeze3A_1189 : f32 to vector<16xf32>
      %mul3A_1224 = arith.mulf %get3A_1222, %mul3A_1223 : vector<16xf32>
      %add3A_1225 = arith.addf %add3A_1151, %mul3A_1224 : vector<16xf32>
      %add3A_1226 = arith.constant 7 : i32
      %add3A_1227 = arith.addi %mul3A_668, %add3A_1226 : i32
      %get3A_1228 = arith.index_cast %add3A_1227 : i32 to index
      %get3A_1229 = arith.constant 64 : index
      %get3A_1230 = tpu.vector_load %arg6[%get3A_1228, %get3A_1229] {strides = array<i32>} : memref<784x128xf32, #tpu.memory_space<vmem>>, vector<1x16xf32>,
      %get3A_1231 = vector.shape_cast %get3A_1230 : vector<1x16xf32> to vector<16xf32>
      %mul3A_1232 = vector.broadcast %squeeze3A_1189 : f32 to vector<16xf32>
      %mul3A_1233 = arith.mulf %get3A_1231, %mul3A_1232 : vector<16xf32>
      %add3A_1234 = arith.addf %add3A_1160, %mul3A_1233 : vector<16xf32>
      %add3A_1235 = arith.constant 7 : i32
      %add3A_1236 = arith.addi %mul3A_668, %add3A_1235 : i32
      %get3A_1237 = arith.index_cast %add3A_1236 : i32 to index
      %get3A_1238 = arith.constant 80 : index
      %get3A_1239 = tpu.vector_load %arg6[%get3A_1237, %get3A_1238] {strides = array<i32>} : memref<784x128xf32, #tpu.memory_space<vmem>>, vector<1x16xf32>,
      %get3A_1240 = vector.shape_cast %get3A_1239 : vector<1x16xf32> to vector<16xf32>
      %mul3A_1241 = vector.broadcast %squeeze3A_1189 : f32 to vector<16xf32>
      %mul3A_1242 = arith.mulf %get3A_1240, %mul3A_1241 : vector<16xf32>
      %add3A_1243 = arith.addf %add3A_1169, %mul3A_1242 : vector<16xf32>
      %add3A_1244 = arith.constant 7 : i32
      %add3A_1245 = arith.addi %mul3A_668, %add3A_1244 : i32
      %get3A_1246 = arith.index_cast %add3A_1245 : i32 to index
      %get3A_1247 = arith.constant 96 : index
      %get3A_1248 = tpu.vector_load %arg6[%get3A_1246, %get3A_1247] {strides = array<i32>} : memref<784x128xf32, #tpu.memory_space<vmem>>, vector<1x16xf32>,
      %get3A_1249 = vector.shape_cast %get3A_1248 : vector<1x16xf32> to vector<16xf32>
      %mul3A_1250 = vector.broadcast %squeeze3A_1189 : f32 to vector<16xf32>
      %mul3A_1251 = arith.mulf %get3A_1249, %mul3A_1250 : vector<16xf32>
      %add3A_1252 = arith.addf %add3A_1178, %mul3A_1251 : vector<16xf32>
      %add3A_1253 = arith.constant 7 : i32
      %add3A_1254 = arith.addi %mul3A_668, %add3A_1253 : i32
      %get3A_1255 = arith.index_cast %add3A_1254 : i32 to index
      %get3A_1256 = arith.constant 112 : index
      %get3A_1257 = tpu.vector_load %arg6[%get3A_1255, %get3A_1256] {strides = array<i32>} : memref<784x128xf32, #tpu.memory_space<vmem>>, vector<1x16xf32>,
      %get3A_1258 = vector.shape_cast %get3A_1257 : vector<1x16xf32> to vector<16xf32>
      %mul3A_1259 = vector.broadcast %squeeze3A_1189 : f32 to vector<16xf32>
      %mul3A_1260 = arith.mulf %get3A_1258, %mul3A_1259 : vector<16xf32>
      %add3A_1261 = arith.addf %add3A_1187, %mul3A_1260 : vector<16xf32>
      %slice3A_1262 = vector.extract_strided_slice %get3A_671 {offsets = [8], sizes = [1], strides = [1]} : vector<16xf32> to vector<1xf32>
      %squeeze3A_1263 = vector.extract %slice3A_1262[0] : f32 from vector<1xf32>
      %add3A_1264 = arith.constant 8 : i32
      %add3A_1265 = arith.addi %mul3A_668, %add3A_1264 : i32
      %get3A_1266 = arith.index_cast %add3A_1265 : i32 to index
      %get3A_1267 = arith.constant 0 : index
      %get3A_1268 = tpu.vector_load %arg6[%get3A_1266, %get3A_1267] {strides = array<i32>} : memref<784x128xf32, #tpu.memory_space<vmem>>, vector<1x16xf32>,
      %get3A_1269 = vector.shape_cast %get3A_1268 : vector<1x16xf32> to vector<16xf32>
      %mul3A_1270 = vector.broadcast %squeeze3A_1263 : f32 to vector<16xf32>
      %mul3A_1271 = arith.mulf %get3A_1269, %mul3A_1270 : vector<16xf32>
      %add3A_1272 = arith.addf %add3A_1198, %mul3A_1271 : vector<16xf32>
      %add3A_1273 = arith.constant 8 : i32
      %add3A_1274 = arith.addi %mul3A_668, %add3A_1273 : i32
      %get3A_1275 = arith.index_cast %add3A_1274 : i32 to index
      %get3A_1276 = arith.constant 16 : index
      %get3A_1277 = tpu.vector_load %arg6[%get3A_1275, %get3A_1276] {strides = array<i32>} : memref<784x128xf32, #tpu.memory_space<vmem>>, vector<1x16xf32>,
      %get3A_1278 = vector.shape_cast %get3A_1277 : vector<1x16xf32> to vector<16xf32>
      %mul3A_1279 = vector.broadcast %squeeze3A_1263 : f32 to vector<16xf32>
      %mul3A_1280 = arith.mulf %get3A_1278, %mul3A_1279 : vector<16xf32>
      %add3A_1281 = arith.addf %add3A_1207, %mul3A_1280 : vector<16xf32>
      %add3A_1282 = arith.constant 8 : i32
      %add3A_1283 = arith.addi %mul3A_668, %add3A_1282 : i32
      %get3A_1284 = arith.index_cast %add3A_1283 : i32 to index
      %get3A_1285 = arith.constant 32 : index
      %get3A_1286 = tpu.vector_load %arg6[%get3A_1284, %get3A_1285] {strides = array<i32>} : memref<784x128xf32, #tpu.memory_space<vmem>>, vector<1x16xf32>,
      %get3A_1287 = vector.shape_cast %get3A_1286 : vector<1x16xf32> to vector<16xf32>
      %mul3A_1288 = vector.broadcast %squeeze3A_1263 : f32 to vector<16xf32>
      %mul3A_1289 = arith.mulf %get3A_1287, %mul3A_1288 : vector<16xf32>
      %add3A_1290 = arith.addf %add3A_1216, %mul3A_1289 : vector<16xf32>
      %add3A_1291 = arith.constant 8 : i32
      %add3A_1292 = arith.addi %mul3A_668, %add3A_1291 : i32
      %get3A_1293 = arith.index_cast %add3A_1292 : i32 to index
      %get3A_1294 = arith.constant 48 : index
      %get3A_1295 = tpu.vector_load %arg6[%get3A_1293, %get3A_1294] {strides = array<i32>} : memref<784x128xf32, #tpu.memory_space<vmem>>, vector<1x16xf32>,
      %get3A_1296 = vector.shape_cast %get3A_1295 : vector<1x16xf32> to vector<16xf32>
      %mul3A_1297 = vector.broadcast %squeeze3A_1263 : f32 to vector<16xf32>
      %mul3A_1298 = arith.mulf %get3A_1296, %mul3A_1297 : vector<16xf32>
      %add3A_1299 = arith.addf %add3A_1225, %mul3A_1298 : vector<16xf32>
      %add3A_1300 = arith.constant 8 : i32
      %add3A_1301 = arith.addi %mul3A_668, %add3A_1300 : i32
      %get3A_1302 = arith.index_cast %add3A_1301 : i32 to index
      %get3A_1303 = arith.constant 64 : index
      %get3A_1304 = tpu.vector_load %arg6[%get3A_1302, %get3A_1303] {strides = array<i32>} : memref<784x128xf32, #tpu.memory_space<vmem>>, vector<1x16xf32>,
      %get3A_1305 = vector.shape_cast %get3A_1304 : vector<1x16xf32> to vector<16xf32>
      %mul3A_1306 = vector.broadcast %squeeze3A_1263 : f32 to vector<16xf32>
      %mul3A_1307 = arith.mulf %get3A_1305, %mul3A_1306 : vector<16xf32>
      %add3A_1308 = arith.addf %add3A_1234, %mul3A_1307 : vector<16xf32>
      %add3A_1309 = arith.constant 8 : i32
      %add3A_1310 = arith.addi %mul3A_668, %add3A_1309 : i32
      %get3A_1311 = arith.index_cast %add3A_1310 : i32 to index
      %get3A_1312 = arith.constant 80 : index
      %get3A_1313 = tpu.vector_load %arg6[%get3A_1311, %get3A_1312] {strides = array<i32>} : memref<784x128xf32, #tpu.memory_space<vmem>>, vector<1x16xf32>,
      %get3A_1314 = vector.shape_cast %get3A_1313 : vector<1x16xf32> to vector<16xf32>
      %mul3A_1315 = vector.broadcast %squeeze3A_1263 : f32 to vector<16xf32>
      %mul3A_1316 = arith.mulf %get3A_1314, %mul3A_1315 : vector<16xf32>
      %add3A_1317 = arith.addf %add3A_1243, %mul3A_1316 : vector<16xf32>
      %add3A_1318 = arith.constant 8 : i32
      %add3A_1319 = arith.addi %mul3A_668, %add3A_1318 : i32
      %get3A_1320 = arith.index_cast %add3A_1319 : i32 to index
      %get3A_1321 = arith.constant 96 : index
      %get3A_1322 = tpu.vector_load %arg6[%get3A_1320, %get3A_1321] {strides = array<i32>} : memref<784x128xf32, #tpu.memory_space<vmem>>, vector<1x16xf32>,
      %get3A_1323 = vector.shape_cast %get3A_1322 : vector<1x16xf32> to vector<16xf32>
      %mul3A_1324 = vector.broadcast %squeeze3A_1263 : f32 to vector<16xf32>
      %mul3A_1325 = arith.mulf %get3A_1323, %mul3A_1324 : vector<16xf32>
      %add3A_1326 = arith.addf %add3A_1252, %mul3A_1325 : vector<16xf32>
      %add3A_1327 = arith.constant 8 : i32
      %add3A_1328 = arith.addi %mul3A_668, %add3A_1327 : i32
      %get3A_1329 = arith.index_cast %add3A_1328 : i32 to index
      %get3A_1330 = arith.constant 112 : index
      %get3A_1331 = tpu.vector_load %arg6[%get3A_1329, %get3A_1330] {strides = array<i32>} : memref<784x128xf32, #tpu.memory_space<vmem>>, vector<1x16xf32>,
      %get3A_1332 = vector.shape_cast %get3A_1331 : vector<1x16xf32> to vector<16xf32>
      %mul3A_1333 = vector.broadcast %squeeze3A_1263 : f32 to vector<16xf32>
      %mul3A_1334 = arith.mulf %get3A_1332, %mul3A_1333 : vector<16xf32>
      %add3A_1335 = arith.addf %add3A_1261, %mul3A_1334 : vector<16xf32>
      %slice3A_1336 = vector.extract_strided_slice %get3A_671 {offsets = [9], sizes = [1], strides = [1]} : vector<16xf32> to vector<1xf32>
      %squeeze3A_1337 = vector.extract %slice3A_1336[0] : f32 from vector<1xf32>
      %add3A_1338 = arith.constant 9 : i32
      %add3A_1339 = arith.addi %mul3A_668, %add3A_1338 : i32
      %get3A_1340 = arith.index_cast %add3A_1339 : i32 to index
      %get3A_1341 = arith.constant 0 : index
      %get3A_1342 = tpu.vector_load %arg6[%get3A_1340, %get3A_1341] {strides = array<i32>} : memref<784x128xf32, #tpu.memory_space<vmem>>, vector<1x16xf32>,
      %get3A_1343 = vector.shape_cast %get3A_1342 : vector<1x16xf32> to vector<16xf32>
      %mul3A_1344 = vector.broadcast %squeeze3A_1337 : f32 to vector<16xf32>
      %mul3A_1345 = arith.mulf %get3A_1343, %mul3A_1344 : vector<16xf32>
      %add3A_1346 = arith.addf %add3A_1272, %mul3A_1345 : vector<16xf32>
      %add3A_1347 = arith.constant 9 : i32
      %add3A_1348 = arith.addi %mul3A_668, %add3A_1347 : i32
      %get3A_1349 = arith.index_cast %add3A_1348 : i32 to index
      %get3A_1350 = arith.constant 16 : index
      %get3A_1351 = tpu.vector_load %arg6[%get3A_1349, %get3A_1350] {strides = array<i32>} : memref<784x128xf32, #tpu.memory_space<vmem>>, vector<1x16xf32>,
      %get3A_1352 = vector.shape_cast %get3A_1351 : vector<1x16xf32> to vector<16xf32>
      %mul3A_1353 = vector.broadcast %squeeze3A_1337 : f32 to vector<16xf32>
      %mul3A_1354 = arith.mulf %get3A_1352, %mul3A_1353 : vector<16xf32>
      %add3A_1355 = arith.addf %add3A_1281, %mul3A_1354 : vector<16xf32>
      %add3A_1356 = arith.constant 9 : i32
      %add3A_1357 = arith.addi %mul3A_668, %add3A_1356 : i32
      %get3A_1358 = arith.index_cast %add3A_1357 : i32 to index
      %get3A_1359 = arith.constant 32 : index
      %get3A_1360 = tpu.vector_load %arg6[%get3A_1358, %get3A_1359] {strides = array<i32>} : memref<784x128xf32, #tpu.memory_space<vmem>>, vector<1x16xf32>,
      %get3A_1361 = vector.shape_cast %get3A_1360 : vector<1x16xf32> to vector<16xf32>
      %mul3A_1362 = vector.broadcast %squeeze3A_1337 : f32 to vector<16xf32>
      %mul3A_1363 = arith.mulf %get3A_1361, %mul3A_1362 : vector<16xf32>
      %add3A_1364 = arith.addf %add3A_1290, %mul3A_1363 : vector<16xf32>
      %add3A_1365 = arith.constant 9 : i32
      %add3A_1366 = arith.addi %mul3A_668, %add3A_1365 : i32
      %get3A_1367 = arith.index_cast %add3A_1366 : i32 to index
      %get3A_1368 = arith.constant 48 : index
      %get3A_1369 = tpu.vector_load %arg6[%get3A_1367, %get3A_1368] {strides = array<i32>} : memref<784x128xf32, #tpu.memory_space<vmem>>, vector<1x16xf32>,
      %get3A_1370 = vector.shape_cast %get3A_1369 : vector<1x16xf32> to vector<16xf32>
      %mul3A_1371 = vector.broadcast %squeeze3A_1337 : f32 to vector<16xf32>
      %mul3A_1372 = arith.mulf %get3A_1370, %mul3A_1371 : vector<16xf32>
      %add3A_1373 = arith.addf %add3A_1299, %mul3A_1372 : vector<16xf32>
      %add3A_1374 = arith.constant 9 : i32
      %add3A_1375 = arith.addi %mul3A_668, %add3A_1374 : i32
      %get3A_1376 = arith.index_cast %add3A_1375 : i32 to index
      %get3A_1377 = arith.constant 64 : index
      %get3A_1378 = tpu.vector_load %arg6[%get3A_1376, %get3A_1377] {strides = array<i32>} : memref<784x128xf32, #tpu.memory_space<vmem>>, vector<1x16xf32>,
      %get3A_1379 = vector.shape_cast %get3A_1378 : vector<1x16xf32> to vector<16xf32>
      %mul3A_1380 = vector.broadcast %squeeze3A_1337 : f32 to vector<16xf32>
      %mul3A_1381 = arith.mulf %get3A_1379, %mul3A_1380 : vector<16xf32>
      %add3A_1382 = arith.addf %add3A_1308, %mul3A_1381 : vector<16xf32>
      %add3A_1383 = arith.constant 9 : i32
      %add3A_1384 = arith.addi %mul3A_668, %add3A_1383 : i32
      %get3A_1385 = arith.index_cast %add3A_1384 : i32 to index
      %get3A_1386 = arith.constant 80 : index
      %get3A_1387 = tpu.vector_load %arg6[%get3A_1385, %get3A_1386] {strides = array<i32>} : memref<784x128xf32, #tpu.memory_space<vmem>>, vector<1x16xf32>,
      %get3A_1388 = vector.shape_cast %get3A_1387 : vector<1x16xf32> to vector<16xf32>
      %mul3A_1389 = vector.broadcast %squeeze3A_1337 : f32 to vector<16xf32>
      %mul3A_1390 = arith.mulf %get3A_1388, %mul3A_1389 : vector<16xf32>
      %add3A_1391 = arith.addf %add3A_1317, %mul3A_1390 : vector<16xf32>
      %add3A_1392 = arith.constant 9 : i32
      %add3A_1393 = arith.addi %mul3A_668, %add3A_1392 : i32
      %get3A_1394 = arith.index_cast %add3A_1393 : i32 to index
      %get3A_1395 = arith.constant 96 : index
      %get3A_1396 = tpu.vector_load %arg6[%get3A_1394, %get3A_1395] {strides = array<i32>} : memref<784x128xf32, #tpu.memory_space<vmem>>, vector<1x16xf32>,
      %get3A_1397 = vector.shape_cast %get3A_1396 : vector<1x16xf32> to vector<16xf32>
      %mul3A_1398 = vector.broadcast %squeeze3A_1337 : f32 to vector<16xf32>
      %mul3A_1399 = arith.mulf %get3A_1397, %mul3A_1398 : vector<16xf32>
      %add3A_1400 = arith.addf %add3A_1326, %mul3A_1399 : vector<16xf32>
      %add3A_1401 = arith.constant 9 : i32
      %add3A_1402 = arith.addi %mul3A_668, %add3A_1401 : i32
      %get3A_1403 = arith.index_cast %add3A_1402 : i32 to index
      %get3A_1404 = arith.constant 112 : index
      %get3A_1405 = tpu.vector_load %arg6[%get3A_1403, %get3A_1404] {strides = array<i32>} : memref<784x128xf32, #tpu.memory_space<vmem>>, vector<1x16xf32>,
      %get3A_1406 = vector.shape_cast %get3A_1405 : vector<1x16xf32> to vector<16xf32>
      %mul3A_1407 = vector.broadcast %squeeze3A_1337 : f32 to vector<16xf32>
      %mul3A_1408 = arith.mulf %get3A_1406, %mul3A_1407 : vector<16xf32>
      %add3A_1409 = arith.addf %add3A_1335, %mul3A_1408 : vector<16xf32>
      %slice3A_1410 = vector.extract_strided_slice %get3A_671 {offsets = [10], sizes = [1], strides = [1]} : vector<16xf32> to vector<1xf32>
      %squeeze3A_1411 = vector.extract %slice3A_1410[0] : f32 from vector<1xf32>
      %add3A_1412 = arith.constant 10 : i32
      %add3A_1413 = arith.addi %mul3A_668, %add3A_1412 : i32
      %get3A_1414 = arith.index_cast %add3A_1413 : i32 to index
      %get3A_1415 = arith.constant 0 : index
      %get3A_1416 = tpu.vector_load %arg6[%get3A_1414, %get3A_1415] {strides = array<i32>} : memref<784x128xf32, #tpu.memory_space<vmem>>, vector<1x16xf32>,
      %get3A_1417 = vector.shape_cast %get3A_1416 : vector<1x16xf32> to vector<16xf32>
      %mul3A_1418 = vector.broadcast %squeeze3A_1411 : f32 to vector<16xf32>
      %mul3A_1419 = arith.mulf %get3A_1417, %mul3A_1418 : vector<16xf32>
      %add3A_1420 = arith.addf %add3A_1346, %mul3A_1419 : vector<16xf32>
      %add3A_1421 = arith.constant 10 : i32
      %add3A_1422 = arith.addi %mul3A_668, %add3A_1421 : i32
      %get3A_1423 = arith.index_cast %add3A_1422 : i32 to index
      %get3A_1424 = arith.constant 16 : index
      %get3A_1425 = tpu.vector_load %arg6[%get3A_1423, %get3A_1424] {strides = array<i32>} : memref<784x128xf32, #tpu.memory_space<vmem>>, vector<1x16xf32>,
      %get3A_1426 = vector.shape_cast %get3A_1425 : vector<1x16xf32> to vector<16xf32>
      %mul3A_1427 = vector.broadcast %squeeze3A_1411 : f32 to vector<16xf32>
      %mul3A_1428 = arith.mulf %get3A_1426, %mul3A_1427 : vector<16xf32>
      %add3A_1429 = arith.addf %add3A_1355, %mul3A_1428 : vector<16xf32>
      %add3A_1430 = arith.constant 10 : i32
      %add3A_1431 = arith.addi %mul3A_668, %add3A_1430 : i32
      %get3A_1432 = arith.index_cast %add3A_1431 : i32 to index
      %get3A_1433 = arith.constant 32 : index
      %get3A_1434 = tpu.vector_load %arg6[%get3A_1432, %get3A_1433] {strides = array<i32>} : memref<784x128xf32, #tpu.memory_space<vmem>>, vector<1x16xf32>,
      %get3A_1435 = vector.shape_cast %get3A_1434 : vector<1x16xf32> to vector<16xf32>
      %mul3A_1436 = vector.broadcast %squeeze3A_1411 : f32 to vector<16xf32>
      %mul3A_1437 = arith.mulf %get3A_1435, %mul3A_1436 : vector<16xf32>
      %add3A_1438 = arith.addf %add3A_1364, %mul3A_1437 : vector<16xf32>
      %add3A_1439 = arith.constant 10 : i32
      %add3A_1440 = arith.addi %mul3A_668, %add3A_1439 : i32
      %get3A_1441 = arith.index_cast %add3A_1440 : i32 to index
      %get3A_1442 = arith.constant 48 : index
      %get3A_1443 = tpu.vector_load %arg6[%get3A_1441, %get3A_1442] {strides = array<i32>} : memref<784x128xf32, #tpu.memory_space<vmem>>, vector<1x16xf32>,
      %get3A_1444 = vector.shape_cast %get3A_1443 : vector<1x16xf32> to vector<16xf32>
      %mul3A_1445 = vector.broadcast %squeeze3A_1411 : f32 to vector<16xf32>
      %mul3A_1446 = arith.mulf %get3A_1444, %mul3A_1445 : vector<16xf32>
      %add3A_1447 = arith.addf %add3A_1373, %mul3A_1446 : vector<16xf32>
      %add3A_1448 = arith.constant 10 : i32
      %add3A_1449 = arith.addi %mul3A_668, %add3A_1448 : i32
      %get3A_1450 = arith.index_cast %add3A_1449 : i32 to index
      %get3A_1451 = arith.constant 64 : index
      %get3A_1452 = tpu.vector_load %arg6[%get3A_1450, %get3A_1451] {strides = array<i32>} : memref<784x128xf32, #tpu.memory_space<vmem>>, vector<1x16xf32>,
      %get3A_1453 = vector.shape_cast %get3A_1452 : vector<1x16xf32> to vector<16xf32>
      %mul3A_1454 = vector.broadcast %squeeze3A_1411 : f32 to vector<16xf32>
      %mul3A_1455 = arith.mulf %get3A_1453, %mul3A_1454 : vector<16xf32>
      %add3A_1456 = arith.addf %add3A_1382, %mul3A_1455 : vector<16xf32>
      %add3A_1457 = arith.constant 10 : i32
      %add3A_1458 = arith.addi %mul3A_668, %add3A_1457 : i32
      %get3A_1459 = arith.index_cast %add3A_1458 : i32 to index
      %get3A_1460 = arith.constant 80 : index
      %get3A_1461 = tpu.vector_load %arg6[%get3A_1459, %get3A_1460] {strides = array<i32>} : memref<784x128xf32, #tpu.memory_space<vmem>>, vector<1x16xf32>,
      %get3A_1462 = vector.shape_cast %get3A_1461 : vector<1x16xf32> to vector<16xf32>
      %mul3A_1463 = vector.broadcast %squeeze3A_1411 : f32 to vector<16xf32>
      %mul3A_1464 = arith.mulf %get3A_1462, %mul3A_1463 : vector<16xf32>
      %add3A_1465 = arith.addf %add3A_1391, %mul3A_1464 : vector<16xf32>
      %add3A_1466 = arith.constant 10 : i32
      %add3A_1467 = arith.addi %mul3A_668, %add3A_1466 : i32
      %get3A_1468 = arith.index_cast %add3A_1467 : i32 to index
      %get3A_1469 = arith.constant 96 : index
      %get3A_1470 = tpu.vector_load %arg6[%get3A_1468, %get3A_1469] {strides = array<i32>} : memref<784x128xf32, #tpu.memory_space<vmem>>, vector<1x16xf32>,
      %get3A_1471 = vector.shape_cast %get3A_1470 : vector<1x16xf32> to vector<16xf32>
      %mul3A_1472 = vector.broadcast %squeeze3A_1411 : f32 to vector<16xf32>
      %mul3A_1473 = arith.mulf %get3A_1471, %mul3A_1472 : vector<16xf32>
      %add3A_1474 = arith.addf %add3A_1400, %mul3A_1473 : vector<16xf32>
      %add3A_1475 = arith.constant 10 : i32
      %add3A_1476 = arith.addi %mul3A_668, %add3A_1475 : i32
      %get3A_1477 = arith.index_cast %add3A_1476 : i32 to index
      %get3A_1478 = arith.constant 112 : index
      %get3A_1479 = tpu.vector_load %arg6[%get3A_1477, %get3A_1478] {strides = array<i32>} : memref<784x128xf32, #tpu.memory_space<vmem>>, vector<1x16xf32>,
      %get3A_1480 = vector.shape_cast %get3A_1479 : vector<1x16xf32> to vector<16xf32>
      %mul3A_1481 = vector.broadcast %squeeze3A_1411 : f32 to vector<16xf32>
      %mul3A_1482 = arith.mulf %get3A_1480, %mul3A_1481 : vector<16xf32>
      %add3A_1483 = arith.addf %add3A_1409, %mul3A_1482 : vector<16xf32>
      %slice3A_1484 = vector.extract_strided_slice %get3A_671 {offsets = [11], sizes = [1], strides = [1]} : vector<16xf32> to vector<1xf32>
      %squeeze3A_1485 = vector.extract %slice3A_1484[0] : f32 from vector<1xf32>
      %add3A_1486 = arith.constant 11 : i32
      %add3A_1487 = arith.addi %mul3A_668, %add3A_1486 : i32
      %get3A_1488 = arith.index_cast %add3A_1487 : i32 to index
      %get3A_1489 = arith.constant 0 : index
      %get3A_1490 = tpu.vector_load %arg6[%get3A_1488, %get3A_1489] {strides = array<i32>} : memref<784x128xf32, #tpu.memory_space<vmem>>, vector<1x16xf32>,
      %get3A_1491 = vector.shape_cast %get3A_1490 : vector<1x16xf32> to vector<16xf32>
      %mul3A_1492 = vector.broadcast %squeeze3A_1485 : f32 to vector<16xf32>
      %mul3A_1493 = arith.mulf %get3A_1491, %mul3A_1492 : vector<16xf32>
      %add3A_1494 = arith.addf %add3A_1420, %mul3A_1493 : vector<16xf32>
      %add3A_1495 = arith.constant 11 : i32
      %add3A_1496 = arith.addi %mul3A_668, %add3A_1495 : i32
      %get3A_1497 = arith.index_cast %add3A_1496 : i32 to index
      %get3A_1498 = arith.constant 16 : index
      %get3A_1499 = tpu.vector_load %arg6[%get3A_1497, %get3A_1498] {strides = array<i32>} : memref<784x128xf32, #tpu.memory_space<vmem>>, vector<1x16xf32>,
      %get3A_1500 = vector.shape_cast %get3A_1499 : vector<1x16xf32> to vector<16xf32>
      %mul3A_1501 = vector.broadcast %squeeze3A_1485 : f32 to vector<16xf32>
      %mul3A_1502 = arith.mulf %get3A_1500, %mul3A_1501 : vector<16xf32>
      %add3A_1503 = arith.addf %add3A_1429, %mul3A_1502 : vector<16xf32>
      %add3A_1504 = arith.constant 11 : i32
      %add3A_1505 = arith.addi %mul3A_668, %add3A_1504 : i32
      %get3A_1506 = arith.index_cast %add3A_1505 : i32 to index
      %get3A_1507 = arith.constant 32 : index
      %get3A_1508 = tpu.vector_load %arg6[%get3A_1506, %get3A_1507] {strides = array<i32>} : memref<784x128xf32, #tpu.memory_space<vmem>>, vector<1x16xf32>,
      %get3A_1509 = vector.shape_cast %get3A_1508 : vector<1x16xf32> to vector<16xf32>
      %mul3A_1510 = vector.broadcast %squeeze3A_1485 : f32 to vector<16xf32>
      %mul3A_1511 = arith.mulf %get3A_1509, %mul3A_1510 : vector<16xf32>
      %add3A_1512 = arith.addf %add3A_1438, %mul3A_1511 : vector<16xf32>
      %add3A_1513 = arith.constant 11 : i32
      %add3A_1514 = arith.addi %mul3A_668, %add3A_1513 : i32
      %get3A_1515 = arith.index_cast %add3A_1514 : i32 to index
      %get3A_1516 = arith.constant 48 : index
      %get3A_1517 = tpu.vector_load %arg6[%get3A_1515, %get3A_1516] {strides = array<i32>} : memref<784x128xf32, #tpu.memory_space<vmem>>, vector<1x16xf32>,
      %get3A_1518 = vector.shape_cast %get3A_1517 : vector<1x16xf32> to vector<16xf32>
      %mul3A_1519 = vector.broadcast %squeeze3A_1485 : f32 to vector<16xf32>
      %mul3A_1520 = arith.mulf %get3A_1518, %mul3A_1519 : vector<16xf32>
      %add3A_1521 = arith.addf %add3A_1447, %mul3A_1520 : vector<16xf32>
      %add3A_1522 = arith.constant 11 : i32
      %add3A_1523 = arith.addi %mul3A_668, %add3A_1522 : i32
      %get3A_1524 = arith.index_cast %add3A_1523 : i32 to index
      %get3A_1525 = arith.constant 64 : index
      %get3A_1526 = tpu.vector_load %arg6[%get3A_1524, %get3A_1525] {strides = array<i32>} : memref<784x128xf32, #tpu.memory_space<vmem>>, vector<1x16xf32>,
      %get3A_1527 = vector.shape_cast %get3A_1526 : vector<1x16xf32> to vector<16xf32>
      %mul3A_1528 = vector.broadcast %squeeze3A_1485 : f32 to vector<16xf32>
      %mul3A_1529 = arith.mulf %get3A_1527, %mul3A_1528 : vector<16xf32>
      %add3A_1530 = arith.addf %add3A_1456, %mul3A_1529 : vector<16xf32>
      %add3A_1531 = arith.constant 11 : i32
      %add3A_1532 = arith.addi %mul3A_668, %add3A_1531 : i32
      %get3A_1533 = arith.index_cast %add3A_1532 : i32 to index
      %get3A_1534 = arith.constant 80 : index
      %get3A_1535 = tpu.vector_load %arg6[%get3A_1533, %get3A_1534] {strides = array<i32>} : memref<784x128xf32, #tpu.memory_space<vmem>>, vector<1x16xf32>,
      %get3A_1536 = vector.shape_cast %get3A_1535 : vector<1x16xf32> to vector<16xf32>
      %mul3A_1537 = vector.broadcast %squeeze3A_1485 : f32 to vector<16xf32>
      %mul3A_1538 = arith.mulf %get3A_1536, %mul3A_1537 : vector<16xf32>
      %add3A_1539 = arith.addf %add3A_1465, %mul3A_1538 : vector<16xf32>
      %add3A_1540 = arith.constant 11 : i32
      %add3A_1541 = arith.addi %mul3A_668, %add3A_1540 : i32
      %get3A_1542 = arith.index_cast %add3A_1541 : i32 to index
      %get3A_1543 = arith.constant 96 : index
      %get3A_1544 = tpu.vector_load %arg6[%get3A_1542, %get3A_1543] {strides = array<i32>} : memref<784x128xf32, #tpu.memory_space<vmem>>, vector<1x16xf32>,
      %get3A_1545 = vector.shape_cast %get3A_1544 : vector<1x16xf32> to vector<16xf32>
      %mul3A_1546 = vector.broadcast %squeeze3A_1485 : f32 to vector<16xf32>
      %mul3A_1547 = arith.mulf %get3A_1545, %mul3A_1546 : vector<16xf32>
      %add3A_1548 = arith.addf %add3A_1474, %mul3A_1547 : vector<16xf32>
      %add3A_1549 = arith.constant 11 : i32
      %add3A_1550 = arith.addi %mul3A_668, %add3A_1549 : i32
      %get3A_1551 = arith.index_cast %add3A_1550 : i32 to index
      %get3A_1552 = arith.constant 112 : index
      %get3A_1553 = tpu.vector_load %arg6[%get3A_1551, %get3A_1552] {strides = array<i32>} : memref<784x128xf32, #tpu.memory_space<vmem>>, vector<1x16xf32>,
      %get3A_1554 = vector.shape_cast %get3A_1553 : vector<1x16xf32> to vector<16xf32>
      %mul3A_1555 = vector.broadcast %squeeze3A_1485 : f32 to vector<16xf32>
      %mul3A_1556 = arith.mulf %get3A_1554, %mul3A_1555 : vector<16xf32>
      %add3A_1557 = arith.addf %add3A_1483, %mul3A_1556 : vector<16xf32>
      %slice3A_1558 = vector.extract_strided_slice %get3A_671 {offsets = [12], sizes = [1], strides = [1]} : vector<16xf32> to vector<1xf32>
      %squeeze3A_1559 = vector.extract %slice3A_1558[0] : f32 from vector<1xf32>
      %add3A_1560 = arith.constant 12 : i32
      %add3A_1561 = arith.addi %mul3A_668, %add3A_1560 : i32
      %get3A_1562 = arith.index_cast %add3A_1561 : i32 to index
      %get3A_1563 = arith.constant 0 : index
      %get3A_1564 = tpu.vector_load %arg6[%get3A_1562, %get3A_1563] {strides = array<i32>} : memref<784x128xf32, #tpu.memory_space<vmem>>, vector<1x16xf32>,
      %get3A_1565 = vector.shape_cast %get3A_1564 : vector<1x16xf32> to vector<16xf32>
      %mul3A_1566 = vector.broadcast %squeeze3A_1559 : f32 to vector<16xf32>
      %mul3A_1567 = arith.mulf %get3A_1565, %mul3A_1566 : vector<16xf32>
      %add3A_1568 = arith.addf %add3A_1494, %mul3A_1567 : vector<16xf32>
      %add3A_1569 = arith.constant 12 : i32
      %add3A_1570 = arith.addi %mul3A_668, %add3A_1569 : i32
      %get3A_1571 = arith.index_cast %add3A_1570 : i32 to index
      %get3A_1572 = arith.constant 16 : index
      %get3A_1573 = tpu.vector_load %arg6[%get3A_1571, %get3A_1572] {strides = array<i32>} : memref<784x128xf32, #tpu.memory_space<vmem>>, vector<1x16xf32>,
      %get3A_1574 = vector.shape_cast %get3A_1573 : vector<1x16xf32> to vector<16xf32>
      %mul3A_1575 = vector.broadcast %squeeze3A_1559 : f32 to vector<16xf32>
      %mul3A_1576 = arith.mulf %get3A_1574, %mul3A_1575 : vector<16xf32>
      %add3A_1577 = arith.addf %add3A_1503, %mul3A_1576 : vector<16xf32>
      %add3A_1578 = arith.constant 12 : i32
      %add3A_1579 = arith.addi %mul3A_668, %add3A_1578 : i32
      %get3A_1580 = arith.index_cast %add3A_1579 : i32 to index
      %get3A_1581 = arith.constant 32 : index
      %get3A_1582 = tpu.vector_load %arg6[%get3A_1580, %get3A_1581] {strides = array<i32>} : memref<784x128xf32, #tpu.memory_space<vmem>>, vector<1x16xf32>,
      %get3A_1583 = vector.shape_cast %get3A_1582 : vector<1x16xf32> to vector<16xf32>
      %mul3A_1584 = vector.broadcast %squeeze3A_1559 : f32 to vector<16xf32>
      %mul3A_1585 = arith.mulf %get3A_1583, %mul3A_1584 : vector<16xf32>
      %add3A_1586 = arith.addf %add3A_1512, %mul3A_1585 : vector<16xf32>
      %add3A_1587 = arith.constant 12 : i32
      %add3A_1588 = arith.addi %mul3A_668, %add3A_1587 : i32
      %get3A_1589 = arith.index_cast %add3A_1588 : i32 to index
      %get3A_1590 = arith.constant 48 : index
      %get3A_1591 = tpu.vector_load %arg6[%get3A_1589, %get3A_1590] {strides = array<i32>} : memref<784x128xf32, #tpu.memory_space<vmem>>, vector<1x16xf32>,
      %get3A_1592 = vector.shape_cast %get3A_1591 : vector<1x16xf32> to vector<16xf32>
      %mul3A_1593 = vector.broadcast %squeeze3A_1559 : f32 to vector<16xf32>
      %mul3A_1594 = arith.mulf %get3A_1592, %mul3A_1593 : vector<16xf32>
      %add3A_1595 = arith.addf %add3A_1521, %mul3A_1594 : vector<16xf32>
      %add3A_1596 = arith.constant 12 : i32
      %add3A_1597 = arith.addi %mul3A_668, %add3A_1596 : i32
      %get3A_1598 = arith.index_cast %add3A_1597 : i32 to index
      %get3A_1599 = arith.constant 64 : index
      %get3A_1600 = tpu.vector_load %arg6[%get3A_1598, %get3A_1599] {strides = array<i32>} : memref<784x128xf32, #tpu.memory_space<vmem>>, vector<1x16xf32>,
      %get3A_1601 = vector.shape_cast %get3A_1600 : vector<1x16xf32> to vector<16xf32>
      %mul3A_1602 = vector.broadcast %squeeze3A_1559 : f32 to vector<16xf32>
      %mul3A_1603 = arith.mulf %get3A_1601, %mul3A_1602 : vector<16xf32>
      %add3A_1604 = arith.addf %add3A_1530, %mul3A_1603 : vector<16xf32>
      %add3A_1605 = arith.constant 12 : i32
      %add3A_1606 = arith.addi %mul3A_668, %add3A_1605 : i32
      %get3A_1607 = arith.index_cast %add3A_1606 : i32 to index
      %get3A_1608 = arith.constant 80 : index
      %get3A_1609 = tpu.vector_load %arg6[%get3A_1607, %get3A_1608] {strides = array<i32>} : memref<784x128xf32, #tpu.memory_space<vmem>>, vector<1x16xf32>,
      %get3A_1610 = vector.shape_cast %get3A_1609 : vector<1x16xf32> to vector<16xf32>
      %mul3A_1611 = vector.broadcast %squeeze3A_1559 : f32 to vector<16xf32>
      %mul3A_1612 = arith.mulf %get3A_1610, %mul3A_1611 : vector<16xf32>
      %add3A_1613 = arith.addf %add3A_1539, %mul3A_1612 : vector<16xf32>
      %add3A_1614 = arith.constant 12 : i32
      %add3A_1615 = arith.addi %mul3A_668, %add3A_1614 : i32
      %get3A_1616 = arith.index_cast %add3A_1615 : i32 to index
      %get3A_1617 = arith.constant 96 : index
      %get3A_1618 = tpu.vector_load %arg6[%get3A_1616, %get3A_1617] {strides = array<i32>} : memref<784x128xf32, #tpu.memory_space<vmem>>, vector<1x16xf32>,
      %get3A_1619 = vector.shape_cast %get3A_1618 : vector<1x16xf32> to vector<16xf32>
      %mul3A_1620 = vector.broadcast %squeeze3A_1559 : f32 to vector<16xf32>
      %mul3A_1621 = arith.mulf %get3A_1619, %mul3A_1620 : vector<16xf32>
      %add3A_1622 = arith.addf %add3A_1548, %mul3A_1621 : vector<16xf32>
      %add3A_1623 = arith.constant 12 : i32
      %add3A_1624 = arith.addi %mul3A_668, %add3A_1623 : i32
      %get3A_1625 = arith.index_cast %add3A_1624 : i32 to index
      %get3A_1626 = arith.constant 112 : index
      %get3A_1627 = tpu.vector_load %arg6[%get3A_1625, %get3A_1626] {strides = array<i32>} : memref<784x128xf32, #tpu.memory_space<vmem>>, vector<1x16xf32>,
      %get3A_1628 = vector.shape_cast %get3A_1627 : vector<1x16xf32> to vector<16xf32>
      %mul3A_1629 = vector.broadcast %squeeze3A_1559 : f32 to vector<16xf32>
      %mul3A_1630 = arith.mulf %get3A_1628, %mul3A_1629 : vector<16xf32>
      %add3A_1631 = arith.addf %add3A_1557, %mul3A_1630 : vector<16xf32>
      %slice3A_1632 = vector.extract_strided_slice %get3A_671 {offsets = [13], sizes = [1], strides = [1]} : vector<16xf32> to vector<1xf32>
      %squeeze3A_1633 = vector.extract %slice3A_1632[0] : f32 from vector<1xf32>
      %add3A_1634 = arith.constant 13 : i32
      %add3A_1635 = arith.addi %mul3A_668, %add3A_1634 : i32
      %get3A_1636 = arith.index_cast %add3A_1635 : i32 to index
      %get3A_1637 = arith.constant 0 : index
      %get3A_1638 = tpu.vector_load %arg6[%get3A_1636, %get3A_1637] {strides = array<i32>} : memref<784x128xf32, #tpu.memory_space<vmem>>, vector<1x16xf32>,
      %get3A_1639 = vector.shape_cast %get3A_1638 : vector<1x16xf32> to vector<16xf32>
      %mul3A_1640 = vector.broadcast %squeeze3A_1633 : f32 to vector<16xf32>
      %mul3A_1641 = arith.mulf %get3A_1639, %mul3A_1640 : vector<16xf32>
      %add3A_1642 = arith.addf %add3A_1568, %mul3A_1641 : vector<16xf32>
      %add3A_1643 = arith.constant 13 : i32
      %add3A_1644 = arith.addi %mul3A_668, %add3A_1643 : i32
      %get3A_1645 = arith.index_cast %add3A_1644 : i32 to index
      %get3A_1646 = arith.constant 16 : index
      %get3A_1647 = tpu.vector_load %arg6[%get3A_1645, %get3A_1646] {strides = array<i32>} : memref<784x128xf32, #tpu.memory_space<vmem>>, vector<1x16xf32>,
      %get3A_1648 = vector.shape_cast %get3A_1647 : vector<1x16xf32> to vector<16xf32>
      %mul3A_1649 = vector.broadcast %squeeze3A_1633 : f32 to vector<16xf32>
      %mul3A_1650 = arith.mulf %get3A_1648, %mul3A_1649 : vector<16xf32>
      %add3A_1651 = arith.addf %add3A_1577, %mul3A_1650 : vector<16xf32>
      %add3A_1652 = arith.constant 13 : i32
      %add3A_1653 = arith.addi %mul3A_668, %add3A_1652 : i32
      %get3A_1654 = arith.index_cast %add3A_1653 : i32 to index
      %get3A_1655 = arith.constant 32 : index
      %get3A_1656 = tpu.vector_load %arg6[%get3A_1654, %get3A_1655] {strides = array<i32>} : memref<784x128xf32, #tpu.memory_space<vmem>>, vector<1x16xf32>,
      %get3A_1657 = vector.shape_cast %get3A_1656 : vector<1x16xf32> to vector<16xf32>
      %mul3A_1658 = vector.broadcast %squeeze3A_1633 : f32 to vector<16xf32>
      %mul3A_1659 = arith.mulf %get3A_1657, %mul3A_1658 : vector<16xf32>
      %add3A_1660 = arith.addf %add3A_1586, %mul3A_1659 : vector<16xf32>
      %add3A_1661 = arith.constant 13 : i32
      %add3A_1662 = arith.addi %mul3A_668, %add3A_1661 : i32
      %get3A_1663 = arith.index_cast %add3A_1662 : i32 to index
      %get3A_1664 = arith.constant 48 : index
      %get3A_1665 = tpu.vector_load %arg6[%get3A_1663, %get3A_1664] {strides = array<i32>} : memref<784x128xf32, #tpu.memory_space<vmem>>, vector<1x16xf32>,
      %get3A_1666 = vector.shape_cast %get3A_1665 : vector<1x16xf32> to vector<16xf32>
      %mul3A_1667 = vector.broadcast %squeeze3A_1633 : f32 to vector<16xf32>
      %mul3A_1668 = arith.mulf %get3A_1666, %mul3A_1667 : vector<16xf32>
      %add3A_1669 = arith.addf %add3A_1595, %mul3A_1668 : vector<16xf32>
      %add3A_1670 = arith.constant 13 : i32
      %add3A_1671 = arith.addi %mul3A_668, %add3A_1670 : i32
      %get3A_1672 = arith.index_cast %add3A_1671 : i32 to index
      %get3A_1673 = arith.constant 64 : index
      %get3A_1674 = tpu.vector_load %arg6[%get3A_1672, %get3A_1673] {strides = array<i32>} : memref<784x128xf32, #tpu.memory_space<vmem>>, vector<1x16xf32>,
      %get3A_1675 = vector.shape_cast %get3A_1674 : vector<1x16xf32> to vector<16xf32>
      %mul3A_1676 = vector.broadcast %squeeze3A_1633 : f32 to vector<16xf32>
      %mul3A_1677 = arith.mulf %get3A_1675, %mul3A_1676 : vector<16xf32>
      %add3A_1678 = arith.addf %add3A_1604, %mul3A_1677 : vector<16xf32>
      %add3A_1679 = arith.constant 13 : i32
      %add3A_1680 = arith.addi %mul3A_668, %add3A_1679 : i32
      %get3A_1681 = arith.index_cast %add3A_1680 : i32 to index
      %get3A_1682 = arith.constant 80 : index
      %get3A_1683 = tpu.vector_load %arg6[%get3A_1681, %get3A_1682] {strides = array<i32>} : memref<784x128xf32, #tpu.memory_space<vmem>>, vector<1x16xf32>,
      %get3A_1684 = vector.shape_cast %get3A_1683 : vector<1x16xf32> to vector<16xf32>
      %mul3A_1685 = vector.broadcast %squeeze3A_1633 : f32 to vector<16xf32>
      %mul3A_1686 = arith.mulf %get3A_1684, %mul3A_1685 : vector<16xf32>
      %add3A_1687 = arith.addf %add3A_1613, %mul3A_1686 : vector<16xf32>
      %add3A_1688 = arith.constant 13 : i32
      %add3A_1689 = arith.addi %mul3A_668, %add3A_1688 : i32
      %get3A_1690 = arith.index_cast %add3A_1689 : i32 to index
      %get3A_1691 = arith.constant 96 : index
      %get3A_1692 = tpu.vector_load %arg6[%get3A_1690, %get3A_1691] {strides = array<i32>} : memref<784x128xf32, #tpu.memory_space<vmem>>, vector<1x16xf32>,
      %get3A_1693 = vector.shape_cast %get3A_1692 : vector<1x16xf32> to vector<16xf32>
      %mul3A_1694 = vector.broadcast %squeeze3A_1633 : f32 to vector<16xf32>
      %mul3A_1695 = arith.mulf %get3A_1693, %mul3A_1694 : vector<16xf32>
      %add3A_1696 = arith.addf %add3A_1622, %mul3A_1695 : vector<16xf32>
      %add3A_1697 = arith.constant 13 : i32
      %add3A_1698 = arith.addi %mul3A_668, %add3A_1697 : i32
      %get3A_1699 = arith.index_cast %add3A_1698 : i32 to index
      %get3A_1700 = arith.constant 112 : index
      %get3A_1701 = tpu.vector_load %arg6[%get3A_1699, %get3A_1700] {strides = array<i32>} : memref<784x128xf32, #tpu.memory_space<vmem>>, vector<1x16xf32>,
      %get3A_1702 = vector.shape_cast %get3A_1701 : vector<1x16xf32> to vector<16xf32>
      %mul3A_1703 = vector.broadcast %squeeze3A_1633 : f32 to vector<16xf32>
      %mul3A_1704 = arith.mulf %get3A_1702, %mul3A_1703 : vector<16xf32>
      %add3A_1705 = arith.addf %add3A_1631, %mul3A_1704 : vector<16xf32>
      %slice3A_1706 = vector.extract_strided_slice %get3A_671 {offsets = [14], sizes = [1], strides = [1]} : vector<16xf32> to vector<1xf32>
      %squeeze3A_1707 = vector.extract %slice3A_1706[0] : f32 from vector<1xf32>
      %add3A_1708 = arith.constant 14 : i32
      %add3A_1709 = arith.addi %mul3A_668, %add3A_1708 : i32
      %get3A_1710 = arith.index_cast %add3A_1709 : i32 to index
      %get3A_1711 = arith.constant 0 : index
      %get3A_1712 = tpu.vector_load %arg6[%get3A_1710, %get3A_1711] {strides = array<i32>} : memref<784x128xf32, #tpu.memory_space<vmem>>, vector<1x16xf32>,
      %get3A_1713 = vector.shape_cast %get3A_1712 : vector<1x16xf32> to vector<16xf32>
      %mul3A_1714 = vector.broadcast %squeeze3A_1707 : f32 to vector<16xf32>
      %mul3A_1715 = arith.mulf %get3A_1713, %mul3A_1714 : vector<16xf32>
      %add3A_1716 = arith.addf %add3A_1642, %mul3A_1715 : vector<16xf32>
      %add3A_1717 = arith.constant 14 : i32
      %add3A_1718 = arith.addi %mul3A_668, %add3A_1717 : i32
      %get3A_1719 = arith.index_cast %add3A_1718 : i32 to index
      %get3A_1720 = arith.constant 16 : index
      %get3A_1721 = tpu.vector_load %arg6[%get3A_1719, %get3A_1720] {strides = array<i32>} : memref<784x128xf32, #tpu.memory_space<vmem>>, vector<1x16xf32>,
      %get3A_1722 = vector.shape_cast %get3A_1721 : vector<1x16xf32> to vector<16xf32>
      %mul3A_1723 = vector.broadcast %squeeze3A_1707 : f32 to vector<16xf32>
      %mul3A_1724 = arith.mulf %get3A_1722, %mul3A_1723 : vector<16xf32>
      %add3A_1725 = arith.addf %add3A_1651, %mul3A_1724 : vector<16xf32>
      %add3A_1726 = arith.constant 14 : i32
      %add3A_1727 = arith.addi %mul3A_668, %add3A_1726 : i32
      %get3A_1728 = arith.index_cast %add3A_1727 : i32 to index
      %get3A_1729 = arith.constant 32 : index
      %get3A_1730 = tpu.vector_load %arg6[%get3A_1728, %get3A_1729] {strides = array<i32>} : memref<784x128xf32, #tpu.memory_space<vmem>>, vector<1x16xf32>,
      %get3A_1731 = vector.shape_cast %get3A_1730 : vector<1x16xf32> to vector<16xf32>
      %mul3A_1732 = vector.broadcast %squeeze3A_1707 : f32 to vector<16xf32>
      %mul3A_1733 = arith.mulf %get3A_1731, %mul3A_1732 : vector<16xf32>
      %add3A_1734 = arith.addf %add3A_1660, %mul3A_1733 : vector<16xf32>
      %add3A_1735 = arith.constant 14 : i32
      %add3A_1736 = arith.addi %mul3A_668, %add3A_1735 : i32
      %get3A_1737 = arith.index_cast %add3A_1736 : i32 to index
      %get3A_1738 = arith.constant 48 : index
      %get3A_1739 = tpu.vector_load %arg6[%get3A_1737, %get3A_1738] {strides = array<i32>} : memref<784x128xf32, #tpu.memory_space<vmem>>, vector<1x16xf32>,
      %get3A_1740 = vector.shape_cast %get3A_1739 : vector<1x16xf32> to vector<16xf32>
      %mul3A_1741 = vector.broadcast %squeeze3A_1707 : f32 to vector<16xf32>
      %mul3A_1742 = arith.mulf %get3A_1740, %mul3A_1741 : vector<16xf32>
      %add3A_1743 = arith.addf %add3A_1669, %mul3A_1742 : vector<16xf32>
      %add3A_1744 = arith.constant 14 : i32
      %add3A_1745 = arith.addi %mul3A_668, %add3A_1744 : i32
      %get3A_1746 = arith.index_cast %add3A_1745 : i32 to index
      %get3A_1747 = arith.constant 64 : index
      %get3A_1748 = tpu.vector_load %arg6[%get3A_1746, %get3A_1747] {strides = array<i32>} : memref<784x128xf32, #tpu.memory_space<vmem>>, vector<1x16xf32>,
      %get3A_1749 = vector.shape_cast %get3A_1748 : vector<1x16xf32> to vector<16xf32>
      %mul3A_1750 = vector.broadcast %squeeze3A_1707 : f32 to vector<16xf32>
      %mul3A_1751 = arith.mulf %get3A_1749, %mul3A_1750 : vector<16xf32>
      %add3A_1752 = arith.addf %add3A_1678, %mul3A_1751 : vector<16xf32>
      %add3A_1753 = arith.constant 14 : i32
      %add3A_1754 = arith.addi %mul3A_668, %add3A_1753 : i32
      %get3A_1755 = arith.index_cast %add3A_1754 : i32 to index
      %get3A_1756 = arith.constant 80 : index
      %get3A_1757 = tpu.vector_load %arg6[%get3A_1755, %get3A_1756] {strides = array<i32>} : memref<784x128xf32, #tpu.memory_space<vmem>>, vector<1x16xf32>,
      %get3A_1758 = vector.shape_cast %get3A_1757 : vector<1x16xf32> to vector<16xf32>
      %mul3A_1759 = vector.broadcast %squeeze3A_1707 : f32 to vector<16xf32>
      %mul3A_1760 = arith.mulf %get3A_1758, %mul3A_1759 : vector<16xf32>
      %add3A_1761 = arith.addf %add3A_1687, %mul3A_1760 : vector<16xf32>
      %add3A_1762 = arith.constant 14 : i32
      %add3A_1763 = arith.addi %mul3A_668, %add3A_1762 : i32
      %get3A_1764 = arith.index_cast %add3A_1763 : i32 to index
      %get3A_1765 = arith.constant 96 : index
      %get3A_1766 = tpu.vector_load %arg6[%get3A_1764, %get3A_1765] {strides = array<i32>} : memref<784x128xf32, #tpu.memory_space<vmem>>, vector<1x16xf32>,
      %get3A_1767 = vector.shape_cast %get3A_1766 : vector<1x16xf32> to vector<16xf32>
      %mul3A_1768 = vector.broadcast %squeeze3A_1707 : f32 to vector<16xf32>
      %mul3A_1769 = arith.mulf %get3A_1767, %mul3A_1768 : vector<16xf32>
      %add3A_1770 = arith.addf %add3A_1696, %mul3A_1769 : vector<16xf32>
      %add3A_1771 = arith.constant 14 : i32
      %add3A_1772 = arith.addi %mul3A_668, %add3A_1771 : i32
      %get3A_1773 = arith.index_cast %add3A_1772 : i32 to index
      %get3A_1774 = arith.constant 112 : index
      %get3A_1775 = tpu.vector_load %arg6[%get3A_1773, %get3A_1774] {strides = array<i32>} : memref<784x128xf32, #tpu.memory_space<vmem>>, vector<1x16xf32>,
      %get3A_1776 = vector.shape_cast %get3A_1775 : vector<1x16xf32> to vector<16xf32>
      %mul3A_1777 = vector.broadcast %squeeze3A_1707 : f32 to vector<16xf32>
      %mul3A_1778 = arith.mulf %get3A_1776, %mul3A_1777 : vector<16xf32>
      %add3A_1779 = arith.addf %add3A_1705, %mul3A_1778 : vector<16xf32>
      %slice3A_1780 = vector.extract_strided_slice %get3A_671 {offsets = [15], sizes = [1], strides = [1]} : vector<16xf32> to vector<1xf32>
      %squeeze3A_1781 = vector.extract %slice3A_1780[0] : f32 from vector<1xf32>
      %add3A_1782 = arith.constant 15 : i32
      %add3A_1783 = arith.addi %mul3A_668, %add3A_1782 : i32
      %get3A_1784 = arith.index_cast %add3A_1783 : i32 to index
      %get3A_1785 = arith.constant 0 : index
      %get3A_1786 = tpu.vector_load %arg6[%get3A_1784, %get3A_1785] {strides = array<i32>} : memref<784x128xf32, #tpu.memory_space<vmem>>, vector<1x16xf32>,
      %get3A_1787 = vector.shape_cast %get3A_1786 : vector<1x16xf32> to vector<16xf32>
      %mul3A_1788 = vector.broadcast %squeeze3A_1781 : f32 to vector<16xf32>
      %mul3A_1789 = arith.mulf %get3A_1787, %mul3A_1788 : vector<16xf32>
      %add3A_1790 = arith.addf %add3A_1716, %mul3A_1789 : vector<16xf32>
      %add3A_1791 = arith.constant 15 : i32
      %add3A_1792 = arith.addi %mul3A_668, %add3A_1791 : i32
      %get3A_1793 = arith.index_cast %add3A_1792 : i32 to index
      %get3A_1794 = arith.constant 16 : index
      %get3A_1795 = tpu.vector_load %arg6[%get3A_1793, %get3A_1794] {strides = array<i32>} : memref<784x128xf32, #tpu.memory_space<vmem>>, vector<1x16xf32>,
      %get3A_1796 = vector.shape_cast %get3A_1795 : vector<1x16xf32> to vector<16xf32>
      %mul3A_1797 = vector.broadcast %squeeze3A_1781 : f32 to vector<16xf32>
      %mul3A_1798 = arith.mulf %get3A_1796, %mul3A_1797 : vector<16xf32>
      %add3A_1799 = arith.addf %add3A_1725, %mul3A_1798 : vector<16xf32>
      %add3A_1800 = arith.constant 15 : i32
      %add3A_1801 = arith.addi %mul3A_668, %add3A_1800 : i32
      %get3A_1802 = arith.index_cast %add3A_1801 : i32 to index
      %get3A_1803 = arith.constant 32 : index
      %get3A_1804 = tpu.vector_load %arg6[%get3A_1802, %get3A_1803] {strides = array<i32>} : memref<784x128xf32, #tpu.memory_space<vmem>>, vector<1x16xf32>,
      %get3A_1805 = vector.shape_cast %get3A_1804 : vector<1x16xf32> to vector<16xf32>
      %mul3A_1806 = vector.broadcast %squeeze3A_1781 : f32 to vector<16xf32>
      %mul3A_1807 = arith.mulf %get3A_1805, %mul3A_1806 : vector<16xf32>
      %add3A_1808 = arith.addf %add3A_1734, %mul3A_1807 : vector<16xf32>
      %add3A_1809 = arith.constant 15 : i32
      %add3A_1810 = arith.addi %mul3A_668, %add3A_1809 : i32
      %get3A_1811 = arith.index_cast %add3A_1810 : i32 to index
      %get3A_1812 = arith.constant 48 : index
      %get3A_1813 = tpu.vector_load %arg6[%get3A_1811, %get3A_1812] {strides = array<i32>} : memref<784x128xf32, #tpu.memory_space<vmem>>, vector<1x16xf32>,
      %get3A_1814 = vector.shape_cast %get3A_1813 : vector<1x16xf32> to vector<16xf32>
      %mul3A_1815 = vector.broadcast %squeeze3A_1781 : f32 to vector<16xf32>
      %mul3A_1816 = arith.mulf %get3A_1814, %mul3A_1815 : vector<16xf32>
      %add3A_1817 = arith.addf %add3A_1743, %mul3A_1816 : vector<16xf32>
      %add3A_1818 = arith.constant 15 : i32
      %add3A_1819 = arith.addi %mul3A_668, %add3A_1818 : i32
      %get3A_1820 = arith.index_cast %add3A_1819 : i32 to index
      %get3A_1821 = arith.constant 64 : index
      %get3A_1822 = tpu.vector_load %arg6[%get3A_1820, %get3A_1821] {strides = array<i32>} : memref<784x128xf32, #tpu.memory_space<vmem>>, vector<1x16xf32>,
      %get3A_1823 = vector.shape_cast %get3A_1822 : vector<1x16xf32> to vector<16xf32>
      %mul3A_1824 = vector.broadcast %squeeze3A_1781 : f32 to vector<16xf32>
      %mul3A_1825 = arith.mulf %get3A_1823, %mul3A_1824 : vector<16xf32>
      %add3A_1826 = arith.addf %add3A_1752, %mul3A_1825 : vector<16xf32>
      %add3A_1827 = arith.constant 15 : i32
      %add3A_1828 = arith.addi %mul3A_668, %add3A_1827 : i32
      %get3A_1829 = arith.index_cast %add3A_1828 : i32 to index
      %get3A_1830 = arith.constant 80 : index
      %get3A_1831 = tpu.vector_load %arg6[%get3A_1829, %get3A_1830] {strides = array<i32>} : memref<784x128xf32, #tpu.memory_space<vmem>>, vector<1x16xf32>,
      %get3A_1832 = vector.shape_cast %get3A_1831 : vector<1x16xf32> to vector<16xf32>
      %mul3A_1833 = vector.broadcast %squeeze3A_1781 : f32 to vector<16xf32>
      %mul3A_1834 = arith.mulf %get3A_1832, %mul3A_1833 : vector<16xf32>
      %add3A_1835 = arith.addf %add3A_1761, %mul3A_1834 : vector<16xf32>
      %add3A_1836 = arith.constant 15 : i32
      %add3A_1837 = arith.addi %mul3A_668, %add3A_1836 : i32
      %get3A_1838 = arith.index_cast %add3A_1837 : i32 to index
      %get3A_1839 = arith.constant 96 : index
      %get3A_1840 = tpu.vector_load %arg6[%get3A_1838, %get3A_1839] {strides = array<i32>} : memref<784x128xf32, #tpu.memory_space<vmem>>, vector<1x16xf32>,
      %get3A_1841 = vector.shape_cast %get3A_1840 : vector<1x16xf32> to vector<16xf32>
      %mul3A_1842 = vector.broadcast %squeeze3A_1781 : f32 to vector<16xf32>
      %mul3A_1843 = arith.mulf %get3A_1841, %mul3A_1842 : vector<16xf32>
      %add3A_1844 = arith.addf %add3A_1770, %mul3A_1843 : vector<16xf32>
      %add3A_1845 = arith.constant 15 : i32
      %add3A_1846 = arith.addi %mul3A_668, %add3A_1845 : i32
      %get3A_1847 = arith.index_cast %add3A_1846 : i32 to index
      %get3A_1848 = arith.constant 112 : index
      %get3A_1849 = tpu.vector_load %arg6[%get3A_1847, %get3A_1848] {strides = array<i32>} : memref<784x128xf32, #tpu.memory_space<vmem>>, vector<1x16xf32>,
      %get3A_1850 = vector.shape_cast %get3A_1849 : vector<1x16xf32> to vector<16xf32>
      %mul3A_1851 = vector.broadcast %squeeze3A_1781 : f32 to vector<16xf32>
      %mul3A_1852 = arith.mulf %get3A_1850, %mul3A_1851 : vector<16xf32>
      %add3A_1853 = arith.addf %add3A_1779, %mul3A_1852 : vector<16xf32>
      scf.yield %add3A_1790, %add3A_1799, %add3A_1808, %add3A_1817, %add3A_1826, %add3A_1835, %add3A_1844, %add3A_1853 : vector<16xf32>, vector<16xf32>, vector<16xf32>, vector<16xf32>, vector<16xf32>, vector<16xf32>, vector<16xf32>, vector<16xf32>
    }
    %scan3A_16 = arith.constant 49 : i32
    %max3A = arith.constant 0.000000e+00 : f32
    %max3A_17 = vector.broadcast %max3A : f32 to vector<16xf32>
    %max3A_18 = arith.maximumf %scan3A_15#0, %max3A_17 : vector<16xf32>
    %max3A_19 = arith.constant 0.000000e+00 : f32
    %max3A_20 = vector.broadcast %max3A_19 : f32 to vector<16xf32>
    %max3A_21 = arith.maximumf %scan3A_15#1, %max3A_20 : vector<16xf32>
    %max3A_22 = arith.constant 0.000000e+00 : f32
    %max3A_23 = vector.broadcast %max3A_22 : f32 to vector<16xf32>
    %max3A_24 = arith.maximumf %scan3A_15#2, %max3A_23 : vector<16xf32>
    %max3A_25 = arith.constant 0.000000e+00 : f32
    %max3A_26 = vector.broadcast %max3A_25 : f32 to vector<16xf32>
    %max3A_27 = arith.maximumf %scan3A_15#3, %max3A_26 : vector<16xf32>
    %max3A_28 = arith.constant 0.000000e+00 : f32
    %max3A_29 = vector.broadcast %max3A_28 : f32 to vector<16xf32>
    %max3A_30 = arith.maximumf %scan3A_15#4, %max3A_29 : vector<16xf32>
    %max3A_31 = arith.constant 0.000000e+00 : f32
    %max3A_32 = vector.broadcast %max3A_31 : f32 to vector<16xf32>
    %max3A_33 = arith.maximumf %scan3A_15#5, %max3A_32 : vector<16xf32>
    %max3A_34 = arith.constant 0.000000e+00 : f32
    %max3A_35 = vector.broadcast %max3A_34 : f32 to vector<16xf32>
    %max3A_36 = arith.maximumf %scan3A_15#6, %max3A_35 : vector<16xf32>
    %max3A_37 = arith.constant 0.000000e+00 : f32
    %max3A_38 = vector.broadcast %max3A_37 : f32 to vector<16xf32>
    %max3A_39 = arith.maximumf %scan3A_15#7, %max3A_38 : vector<16xf32>
    %get3A = arith.constant 0 : i32
    %get3A_40 = arith.index_cast %get3A : i32 to index
    %get3A_41 = arith.constant 0 : index
    %get3A_42 = tpu.vector_load %arg8[%get3A_40, %get3A_41] {strides = array<i32>} : memref<10x128xf32, #tpu.memory_space<vmem>>, vector<1x16xf32>,
    %get3A_43 = vector.shape_cast %get3A_42 : vector<1x16xf32> to vector<16xf32>
    %mul3A_44 = arith.mulf %get3A_43, %max3A_18 : vector<16xf32>
    %add3A_45 = arith.addf %broadcast_in_dim3A_11, %mul3A_44 : vector<16xf32>
    %get3A_46 = arith.constant 0 : i32
    %get3A_47 = arith.index_cast %get3A_46 : i32 to index
    %get3A_48 = arith.constant 16 : index
    %get3A_49 = tpu.vector_load %arg8[%get3A_47, %get3A_48] {strides = array<i32>} : memref<10x128xf32, #tpu.memory_space<vmem>>, vector<1x16xf32>,
    %get3A_50 = vector.shape_cast %get3A_49 : vector<1x16xf32> to vector<16xf32>
    %mul3A_51 = arith.mulf %get3A_50, %max3A_21 : vector<16xf32>
    %add3A_52 = arith.addf %add3A_45, %mul3A_51 : vector<16xf32>
    %get3A_53 = arith.constant 0 : i32
    %get3A_54 = arith.index_cast %get3A_53 : i32 to index
    %get3A_55 = arith.constant 32 : index
    %get3A_56 = tpu.vector_load %arg8[%get3A_54, %get3A_55] {strides = array<i32>} : memref<10x128xf32, #tpu.memory_space<vmem>>, vector<1x16xf32>,
    %get3A_57 = vector.shape_cast %get3A_56 : vector<1x16xf32> to vector<16xf32>
    %mul3A_58 = arith.mulf %get3A_57, %max3A_24 : vector<16xf32>
    %add3A_59 = arith.addf %add3A_52, %mul3A_58 : vector<16xf32>
    %get3A_60 = arith.constant 0 : i32
    %get3A_61 = arith.index_cast %get3A_60 : i32 to index
    %get3A_62 = arith.constant 48 : index
    %get3A_63 = tpu.vector_load %arg8[%get3A_61, %get3A_62] {strides = array<i32>} : memref<10x128xf32, #tpu.memory_space<vmem>>, vector<1x16xf32>,
    %get3A_64 = vector.shape_cast %get3A_63 : vector<1x16xf32> to vector<16xf32>
    %mul3A_65 = arith.mulf %get3A_64, %max3A_27 : vector<16xf32>
    %add3A_66 = arith.addf %add3A_59, %mul3A_65 : vector<16xf32>
    %get3A_67 = arith.constant 0 : i32
    %get3A_68 = arith.index_cast %get3A_67 : i32 to index
    %get3A_69 = arith.constant 64 : index
    %get3A_70 = tpu.vector_load %arg8[%get3A_68, %get3A_69] {strides = array<i32>} : memref<10x128xf32, #tpu.memory_space<vmem>>, vector<1x16xf32>,
    %get3A_71 = vector.shape_cast %get3A_70 : vector<1x16xf32> to vector<16xf32>
    %mul3A_72 = arith.mulf %get3A_71, %max3A_30 : vector<16xf32>
    %add3A_73 = arith.addf %add3A_66, %mul3A_72 : vector<16xf32>
    %get3A_74 = arith.constant 0 : i32
    %get3A_75 = arith.index_cast %get3A_74 : i32 to index
    %get3A_76 = arith.constant 80 : index
    %get3A_77 = tpu.vector_load %arg8[%get3A_75, %get3A_76] {strides = array<i32>} : memref<10x128xf32, #tpu.memory_space<vmem>>, vector<1x16xf32>,
    %get3A_78 = vector.shape_cast %get3A_77 : vector<1x16xf32> to vector<16xf32>
    %mul3A_79 = arith.mulf %get3A_78, %max3A_33 : vector<16xf32>
    %add3A_80 = arith.addf %add3A_73, %mul3A_79 : vector<16xf32>
    %get3A_81 = arith.constant 0 : i32
    %get3A_82 = arith.index_cast %get3A_81 : i32 to index
    %get3A_83 = arith.constant 96 : index
    %get3A_84 = tpu.vector_load %arg8[%get3A_82, %get3A_83] {strides = array<i32>} : memref<10x128xf32, #tpu.memory_space<vmem>>, vector<1x16xf32>,
    %get3A_85 = vector.shape_cast %get3A_84 : vector<1x16xf32> to vector<16xf32>
    %mul3A_86 = arith.mulf %get3A_85, %max3A_36 : vector<16xf32>
    %add3A_87 = arith.addf %add3A_80, %mul3A_86 : vector<16xf32>
    %get3A_88 = arith.constant 0 : i32
    %get3A_89 = arith.index_cast %get3A_88 : i32 to index
    %get3A_90 = arith.constant 112 : index
    %get3A_91 = tpu.vector_load %arg8[%get3A_89, %get3A_90] {strides = array<i32>} : memref<10x128xf32, #tpu.memory_space<vmem>>, vector<1x16xf32>,
    %get3A_92 = vector.shape_cast %get3A_91 : vector<1x16xf32> to vector<16xf32>
    %mul3A_93 = arith.mulf %get3A_92, %max3A_39 : vector<16xf32>
    %add3A_94 = arith.addf %add3A_87, %mul3A_93 : vector<16xf32>
    %swap3A = arith.constant 0 : i32
    %swap3A_95 = arith.index_cast %swap3A : i32 to index
    %swap3A_96 = arith.constant 0 : index
    %swap3A_97 = tpu.vector_load %arg9[%swap3A_95, %swap3A_96] {strides = array<i32>} : memref<10x16xf32, #tpu.memory_space<vmem>>, vector<1x16xf32>,
    %swap3A_98 = vector.shape_cast %swap3A_97 : vector<1x16xf32> to vector<16xf32>
    %swap3A_99 = vector.shape_cast %add3A_94 : vector<16xf32> to vector<1x16xf32>
    tpu.vector_store %arg9[%swap3A_95, %swap3A_96], %swap3A_99 {strides = array<i32>} : memref<10x16xf32, #tpu.memory_space<vmem>>, vector<1x16xf32>,
    %get3A_100 = arith.constant 1 : i32
    %get3A_101 = arith.index_cast %get3A_100 : i32 to index
    %get3A_102 = arith.constant 0 : index
    %get3A_103 = tpu.vector_load %arg8[%get3A_101, %get3A_102] {strides = array<i32>} : memref<10x128xf32, #tpu.memory_space<vmem>>, vector<1x16xf32>,
    %get3A_104 = vector.shape_cast %get3A_103 : vector<1x16xf32> to vector<16xf32>
    %mul3A_105 = arith.mulf %get3A_104, %max3A_18 : vector<16xf32>
    %add3A_106 = arith.addf %broadcast_in_dim3A_11, %mul3A_105 : vector<16xf32>
    %get3A_107 = arith.constant 1 : i32
    %get3A_108 = arith.index_cast %get3A_107 : i32 to index
    %get3A_109 = arith.constant 16 : index
    %get3A_110 = tpu.vector_load %arg8[%get3A_108, %get3A_109] {strides = array<i32>} : memref<10x128xf32, #tpu.memory_space<vmem>>, vector<1x16xf32>,
    %get3A_111 = vector.shape_cast %get3A_110 : vector<1x16xf32> to vector<16xf32>
    %mul3A_112 = arith.mulf %get3A_111, %max3A_21 : vector<16xf32>
    %add3A_113 = arith.addf %add3A_106, %mul3A_112 : vector<16xf32>
    %get3A_114 = arith.constant 1 : i32
    %get3A_115 = arith.index_cast %get3A_114 : i32 to index
    %get3A_116 = arith.constant 32 : index
    %get3A_117 = tpu.vector_load %arg8[%get3A_115, %get3A_116] {strides = array<i32>} : memref<10x128xf32, #tpu.memory_space<vmem>>, vector<1x16xf32>,
    %get3A_118 = vector.shape_cast %get3A_117 : vector<1x16xf32> to vector<16xf32>
    %mul3A_119 = arith.mulf %get3A_118, %max3A_24 : vector<16xf32>
    %add3A_120 = arith.addf %add3A_113, %mul3A_119 : vector<16xf32>
    %get3A_121 = arith.constant 1 : i32
    %get3A_122 = arith.index_cast %get3A_121 : i32 to index
    %get3A_123 = arith.constant 48 : index
    %get3A_124 = tpu.vector_load %arg8[%get3A_122, %get3A_123] {strides = array<i32>} : memref<10x128xf32, #tpu.memory_space<vmem>>, vector<1x16xf32>,
    %get3A_125 = vector.shape_cast %get3A_124 : vector<1x16xf32> to vector<16xf32>
    %mul3A_126 = arith.mulf %get3A_125, %max3A_27 : vector<16xf32>
    %add3A_127 = arith.addf %add3A_120, %mul3A_126 : vector<16xf32>
    %get3A_128 = arith.constant 1 : i32
    %get3A_129 = arith.index_cast %get3A_128 : i32 to index
    %get3A_130 = arith.constant 64 : index
    %get3A_131 = tpu.vector_load %arg8[%get3A_129, %get3A_130] {strides = array<i32>} : memref<10x128xf32, #tpu.memory_space<vmem>>, vector<1x16xf32>,
    %get3A_132 = vector.shape_cast %get3A_131 : vector<1x16xf32> to vector<16xf32>
    %mul3A_133 = arith.mulf %get3A_132, %max3A_30 : vector<16xf32>
    %add3A_134 = arith.addf %add3A_127, %mul3A_133 : vector<16xf32>
    %get3A_135 = arith.constant 1 : i32
    %get3A_136 = arith.index_cast %get3A_135 : i32 to index
    %get3A_137 = arith.constant 80 : index
    %get3A_138 = tpu.vector_load %arg8[%get3A_136, %get3A_137] {strides = array<i32>} : memref<10x128xf32, #tpu.memory_space<vmem>>, vector<1x16xf32>,
    %get3A_139 = vector.shape_cast %get3A_138 : vector<1x16xf32> to vector<16xf32>
    %mul3A_140 = arith.mulf %get3A_139, %max3A_33 : vector<16xf32>
    %add3A_141 = arith.addf %add3A_134, %mul3A_140 : vector<16xf32>
    %get3A_142 = arith.constant 1 : i32
    %get3A_143 = arith.index_cast %get3A_142 : i32 to index
    %get3A_144 = arith.constant 96 : index
    %get3A_145 = tpu.vector_load %arg8[%get3A_143, %get3A_144] {strides = array<i32>} : memref<10x128xf32, #tpu.memory_space<vmem>>, vector<1x16xf32>,
    %get3A_146 = vector.shape_cast %get3A_145 : vector<1x16xf32> to vector<16xf32>
    %mul3A_147 = arith.mulf %get3A_146, %max3A_36 : vector<16xf32>
    %add3A_148 = arith.addf %add3A_141, %mul3A_147 : vector<16xf32>
    %get3A_149 = arith.constant 1 : i32
    %get3A_150 = arith.index_cast %get3A_149 : i32 to index
    %get3A_151 = arith.constant 112 : index
    %get3A_152 = tpu.vector_load %arg8[%get3A_150, %get3A_151] {strides = array<i32>} : memref<10x128xf32, #tpu.memory_space<vmem>>, vector<1x16xf32>,
    %get3A_153 = vector.shape_cast %get3A_152 : vector<1x16xf32> to vector<16xf32>
    %mul3A_154 = arith.mulf %get3A_153, %max3A_39 : vector<16xf32>
    %add3A_155 = arith.addf %add3A_148, %mul3A_154 : vector<16xf32>
    %swap3A_156 = arith.constant 1 : i32
    %swap3A_157 = arith.index_cast %swap3A_156 : i32 to index
    %swap3A_158 = arith.constant 0 : index
    %swap3A_159 = tpu.vector_load %arg9[%swap3A_157, %swap3A_158] {strides = array<i32>} : memref<10x16xf32, #tpu.memory_space<vmem>>, vector<1x16xf32>,
    %swap3A_160 = vector.shape_cast %swap3A_159 : vector<1x16xf32> to vector<16xf32>
    %swap3A_161 = vector.shape_cast %add3A_155 : vector<16xf32> to vector<1x16xf32>
    tpu.vector_store %arg9[%swap3A_157, %swap3A_158], %swap3A_161 {strides = array<i32>} : memref<10x16xf32, #tpu.memory_space<vmem>>, vector<1x16xf32>,
    %get3A_162 = arith.constant 2 : i32
    %get3A_163 = arith.index_cast %get3A_162 : i32 to index
    %get3A_164 = arith.constant 0 : index
    %get3A_165 = tpu.vector_load %arg8[%get3A_163, %get3A_164] {strides = array<i32>} : memref<10x128xf32, #tpu.memory_space<vmem>>, vector<1x16xf32>,
    %get3A_166 = vector.shape_cast %get3A_165 : vector<1x16xf32> to vector<16xf32>
    %mul3A_167 = arith.mulf %get3A_166, %max3A_18 : vector<16xf32>
    %add3A_168 = arith.addf %broadcast_in_dim3A_11, %mul3A_167 : vector<16xf32>
    %get3A_169 = arith.constant 2 : i32
    %get3A_170 = arith.index_cast %get3A_169 : i32 to index
    %get3A_171 = arith.constant 16 : index
    %get3A_172 = tpu.vector_load %arg8[%get3A_170, %get3A_171] {strides = array<i32>} : memref<10x128xf32, #tpu.memory_space<vmem>>, vector<1x16xf32>,
    %get3A_173 = vector.shape_cast %get3A_172 : vector<1x16xf32> to vector<16xf32>
    %mul3A_174 = arith.mulf %get3A_173, %max3A_21 : vector<16xf32>
    %add3A_175 = arith.addf %add3A_168, %mul3A_174 : vector<16xf32>
    %get3A_176 = arith.constant 2 : i32
    %get3A_177 = arith.index_cast %get3A_176 : i32 to index
    %get3A_178 = arith.constant 32 : index
    %get3A_179 = tpu.vector_load %arg8[%get3A_177, %get3A_178] {strides = array<i32>} : memref<10x128xf32, #tpu.memory_space<vmem>>, vector<1x16xf32>,
    %get3A_180 = vector.shape_cast %get3A_179 : vector<1x16xf32> to vector<16xf32>
    %mul3A_181 = arith.mulf %get3A_180, %max3A_24 : vector<16xf32>
    %add3A_182 = arith.addf %add3A_175, %mul3A_181 : vector<16xf32>
    %get3A_183 = arith.constant 2 : i32
    %get3A_184 = arith.index_cast %get3A_183 : i32 to index
    %get3A_185 = arith.constant 48 : index
    %get3A_186 = tpu.vector_load %arg8[%get3A_184, %get3A_185] {strides = array<i32>} : memref<10x128xf32, #tpu.memory_space<vmem>>, vector<1x16xf32>,
    %get3A_187 = vector.shape_cast %get3A_186 : vector<1x16xf32> to vector<16xf32>
    %mul3A_188 = arith.mulf %get3A_187, %max3A_27 : vector<16xf32>
    %add3A_189 = arith.addf %add3A_182, %mul3A_188 : vector<16xf32>
    %get3A_190 = arith.constant 2 : i32
    %get3A_191 = arith.index_cast %get3A_190 : i32 to index
    %get3A_192 = arith.constant 64 : index
    %get3A_193 = tpu.vector_load %arg8[%get3A_191, %get3A_192] {strides = array<i32>} : memref<10x128xf32, #tpu.memory_space<vmem>>, vector<1x16xf32>,
    %get3A_194 = vector.shape_cast %get3A_193 : vector<1x16xf32> to vector<16xf32>
    %mul3A_195 = arith.mulf %get3A_194, %max3A_30 : vector<16xf32>
    %add3A_196 = arith.addf %add3A_189, %mul3A_195 : vector<16xf32>
    %get3A_197 = arith.constant 2 : i32
    %get3A_198 = arith.index_cast %get3A_197 : i32 to index
    %get3A_199 = arith.constant 80 : index
    %get3A_200 = tpu.vector_load %arg8[%get3A_198, %get3A_199] {strides = array<i32>} : memref<10x128xf32, #tpu.memory_space<vmem>>, vector<1x16xf32>,
    %get3A_201 = vector.shape_cast %get3A_200 : vector<1x16xf32> to vector<16xf32>
    %mul3A_202 = arith.mulf %get3A_201, %max3A_33 : vector<16xf32>
    %add3A_203 = arith.addf %add3A_196, %mul3A_202 : vector<16xf32>
    %get3A_204 = arith.constant 2 : i32
    %get3A_205 = arith.index_cast %get3A_204 : i32 to index
    %get3A_206 = arith.constant 96 : index
    %get3A_207 = tpu.vector_load %arg8[%get3A_205, %get3A_206] {strides = array<i32>} : memref<10x128xf32, #tpu.memory_space<vmem>>, vector<1x16xf32>,
    %get3A_208 = vector.shape_cast %get3A_207 : vector<1x16xf32> to vector<16xf32>
    %mul3A_209 = arith.mulf %get3A_208, %max3A_36 : vector<16xf32>
    %add3A_210 = arith.addf %add3A_203, %mul3A_209 : vector<16xf32>
    %get3A_211 = arith.constant 2 : i32
    %get3A_212 = arith.index_cast %get3A_211 : i32 to index
    %get3A_213 = arith.constant 112 : index
    %get3A_214 = tpu.vector_load %arg8[%get3A_212, %get3A_213] {strides = array<i32>} : memref<10x128xf32, #tpu.memory_space<vmem>>, vector<1x16xf32>,
    %get3A_215 = vector.shape_cast %get3A_214 : vector<1x16xf32> to vector<16xf32>
    %mul3A_216 = arith.mulf %get3A_215, %max3A_39 : vector<16xf32>
    %add3A_217 = arith.addf %add3A_210, %mul3A_216 : vector<16xf32>
    %swap3A_218 = arith.constant 2 : i32
    %swap3A_219 = arith.index_cast %swap3A_218 : i32 to index
    %swap3A_220 = arith.constant 0 : index
    %swap3A_221 = tpu.vector_load %arg9[%swap3A_219, %swap3A_220] {strides = array<i32>} : memref<10x16xf32, #tpu.memory_space<vmem>>, vector<1x16xf32>,
    %swap3A_222 = vector.shape_cast %swap3A_221 : vector<1x16xf32> to vector<16xf32>
    %swap3A_223 = vector.shape_cast %add3A_217 : vector<16xf32> to vector<1x16xf32>
    tpu.vector_store %arg9[%swap3A_219, %swap3A_220], %swap3A_223 {strides = array<i32>} : memref<10x16xf32, #tpu.memory_space<vmem>>, vector<1x16xf32>,
    %get3A_224 = arith.constant 3 : i32
    %get3A_225 = arith.index_cast %get3A_224 : i32 to index
    %get3A_226 = arith.constant 0 : index
    %get3A_227 = tpu.vector_load %arg8[%get3A_225, %get3A_226] {strides = array<i32>} : memref<10x128xf32, #tpu.memory_space<vmem>>, vector<1x16xf32>,
    %get3A_228 = vector.shape_cast %get3A_227 : vector<1x16xf32> to vector<16xf32>
    %mul3A_229 = arith.mulf %get3A_228, %max3A_18 : vector<16xf32>
    %add3A_230 = arith.addf %broadcast_in_dim3A_11, %mul3A_229 : vector<16xf32>
    %get3A_231 = arith.constant 3 : i32
    %get3A_232 = arith.index_cast %get3A_231 : i32 to index
    %get3A_233 = arith.constant 16 : index
    %get3A_234 = tpu.vector_load %arg8[%get3A_232, %get3A_233] {strides = array<i32>} : memref<10x128xf32, #tpu.memory_space<vmem>>, vector<1x16xf32>,
    %get3A_235 = vector.shape_cast %get3A_234 : vector<1x16xf32> to vector<16xf32>
    %mul3A_236 = arith.mulf %get3A_235, %max3A_21 : vector<16xf32>
    %add3A_237 = arith.addf %add3A_230, %mul3A_236 : vector<16xf32>
    %get3A_238 = arith.constant 3 : i32
    %get3A_239 = arith.index_cast %get3A_238 : i32 to index
    %get3A_240 = arith.constant 32 : index
    %get3A_241 = tpu.vector_load %arg8[%get3A_239, %get3A_240] {strides = array<i32>} : memref<10x128xf32, #tpu.memory_space<vmem>>, vector<1x16xf32>,
    %get3A_242 = vector.shape_cast %get3A_241 : vector<1x16xf32> to vector<16xf32>
    %mul3A_243 = arith.mulf %get3A_242, %max3A_24 : vector<16xf32>
    %add3A_244 = arith.addf %add3A_237, %mul3A_243 : vector<16xf32>
    %get3A_245 = arith.constant 3 : i32
    %get3A_246 = arith.index_cast %get3A_245 : i32 to index
    %get3A_247 = arith.constant 48 : index
    %get3A_248 = tpu.vector_load %arg8[%get3A_246, %get3A_247] {strides = array<i32>} : memref<10x128xf32, #tpu.memory_space<vmem>>, vector<1x16xf32>,
    %get3A_249 = vector.shape_cast %get3A_248 : vector<1x16xf32> to vector<16xf32>
    %mul3A_250 = arith.mulf %get3A_249, %max3A_27 : vector<16xf32>
    %add3A_251 = arith.addf %add3A_244, %mul3A_250 : vector<16xf32>
    %get3A_252 = arith.constant 3 : i32
    %get3A_253 = arith.index_cast %get3A_252 : i32 to index
    %get3A_254 = arith.constant 64 : index
    %get3A_255 = tpu.vector_load %arg8[%get3A_253, %get3A_254] {strides = array<i32>} : memref<10x128xf32, #tpu.memory_space<vmem>>, vector<1x16xf32>,
    %get3A_256 = vector.shape_cast %get3A_255 : vector<1x16xf32> to vector<16xf32>
    %mul3A_257 = arith.mulf %get3A_256, %max3A_30 : vector<16xf32>
    %add3A_258 = arith.addf %add3A_251, %mul3A_257 : vector<16xf32>
    %get3A_259 = arith.constant 3 : i32
    %get3A_260 = arith.index_cast %get3A_259 : i32 to index
    %get3A_261 = arith.constant 80 : index
    %get3A_262 = tpu.vector_load %arg8[%get3A_260, %get3A_261] {strides = array<i32>} : memref<10x128xf32, #tpu.memory_space<vmem>>, vector<1x16xf32>,
    %get3A_263 = vector.shape_cast %get3A_262 : vector<1x16xf32> to vector<16xf32>
    %mul3A_264 = arith.mulf %get3A_263, %max3A_33 : vector<16xf32>
    %add3A_265 = arith.addf %add3A_258, %mul3A_264 : vector<16xf32>
    %get3A_266 = arith.constant 3 : i32
    %get3A_267 = arith.index_cast %get3A_266 : i32 to index
    %get3A_268 = arith.constant 96 : index
    %get3A_269 = tpu.vector_load %arg8[%get3A_267, %get3A_268] {strides = array<i32>} : memref<10x128xf32, #tpu.memory_space<vmem>>, vector<1x16xf32>,
    %get3A_270 = vector.shape_cast %get3A_269 : vector<1x16xf32> to vector<16xf32>
    %mul3A_271 = arith.mulf %get3A_270, %max3A_36 : vector<16xf32>
    %add3A_272 = arith.addf %add3A_265, %mul3A_271 : vector<16xf32>
    %get3A_273 = arith.constant 3 : i32
    %get3A_274 = arith.index_cast %get3A_273 : i32 to index
    %get3A_275 = arith.constant 112 : index
    %get3A_276 = tpu.vector_load %arg8[%get3A_274, %get3A_275] {strides = array<i32>} : memref<10x128xf32, #tpu.memory_space<vmem>>, vector<1x16xf32>,
    %get3A_277 = vector.shape_cast %get3A_276 : vector<1x16xf32> to vector<16xf32>
    %mul3A_278 = arith.mulf %get3A_277, %max3A_39 : vector<16xf32>
    %add3A_279 = arith.addf %add3A_272, %mul3A_278 : vector<16xf32>
    %swap3A_280 = arith.constant 3 : i32
    %swap3A_281 = arith.index_cast %swap3A_280 : i32 to index
    %swap3A_282 = arith.constant 0 : index
    %swap3A_283 = tpu.vector_load %arg9[%swap3A_281, %swap3A_282] {strides = array<i32>} : memref<10x16xf32, #tpu.memory_space<vmem>>, vector<1x16xf32>,
    %swap3A_284 = vector.shape_cast %swap3A_283 : vector<1x16xf32> to vector<16xf32>
    %swap3A_285 = vector.shape_cast %add3A_279 : vector<16xf32> to vector<1x16xf32>
    tpu.vector_store %arg9[%swap3A_281, %swap3A_282], %swap3A_285 {strides = array<i32>} : memref<10x16xf32, #tpu.memory_space<vmem>>, vector<1x16xf32>,
    %get3A_286 = arith.constant 4 : i32
    %get3A_287 = arith.index_cast %get3A_286 : i32 to index
    %get3A_288 = arith.constant 0 : index
    %get3A_289 = tpu.vector_load %arg8[%get3A_287, %get3A_288] {strides = array<i32>} : memref<10x128xf32, #tpu.memory_space<vmem>>, vector<1x16xf32>,
    %get3A_290 = vector.shape_cast %get3A_289 : vector<1x16xf32> to vector<16xf32>
    %mul3A_291 = arith.mulf %get3A_290, %max3A_18 : vector<16xf32>
    %add3A_292 = arith.addf %broadcast_in_dim3A_11, %mul3A_291 : vector<16xf32>
    %get3A_293 = arith.constant 4 : i32
    %get3A_294 = arith.index_cast %get3A_293 : i32 to index
    %get3A_295 = arith.constant 16 : index
    %get3A_296 = tpu.vector_load %arg8[%get3A_294, %get3A_295] {strides = array<i32>} : memref<10x128xf32, #tpu.memory_space<vmem>>, vector<1x16xf32>,
    %get3A_297 = vector.shape_cast %get3A_296 : vector<1x16xf32> to vector<16xf32>
    %mul3A_298 = arith.mulf %get3A_297, %max3A_21 : vector<16xf32>
    %add3A_299 = arith.addf %add3A_292, %mul3A_298 : vector<16xf32>
    %get3A_300 = arith.constant 4 : i32
    %get3A_301 = arith.index_cast %get3A_300 : i32 to index
    %get3A_302 = arith.constant 32 : index
    %get3A_303 = tpu.vector_load %arg8[%get3A_301, %get3A_302] {strides = array<i32>} : memref<10x128xf32, #tpu.memory_space<vmem>>, vector<1x16xf32>,
    %get3A_304 = vector.shape_cast %get3A_303 : vector<1x16xf32> to vector<16xf32>
    %mul3A_305 = arith.mulf %get3A_304, %max3A_24 : vector<16xf32>
    %add3A_306 = arith.addf %add3A_299, %mul3A_305 : vector<16xf32>
    %get3A_307 = arith.constant 4 : i32
    %get3A_308 = arith.index_cast %get3A_307 : i32 to index
    %get3A_309 = arith.constant 48 : index
    %get3A_310 = tpu.vector_load %arg8[%get3A_308, %get3A_309] {strides = array<i32>} : memref<10x128xf32, #tpu.memory_space<vmem>>, vector<1x16xf32>,
    %get3A_311 = vector.shape_cast %get3A_310 : vector<1x16xf32> to vector<16xf32>
    %mul3A_312 = arith.mulf %get3A_311, %max3A_27 : vector<16xf32>
    %add3A_313 = arith.addf %add3A_306, %mul3A_312 : vector<16xf32>
    %get3A_314 = arith.constant 4 : i32
    %get3A_315 = arith.index_cast %get3A_314 : i32 to index
    %get3A_316 = arith.constant 64 : index
    %get3A_317 = tpu.vector_load %arg8[%get3A_315, %get3A_316] {strides = array<i32>} : memref<10x128xf32, #tpu.memory_space<vmem>>, vector<1x16xf32>,
    %get3A_318 = vector.shape_cast %get3A_317 : vector<1x16xf32> to vector<16xf32>
    %mul3A_319 = arith.mulf %get3A_318, %max3A_30 : vector<16xf32>
    %add3A_320 = arith.addf %add3A_313, %mul3A_319 : vector<16xf32>
    %get3A_321 = arith.constant 4 : i32
    %get3A_322 = arith.index_cast %get3A_321 : i32 to index
    %get3A_323 = arith.constant 80 : index
    %get3A_324 = tpu.vector_load %arg8[%get3A_322, %get3A_323] {strides = array<i32>} : memref<10x128xf32, #tpu.memory_space<vmem>>, vector<1x16xf32>,
    %get3A_325 = vector.shape_cast %get3A_324 : vector<1x16xf32> to vector<16xf32>
    %mul3A_326 = arith.mulf %get3A_325, %max3A_33 : vector<16xf32>
    %add3A_327 = arith.addf %add3A_320, %mul3A_326 : vector<16xf32>
    %get3A_328 = arith.constant 4 : i32
    %get3A_329 = arith.index_cast %get3A_328 : i32 to index
    %get3A_330 = arith.constant 96 : index
    %get3A_331 = tpu.vector_load %arg8[%get3A_329, %get3A_330] {strides = array<i32>} : memref<10x128xf32, #tpu.memory_space<vmem>>, vector<1x16xf32>,
    %get3A_332 = vector.shape_cast %get3A_331 : vector<1x16xf32> to vector<16xf32>
    %mul3A_333 = arith.mulf %get3A_332, %max3A_36 : vector<16xf32>
    %add3A_334 = arith.addf %add3A_327, %mul3A_333 : vector<16xf32>
    %get3A_335 = arith.constant 4 : i32
    %get3A_336 = arith.index_cast %get3A_335 : i32 to index
    %get3A_337 = arith.constant 112 : index
    %get3A_338 = tpu.vector_load %arg8[%get3A_336, %get3A_337] {strides = array<i32>} : memref<10x128xf32, #tpu.memory_space<vmem>>, vector<1x16xf32>,
    %get3A_339 = vector.shape_cast %get3A_338 : vector<1x16xf32> to vector<16xf32>
    %mul3A_340 = arith.mulf %get3A_339, %max3A_39 : vector<16xf32>
    %add3A_341 = arith.addf %add3A_334, %mul3A_340 : vector<16xf32>
    %swap3A_342 = arith.constant 4 : i32
    %swap3A_343 = arith.index_cast %swap3A_342 : i32 to index
    %swap3A_344 = arith.constant 0 : index
    %swap3A_345 = tpu.vector_load %arg9[%swap3A_343, %swap3A_344] {strides = array<i32>} : memref<10x16xf32, #tpu.memory_space<vmem>>, vector<1x16xf32>,
    %swap3A_346 = vector.shape_cast %swap3A_345 : vector<1x16xf32> to vector<16xf32>
    %swap3A_347 = vector.shape_cast %add3A_341 : vector<16xf32> to vector<1x16xf32>
    tpu.vector_store %arg9[%swap3A_343, %swap3A_344], %swap3A_347 {strides = array<i32>} : memref<10x16xf32, #tpu.memory_space<vmem>>, vector<1x16xf32>,
    %get3A_348 = arith.constant 5 : i32
    %get3A_349 = arith.index_cast %get3A_348 : i32 to index
    %get3A_350 = arith.constant 0 : index
    %get3A_351 = tpu.vector_load %arg8[%get3A_349, %get3A_350] {strides = array<i32>} : memref<10x128xf32, #tpu.memory_space<vmem>>, vector<1x16xf32>,
    %get3A_352 = vector.shape_cast %get3A_351 : vector<1x16xf32> to vector<16xf32>
    %mul3A_353 = arith.mulf %get3A_352, %max3A_18 : vector<16xf32>
    %add3A_354 = arith.addf %broadcast_in_dim3A_11, %mul3A_353 : vector<16xf32>
    %get3A_355 = arith.constant 5 : i32
    %get3A_356 = arith.index_cast %get3A_355 : i32 to index
    %get3A_357 = arith.constant 16 : index
    %get3A_358 = tpu.vector_load %arg8[%get3A_356, %get3A_357] {strides = array<i32>} : memref<10x128xf32, #tpu.memory_space<vmem>>, vector<1x16xf32>,
    %get3A_359 = vector.shape_cast %get3A_358 : vector<1x16xf32> to vector<16xf32>
    %mul3A_360 = arith.mulf %get3A_359, %max3A_21 : vector<16xf32>
    %add3A_361 = arith.addf %add3A_354, %mul3A_360 : vector<16xf32>
    %get3A_362 = arith.constant 5 : i32
    %get3A_363 = arith.index_cast %get3A_362 : i32 to index
    %get3A_364 = arith.constant 32 : index
    %get3A_365 = tpu.vector_load %arg8[%get3A_363, %get3A_364] {strides = array<i32>} : memref<10x128xf32, #tpu.memory_space<vmem>>, vector<1x16xf32>,
    %get3A_366 = vector.shape_cast %get3A_365 : vector<1x16xf32> to vector<16xf32>
    %mul3A_367 = arith.mulf %get3A_366, %max3A_24 : vector<16xf32>
    %add3A_368 = arith.addf %add3A_361, %mul3A_367 : vector<16xf32>
    %get3A_369 = arith.constant 5 : i32
    %get3A_370 = arith.index_cast %get3A_369 : i32 to index
    %get3A_371 = arith.constant 48 : index
    %get3A_372 = tpu.vector_load %arg8[%get3A_370, %get3A_371] {strides = array<i32>} : memref<10x128xf32, #tpu.memory_space<vmem>>, vector<1x16xf32>,
    %get3A_373 = vector.shape_cast %get3A_372 : vector<1x16xf32> to vector<16xf32>
    %mul3A_374 = arith.mulf %get3A_373, %max3A_27 : vector<16xf32>
    %add3A_375 = arith.addf %add3A_368, %mul3A_374 : vector<16xf32>
    %get3A_376 = arith.constant 5 : i32
    %get3A_377 = arith.index_cast %get3A_376 : i32 to index
    %get3A_378 = arith.constant 64 : index
    %get3A_379 = tpu.vector_load %arg8[%get3A_377, %get3A_378] {strides = array<i32>} : memref<10x128xf32, #tpu.memory_space<vmem>>, vector<1x16xf32>,
    %get3A_380 = vector.shape_cast %get3A_379 : vector<1x16xf32> to vector<16xf32>
    %mul3A_381 = arith.mulf %get3A_380, %max3A_30 : vector<16xf32>
    %add3A_382 = arith.addf %add3A_375, %mul3A_381 : vector<16xf32>
    %get3A_383 = arith.constant 5 : i32
    %get3A_384 = arith.index_cast %get3A_383 : i32 to index
    %get3A_385 = arith.constant 80 : index
    %get3A_386 = tpu.vector_load %arg8[%get3A_384, %get3A_385] {strides = array<i32>} : memref<10x128xf32, #tpu.memory_space<vmem>>, vector<1x16xf32>,
    %get3A_387 = vector.shape_cast %get3A_386 : vector<1x16xf32> to vector<16xf32>
    %mul3A_388 = arith.mulf %get3A_387, %max3A_33 : vector<16xf32>
    %add3A_389 = arith.addf %add3A_382, %mul3A_388 : vector<16xf32>
    %get3A_390 = arith.constant 5 : i32
    %get3A_391 = arith.index_cast %get3A_390 : i32 to index
    %get3A_392 = arith.constant 96 : index
    %get3A_393 = tpu.vector_load %arg8[%get3A_391, %get3A_392] {strides = array<i32>} : memref<10x128xf32, #tpu.memory_space<vmem>>, vector<1x16xf32>,
    %get3A_394 = vector.shape_cast %get3A_393 : vector<1x16xf32> to vector<16xf32>
    %mul3A_395 = arith.mulf %get3A_394, %max3A_36 : vector<16xf32>
    %add3A_396 = arith.addf %add3A_389, %mul3A_395 : vector<16xf32>
    %get3A_397 = arith.constant 5 : i32
    %get3A_398 = arith.index_cast %get3A_397 : i32 to index
    %get3A_399 = arith.constant 112 : index
    %get3A_400 = tpu.vector_load %arg8[%get3A_398, %get3A_399] {strides = array<i32>} : memref<10x128xf32, #tpu.memory_space<vmem>>, vector<1x16xf32>,
    %get3A_401 = vector.shape_cast %get3A_400 : vector<1x16xf32> to vector<16xf32>
    %mul3A_402 = arith.mulf %get3A_401, %max3A_39 : vector<16xf32>
    %add3A_403 = arith.addf %add3A_396, %mul3A_402 : vector<16xf32>
    %swap3A_404 = arith.constant 5 : i32
    %swap3A_405 = arith.index_cast %swap3A_404 : i32 to index
    %swap3A_406 = arith.constant 0 : index
    %swap3A_407 = tpu.vector_load %arg9[%swap3A_405, %swap3A_406] {strides = array<i32>} : memref<10x16xf32, #tpu.memory_space<vmem>>, vector<1x16xf32>,
    %swap3A_408 = vector.shape_cast %swap3A_407 : vector<1x16xf32> to vector<16xf32>
    %swap3A_409 = vector.shape_cast %add3A_403 : vector<16xf32> to vector<1x16xf32>
    tpu.vector_store %arg9[%swap3A_405, %swap3A_406], %swap3A_409 {strides = array<i32>} : memref<10x16xf32, #tpu.memory_space<vmem>>, vector<1x16xf32>,
    %get3A_410 = arith.constant 6 : i32
    %get3A_411 = arith.index_cast %get3A_410 : i32 to index
    %get3A_412 = arith.constant 0 : index
    %get3A_413 = tpu.vector_load %arg8[%get3A_411, %get3A_412] {strides = array<i32>} : memref<10x128xf32, #tpu.memory_space<vmem>>, vector<1x16xf32>,
    %get3A_414 = vector.shape_cast %get3A_413 : vector<1x16xf32> to vector<16xf32>
    %mul3A_415 = arith.mulf %get3A_414, %max3A_18 : vector<16xf32>
    %add3A_416 = arith.addf %broadcast_in_dim3A_11, %mul3A_415 : vector<16xf32>
    %get3A_417 = arith.constant 6 : i32
    %get3A_418 = arith.index_cast %get3A_417 : i32 to index
    %get3A_419 = arith.constant 16 : index
    %get3A_420 = tpu.vector_load %arg8[%get3A_418, %get3A_419] {strides = array<i32>} : memref<10x128xf32, #tpu.memory_space<vmem>>, vector<1x16xf32>,
    %get3A_421 = vector.shape_cast %get3A_420 : vector<1x16xf32> to vector<16xf32>
    %mul3A_422 = arith.mulf %get3A_421, %max3A_21 : vector<16xf32>
    %add3A_423 = arith.addf %add3A_416, %mul3A_422 : vector<16xf32>
    %get3A_424 = arith.constant 6 : i32
    %get3A_425 = arith.index_cast %get3A_424 : i32 to index
    %get3A_426 = arith.constant 32 : index
    %get3A_427 = tpu.vector_load %arg8[%get3A_425, %get3A_426] {strides = array<i32>} : memref<10x128xf32, #tpu.memory_space<vmem>>, vector<1x16xf32>,
    %get3A_428 = vector.shape_cast %get3A_427 : vector<1x16xf32> to vector<16xf32>
    %mul3A_429 = arith.mulf %get3A_428, %max3A_24 : vector<16xf32>
    %add3A_430 = arith.addf %add3A_423, %mul3A_429 : vector<16xf32>
    %get3A_431 = arith.constant 6 : i32
    %get3A_432 = arith.index_cast %get3A_431 : i32 to index
    %get3A_433 = arith.constant 48 : index
    %get3A_434 = tpu.vector_load %arg8[%get3A_432, %get3A_433] {strides = array<i32>} : memref<10x128xf32, #tpu.memory_space<vmem>>, vector<1x16xf32>,
    %get3A_435 = vector.shape_cast %get3A_434 : vector<1x16xf32> to vector<16xf32>
    %mul3A_436 = arith.mulf %get3A_435, %max3A_27 : vector<16xf32>
    %add3A_437 = arith.addf %add3A_430, %mul3A_436 : vector<16xf32>
    %get3A_438 = arith.constant 6 : i32
    %get3A_439 = arith.index_cast %get3A_438 : i32 to index
    %get3A_440 = arith.constant 64 : index
    %get3A_441 = tpu.vector_load %arg8[%get3A_439, %get3A_440] {strides = array<i32>} : memref<10x128xf32, #tpu.memory_space<vmem>>, vector<1x16xf32>,
    %get3A_442 = vector.shape_cast %get3A_441 : vector<1x16xf32> to vector<16xf32>
    %mul3A_443 = arith.mulf %get3A_442, %max3A_30 : vector<16xf32>
    %add3A_444 = arith.addf %add3A_437, %mul3A_443 : vector<16xf32>
    %get3A_445 = arith.constant 6 : i32
    %get3A_446 = arith.index_cast %get3A_445 : i32 to index
    %get3A_447 = arith.constant 80 : index
    %get3A_448 = tpu.vector_load %arg8[%get3A_446, %get3A_447] {strides = array<i32>} : memref<10x128xf32, #tpu.memory_space<vmem>>, vector<1x16xf32>,
    %get3A_449 = vector.shape_cast %get3A_448 : vector<1x16xf32> to vector<16xf32>
    %mul3A_450 = arith.mulf %get3A_449, %max3A_33 : vector<16xf32>
    %add3A_451 = arith.addf %add3A_444, %mul3A_450 : vector<16xf32>
    %get3A_452 = arith.constant 6 : i32
    %get3A_453 = arith.index_cast %get3A_452 : i32 to index
    %get3A_454 = arith.constant 96 : index
    %get3A_455 = tpu.vector_load %arg8[%get3A_453, %get3A_454] {strides = array<i32>} : memref<10x128xf32, #tpu.memory_space<vmem>>, vector<1x16xf32>,
    %get3A_456 = vector.shape_cast %get3A_455 : vector<1x16xf32> to vector<16xf32>
    %mul3A_457 = arith.mulf %get3A_456, %max3A_36 : vector<16xf32>
    %add3A_458 = arith.addf %add3A_451, %mul3A_457 : vector<16xf32>
    %get3A_459 = arith.constant 6 : i32
    %get3A_460 = arith.index_cast %get3A_459 : i32 to index
    %get3A_461 = arith.constant 112 : index
    %get3A_462 = tpu.vector_load %arg8[%get3A_460, %get3A_461] {strides = array<i32>} : memref<10x128xf32, #tpu.memory_space<vmem>>, vector<1x16xf32>,
    %get3A_463 = vector.shape_cast %get3A_462 : vector<1x16xf32> to vector<16xf32>
    %mul3A_464 = arith.mulf %get3A_463, %max3A_39 : vector<16xf32>
    %add3A_465 = arith.addf %add3A_458, %mul3A_464 : vector<16xf32>
    %swap3A_466 = arith.constant 6 : i32
    %swap3A_467 = arith.index_cast %swap3A_466 : i32 to index
    %swap3A_468 = arith.constant 0 : index
    %swap3A_469 = tpu.vector_load %arg9[%swap3A_467, %swap3A_468] {strides = array<i32>} : memref<10x16xf32, #tpu.memory_space<vmem>>, vector<1x16xf32>,
    %swap3A_470 = vector.shape_cast %swap3A_469 : vector<1x16xf32> to vector<16xf32>
    %swap3A_471 = vector.shape_cast %add3A_465 : vector<16xf32> to vector<1x16xf32>
    tpu.vector_store %arg9[%swap3A_467, %swap3A_468], %swap3A_471 {strides = array<i32>} : memref<10x16xf32, #tpu.memory_space<vmem>>, vector<1x16xf32>,
    %get3A_472 = arith.constant 7 : i32
    %get3A_473 = arith.index_cast %get3A_472 : i32 to index
    %get3A_474 = arith.constant 0 : index
    %get3A_475 = tpu.vector_load %arg8[%get3A_473, %get3A_474] {strides = array<i32>} : memref<10x128xf32, #tpu.memory_space<vmem>>, vector<1x16xf32>,
    %get3A_476 = vector.shape_cast %get3A_475 : vector<1x16xf32> to vector<16xf32>
    %mul3A_477 = arith.mulf %get3A_476, %max3A_18 : vector<16xf32>
    %add3A_478 = arith.addf %broadcast_in_dim3A_11, %mul3A_477 : vector<16xf32>
    %get3A_479 = arith.constant 7 : i32
    %get3A_480 = arith.index_cast %get3A_479 : i32 to index
    %get3A_481 = arith.constant 16 : index
    %get3A_482 = tpu.vector_load %arg8[%get3A_480, %get3A_481] {strides = array<i32>} : memref<10x128xf32, #tpu.memory_space<vmem>>, vector<1x16xf32>,
    %get3A_483 = vector.shape_cast %get3A_482 : vector<1x16xf32> to vector<16xf32>
    %mul3A_484 = arith.mulf %get3A_483, %max3A_21 : vector<16xf32>
    %add3A_485 = arith.addf %add3A_478, %mul3A_484 : vector<16xf32>
    %get3A_486 = arith.constant 7 : i32
    %get3A_487 = arith.index_cast %get3A_486 : i32 to index
    %get3A_488 = arith.constant 32 : index
    %get3A_489 = tpu.vector_load %arg8[%get3A_487, %get3A_488] {strides = array<i32>} : memref<10x128xf32, #tpu.memory_space<vmem>>, vector<1x16xf32>,
    %get3A_490 = vector.shape_cast %get3A_489 : vector<1x16xf32> to vector<16xf32>
    %mul3A_491 = arith.mulf %get3A_490, %max3A_24 : vector<16xf32>
    %add3A_492 = arith.addf %add3A_485, %mul3A_491 : vector<16xf32>
    %get3A_493 = arith.constant 7 : i32
    %get3A_494 = arith.index_cast %get3A_493 : i32 to index
    %get3A_495 = arith.constant 48 : index
    %get3A_496 = tpu.vector_load %arg8[%get3A_494, %get3A_495] {strides = array<i32>} : memref<10x128xf32, #tpu.memory_space<vmem>>, vector<1x16xf32>,
    %get3A_497 = vector.shape_cast %get3A_496 : vector<1x16xf32> to vector<16xf32>
    %mul3A_498 = arith.mulf %get3A_497, %max3A_27 : vector<16xf32>
    %add3A_499 = arith.addf %add3A_492, %mul3A_498 : vector<16xf32>
    %get3A_500 = arith.constant 7 : i32
    %get3A_501 = arith.index_cast %get3A_500 : i32 to index
    %get3A_502 = arith.constant 64 : index
    %get3A_503 = tpu.vector_load %arg8[%get3A_501, %get3A_502] {strides = array<i32>} : memref<10x128xf32, #tpu.memory_space<vmem>>, vector<1x16xf32>,
    %get3A_504 = vector.shape_cast %get3A_503 : vector<1x16xf32> to vector<16xf32>
    %mul3A_505 = arith.mulf %get3A_504, %max3A_30 : vector<16xf32>
    %add3A_506 = arith.addf %add3A_499, %mul3A_505 : vector<16xf32>
    %get3A_507 = arith.constant 7 : i32
    %get3A_508 = arith.index_cast %get3A_507 : i32 to index
    %get3A_509 = arith.constant 80 : index
    %get3A_510 = tpu.vector_load %arg8[%get3A_508, %get3A_509] {strides = array<i32>} : memref<10x128xf32, #tpu.memory_space<vmem>>, vector<1x16xf32>,
    %get3A_511 = vector.shape_cast %get3A_510 : vector<1x16xf32> to vector<16xf32>
    %mul3A_512 = arith.mulf %get3A_511, %max3A_33 : vector<16xf32>
    %add3A_513 = arith.addf %add3A_506, %mul3A_512 : vector<16xf32>
    %get3A_514 = arith.constant 7 : i32
    %get3A_515 = arith.index_cast %get3A_514 : i32 to index
    %get3A_516 = arith.constant 96 : index
    %get3A_517 = tpu.vector_load %arg8[%get3A_515, %get3A_516] {strides = array<i32>} : memref<10x128xf32, #tpu.memory_space<vmem>>, vector<1x16xf32>,
    %get3A_518 = vector.shape_cast %get3A_517 : vector<1x16xf32> to vector<16xf32>
    %mul3A_519 = arith.mulf %get3A_518, %max3A_36 : vector<16xf32>
    %add3A_520 = arith.addf %add3A_513, %mul3A_519 : vector<16xf32>
    %get3A_521 = arith.constant 7 : i32
    %get3A_522 = arith.index_cast %get3A_521 : i32 to index
    %get3A_523 = arith.constant 112 : index
    %get3A_524 = tpu.vector_load %arg8[%get3A_522, %get3A_523] {strides = array<i32>} : memref<10x128xf32, #tpu.memory_space<vmem>>, vector<1x16xf32>,
    %get3A_525 = vector.shape_cast %get3A_524 : vector<1x16xf32> to vector<16xf32>
    %mul3A_526 = arith.mulf %get3A_525, %max3A_39 : vector<16xf32>
    %add3A_527 = arith.addf %add3A_520, %mul3A_526 : vector<16xf32>
    %swap3A_528 = arith.constant 7 : i32
    %swap3A_529 = arith.index_cast %swap3A_528 : i32 to index
    %swap3A_530 = arith.constant 0 : index
    %swap3A_531 = tpu.vector_load %arg9[%swap3A_529, %swap3A_530] {strides = array<i32>} : memref<10x16xf32, #tpu.memory_space<vmem>>, vector<1x16xf32>,
    %swap3A_532 = vector.shape_cast %swap3A_531 : vector<1x16xf32> to vector<16xf32>
    %swap3A_533 = vector.shape_cast %add3A_527 : vector<16xf32> to vector<1x16xf32>
    tpu.vector_store %arg9[%swap3A_529, %swap3A_530], %swap3A_533 {strides = array<i32>} : memref<10x16xf32, #tpu.memory_space<vmem>>, vector<1x16xf32>,
    %get3A_534 = arith.constant 8 : i32
    %get3A_535 = arith.index_cast %get3A_534 : i32 to index
    %get3A_536 = arith.constant 0 : index
    %get3A_537 = tpu.vector_load %arg8[%get3A_535, %get3A_536] {strides = array<i32>} : memref<10x128xf32, #tpu.memory_space<vmem>>, vector<1x16xf32>,
    %get3A_538 = vector.shape_cast %get3A_537 : vector<1x16xf32> to vector<16xf32>
    %mul3A_539 = arith.mulf %get3A_538, %max3A_18 : vector<16xf32>
    %add3A_540 = arith.addf %broadcast_in_dim3A_11, %mul3A_539 : vector<16xf32>
    %get3A_541 = arith.constant 8 : i32
    %get3A_542 = arith.index_cast %get3A_541 : i32 to index
    %get3A_543 = arith.constant 16 : index
    %get3A_544 = tpu.vector_load %arg8[%get3A_542, %get3A_543] {strides = array<i32>} : memref<10x128xf32, #tpu.memory_space<vmem>>, vector<1x16xf32>,
    %get3A_545 = vector.shape_cast %get3A_544 : vector<1x16xf32> to vector<16xf32>
    %mul3A_546 = arith.mulf %get3A_545, %max3A_21 : vector<16xf32>
    %add3A_547 = arith.addf %add3A_540, %mul3A_546 : vector<16xf32>
    %get3A_548 = arith.constant 8 : i32
    %get3A_549 = arith.index_cast %get3A_548 : i32 to index
    %get3A_550 = arith.constant 32 : index
    %get3A_551 = tpu.vector_load %arg8[%get3A_549, %get3A_550] {strides = array<i32>} : memref<10x128xf32, #tpu.memory_space<vmem>>, vector<1x16xf32>,
    %get3A_552 = vector.shape_cast %get3A_551 : vector<1x16xf32> to vector<16xf32>
    %mul3A_553 = arith.mulf %get3A_552, %max3A_24 : vector<16xf32>
    %add3A_554 = arith.addf %add3A_547, %mul3A_553 : vector<16xf32>
    %get3A_555 = arith.constant 8 : i32
    %get3A_556 = arith.index_cast %get3A_555 : i32 to index
    %get3A_557 = arith.constant 48 : index
    %get3A_558 = tpu.vector_load %arg8[%get3A_556, %get3A_557] {strides = array<i32>} : memref<10x128xf32, #tpu.memory_space<vmem>>, vector<1x16xf32>,
    %get3A_559 = vector.shape_cast %get3A_558 : vector<1x16xf32> to vector<16xf32>
    %mul3A_560 = arith.mulf %get3A_559, %max3A_27 : vector<16xf32>
    %add3A_561 = arith.addf %add3A_554, %mul3A_560 : vector<16xf32>
    %get3A_562 = arith.constant 8 : i32
    %get3A_563 = arith.index_cast %get3A_562 : i32 to index
    %get3A_564 = arith.constant 64 : index
    %get3A_565 = tpu.vector_load %arg8[%get3A_563, %get3A_564] {strides = array<i32>} : memref<10x128xf32, #tpu.memory_space<vmem>>, vector<1x16xf32>,
    %get3A_566 = vector.shape_cast %get3A_565 : vector<1x16xf32> to vector<16xf32>
    %mul3A_567 = arith.mulf %get3A_566, %max3A_30 : vector<16xf32>
    %add3A_568 = arith.addf %add3A_561, %mul3A_567 : vector<16xf32>
    %get3A_569 = arith.constant 8 : i32
    %get3A_570 = arith.index_cast %get3A_569 : i32 to index
    %get3A_571 = arith.constant 80 : index
    %get3A_572 = tpu.vector_load %arg8[%get3A_570, %get3A_571] {strides = array<i32>} : memref<10x128xf32, #tpu.memory_space<vmem>>, vector<1x16xf32>,
    %get3A_573 = vector.shape_cast %get3A_572 : vector<1x16xf32> to vector<16xf32>
    %mul3A_574 = arith.mulf %get3A_573, %max3A_33 : vector<16xf32>
    %add3A_575 = arith.addf %add3A_568, %mul3A_574 : vector<16xf32>
    %get3A_576 = arith.constant 8 : i32
    %get3A_577 = arith.index_cast %get3A_576 : i32 to index
    %get3A_578 = arith.constant 96 : index
    %get3A_579 = tpu.vector_load %arg8[%get3A_577, %get3A_578] {strides = array<i32>} : memref<10x128xf32, #tpu.memory_space<vmem>>, vector<1x16xf32>,
    %get3A_580 = vector.shape_cast %get3A_579 : vector<1x16xf32> to vector<16xf32>
    %mul3A_581 = arith.mulf %get3A_580, %max3A_36 : vector<16xf32>
    %add3A_582 = arith.addf %add3A_575, %mul3A_581 : vector<16xf32>
    %get3A_583 = arith.constant 8 : i32
    %get3A_584 = arith.index_cast %get3A_583 : i32 to index
    %get3A_585 = arith.constant 112 : index
    %get3A_586 = tpu.vector_load %arg8[%get3A_584, %get3A_585] {strides = array<i32>} : memref<10x128xf32, #tpu.memory_space<vmem>>, vector<1x16xf32>,
    %get3A_587 = vector.shape_cast %get3A_586 : vector<1x16xf32> to vector<16xf32>
    %mul3A_588 = arith.mulf %get3A_587, %max3A_39 : vector<16xf32>
    %add3A_589 = arith.addf %add3A_582, %mul3A_588 : vector<16xf32>
    %swap3A_590 = arith.constant 8 : i32
    %swap3A_591 = arith.index_cast %swap3A_590 : i32 to index
    %swap3A_592 = arith.constant 0 : index
    %swap3A_593 = tpu.vector_load %arg9[%swap3A_591, %swap3A_592] {strides = array<i32>} : memref<10x16xf32, #tpu.memory_space<vmem>>, vector<1x16xf32>,
    %swap3A_594 = vector.shape_cast %swap3A_593 : vector<1x16xf32> to vector<16xf32>
    %swap3A_595 = vector.shape_cast %add3A_589 : vector<16xf32> to vector<1x16xf32>
    tpu.vector_store %arg9[%swap3A_591, %swap3A_592], %swap3A_595 {strides = array<i32>} : memref<10x16xf32, #tpu.memory_space<vmem>>, vector<1x16xf32>,
    %get3A_596 = arith.constant 9 : i32
    %get3A_597 = arith.index_cast %get3A_596 : i32 to index
    %get3A_598 = arith.constant 0 : index
    %get3A_599 = tpu.vector_load %arg8[%get3A_597, %get3A_598] {strides = array<i32>} : memref<10x128xf32, #tpu.memory_space<vmem>>, vector<1x16xf32>,
    %get3A_600 = vector.shape_cast %get3A_599 : vector<1x16xf32> to vector<16xf32>
    %mul3A_601 = arith.mulf %get3A_600, %max3A_18 : vector<16xf32>
    %add3A_602 = arith.addf %broadcast_in_dim3A_11, %mul3A_601 : vector<16xf32>
    %get3A_603 = arith.constant 9 : i32
    %get3A_604 = arith.index_cast %get3A_603 : i32 to index
    %get3A_605 = arith.constant 16 : index
    %get3A_606 = tpu.vector_load %arg8[%get3A_604, %get3A_605] {strides = array<i32>} : memref<10x128xf32, #tpu.memory_space<vmem>>, vector<1x16xf32>,
    %get3A_607 = vector.shape_cast %get3A_606 : vector<1x16xf32> to vector<16xf32>
    %mul3A_608 = arith.mulf %get3A_607, %max3A_21 : vector<16xf32>
    %add3A_609 = arith.addf %add3A_602, %mul3A_608 : vector<16xf32>
    %get3A_610 = arith.constant 9 : i32
    %get3A_611 = arith.index_cast %get3A_610 : i32 to index
    %get3A_612 = arith.constant 32 : index
    %get3A_613 = tpu.vector_load %arg8[%get3A_611, %get3A_612] {strides = array<i32>} : memref<10x128xf32, #tpu.memory_space<vmem>>, vector<1x16xf32>,
    %get3A_614 = vector.shape_cast %get3A_613 : vector<1x16xf32> to vector<16xf32>
    %mul3A_615 = arith.mulf %get3A_614, %max3A_24 : vector<16xf32>
    %add3A_616 = arith.addf %add3A_609, %mul3A_615 : vector<16xf32>
    %get3A_617 = arith.constant 9 : i32
    %get3A_618 = arith.index_cast %get3A_617 : i32 to index
    %get3A_619 = arith.constant 48 : index
    %get3A_620 = tpu.vector_load %arg8[%get3A_618, %get3A_619] {strides = array<i32>} : memref<10x128xf32, #tpu.memory_space<vmem>>, vector<1x16xf32>,
    %get3A_621 = vector.shape_cast %get3A_620 : vector<1x16xf32> to vector<16xf32>
    %mul3A_622 = arith.mulf %get3A_621, %max3A_27 : vector<16xf32>
    %add3A_623 = arith.addf %add3A_616, %mul3A_622 : vector<16xf32>
    %get3A_624 = arith.constant 9 : i32
    %get3A_625 = arith.index_cast %get3A_624 : i32 to index
    %get3A_626 = arith.constant 64 : index
    %get3A_627 = tpu.vector_load %arg8[%get3A_625, %get3A_626] {strides = array<i32>} : memref<10x128xf32, #tpu.memory_space<vmem>>, vector<1x16xf32>,
    %get3A_628 = vector.shape_cast %get3A_627 : vector<1x16xf32> to vector<16xf32>
    %mul3A_629 = arith.mulf %get3A_628, %max3A_30 : vector<16xf32>
    %add3A_630 = arith.addf %add3A_623, %mul3A_629 : vector<16xf32>
    %get3A_631 = arith.constant 9 : i32
    %get3A_632 = arith.index_cast %get3A_631 : i32 to index
    %get3A_633 = arith.constant 80 : index
    %get3A_634 = tpu.vector_load %arg8[%get3A_632, %get3A_633] {strides = array<i32>} : memref<10x128xf32, #tpu.memory_space<vmem>>, vector<1x16xf32>,
    %get3A_635 = vector.shape_cast %get3A_634 : vector<1x16xf32> to vector<16xf32>
    %mul3A_636 = arith.mulf %get3A_635, %max3A_33 : vector<16xf32>
    %add3A_637 = arith.addf %add3A_630, %mul3A_636 : vector<16xf32>
    %get3A_638 = arith.constant 9 : i32
    %get3A_639 = arith.index_cast %get3A_638 : i32 to index
    %get3A_640 = arith.constant 96 : index
    %get3A_641 = tpu.vector_load %arg8[%get3A_639, %get3A_640] {strides = array<i32>} : memref<10x128xf32, #tpu.memory_space<vmem>>, vector<1x16xf32>,
    %get3A_642 = vector.shape_cast %get3A_641 : vector<1x16xf32> to vector<16xf32>
    %mul3A_643 = arith.mulf %get3A_642, %max3A_36 : vector<16xf32>
    %add3A_644 = arith.addf %add3A_637, %mul3A_643 : vector<16xf32>
    %get3A_645 = arith.constant 9 : i32
    %get3A_646 = arith.index_cast %get3A_645 : i32 to index
    %get3A_647 = arith.constant 112 : index
    %get3A_648 = tpu.vector_load %arg8[%get3A_646, %get3A_647] {strides = array<i32>} : memref<10x128xf32, #tpu.memory_space<vmem>>, vector<1x16xf32>,
    %get3A_649 = vector.shape_cast %get3A_648 : vector<1x16xf32> to vector<16xf32>
    %mul3A_650 = arith.mulf %get3A_649, %max3A_39 : vector<16xf32>
    %add3A_651 = arith.addf %add3A_644, %mul3A_650 : vector<16xf32>
    %swap3A_652 = arith.constant 9 : i32
    %swap3A_653 = arith.index_cast %swap3A_652 : i32 to index
    %swap3A_654 = arith.constant 0 : index
    %swap3A_655 = tpu.vector_load %arg9[%swap3A_653, %swap3A_654] {strides = array<i32>} : memref<10x16xf32, #tpu.memory_space<vmem>>, vector<1x16xf32>,
    %swap3A_656 = vector.shape_cast %swap3A_655 : vector<1x16xf32> to vector<16xf32>
    %swap3A_657 = vector.shape_cast %add3A_651 : vector<16xf32> to vector<1x16xf32>
    tpu.vector_store %arg9[%swap3A_653, %swap3A_654], %swap3A_657 {strides = array<i32>} : memref<10x16xf32, #tpu.memory_space<vmem>>, vector<1x16xf32>,
    "tpu.region"() ({
      %run_scoped3A = tpu.sem_alloc : memref<!tpu.dma_semaphore, #tpu.memory_space<semaphore_mem>>
      %dma_start3A_658 = arith.constant 0 : i32
      %dma_start3A_659 = arith.constant 0 : i32
      %dma_start3A_660 = tpu.memref_slice %arg5[%add3A, %dma_start3A_658, %dma_start3A_659] : memref<32x10x16xf32, #tpu.memory_space<hbm>> -> memref<1x10x16xf32, #tpu.memory_space<hbm>>
      %dma_start3A_661 = tpu.memref_squeeze %dma_start3A_660 : memref<1x10x16xf32, #tpu.memory_space<hbm>> -> memref<10x16xf32, #tpu.memory_space<hbm>>
      %dma_start3A_662 = arith.constant 0 : i32
      %dma_start3A_663 = arith.constant 0 : i32
      %dma_start3A_664 = tpu.memref_slice %arg5[%add3A, %dma_start3A_662, %dma_start3A_663] : memref<32x10x16xf32, #tpu.memory_space<hbm>> -> memref<1x10x16xf32, #tpu.memory_space<hbm>>
      %dma_start3A_665 = tpu.memref_squeeze %dma_start3A_664 : memref<1x10x16xf32, #tpu.memory_space<hbm>> -> memref<10x16xf32, #tpu.memory_space<hbm>>
      tpu.enqueue_dma source(%arg9 : memref<10x16xf32, #tpu.memory_space<vmem>>) target(%dma_start3A_665 : memref<10x16xf32, #tpu.memory_space<hbm>>) target_semaphore(%run_scoped3A : memref<!tpu.dma_semaphore, #tpu.memory_space<semaphore_mem>>)
      %dma_wait3A_666 = arith.constant 0 : i32
      %dma_wait3A_667 = arith.constant 0 : i32
      %dma_wait3A_668 = tpu.memref_slice %arg5[%add3A, %dma_wait3A_666, %dma_wait3A_667] : memref<32x10x16xf32, #tpu.memory_space<hbm>> -> memref<1x10x16xf32, #tpu.memory_space<hbm>>
      %dma_wait3A_669 = tpu.memref_squeeze %dma_wait3A_668 : memref<1x10x16xf32, #tpu.memory_space<hbm>> -> memref<10x16xf32, #tpu.memory_space<hbm>>
      %dma_wait3A_670 = arith.constant 0 : i32
      %dma_wait3A_671 = arith.constant 0 : i32
      %dma_wait3A_672 = tpu.memref_slice %arg5[%add3A, %dma_wait3A_670, %dma_wait3A_671] : memref<32x10x16xf32, #tpu.memory_space<hbm>> -> memref<1x10x16xf32, #tpu.memory_space<hbm>>
      %dma_wait3A_673 = tpu.memref_squeeze %dma_wait3A_672 : memref<1x10x16xf32, #tpu.memory_space<hbm>> -> memref<10x16xf32, #tpu.memory_space<hbm>>
      tpu.wait_dma2 semaphore(%run_scoped3A : memref<!tpu.dma_semaphore, #tpu.memory_space<semaphore_mem>>) src(%arg9 : memref<10x16xf32, #tpu.memory_space<vmem>>) dst(%dma_wait3A_673 : memref<10x16xf32, #tpu.memory_space<hbm>>)
      tpu.yield
    }) : () -> ()
    return
  }
}

module attributes {stable_mosaic.version = 14 : i64} {
  func.func @_tc_kernel(%arg0: i32, %arg1: memref<1x784xf32, #tpu.memory_space<vmem>>, %arg2: memref<784x2048xf32, #tpu.memory_space<vmem>>, %arg3: memref<10x2048xf32, #tpu.memory_space<vmem>>, %arg4: memref<10x1xf32, #tpu.memory_space<vmem>>, %arg5: memref<10x1xf32, #tpu.memory_space<vmem>>) attributes {dimension_semantics = [#tpu.dimension_semantics<arbitrary>], iteration_bounds = array<i64: 2>, scalar_prefetch = 0 : i64, scratch_operands = 0 : i64, tpu.core_type = #tpu.core_type<tc>, window_params = [{pipeline_mode = #tpu.pipeline_mode<synchronous>, transform_indices = @transform_0, window_bounds = array<i64: 1, 784>}, {transform_indices = @transform_1, window_bounds = array<i64: 784, 2048>}, {transform_indices = @transform_2, window_bounds = array<i64: 10, 2048>}, {pipeline_mode = #tpu.pipeline_mode<synchronous>, transform_indices = @transform_3, window_bounds = array<i64: 10, 1>}, {pipeline_mode = #tpu.pipeline_mode<synchronous>, transform_indices = @transform_4, window_bounds = array<i64: 10, 1>}]} {
    %get3A = arith.constant 0 : index
    %get3A_0 = arith.constant 0 : index
    %get3A_1 = vector.load %arg1[%get3A, %get3A_0] : memref<1x784xf32, #tpu.memory_space<vmem>>, vector<1x784xf32>
    %get3A_2 = arith.constant 0 : index
    %get3A_3 = arith.constant 0 : index
    %get3A_4 = vector.load %arg2[%get3A_2, %get3A_3] : memref<784x2048xf32, #tpu.memory_space<vmem>>, vector<784x2048xf32>
    %dot_general3A = arith.constant dense<0.000000e+00> : vector<1x2048xf32>
    %dot_general3A_5 = tpu.matmul %get3A_1, %get3A_4, %dot_general3A {dimension_numbers = #tpu.dot_dimension_numbers<[1], [0], [0], [1], [0, 0, 1, 1], [], []>, transpose_lhs_hint = false} : vector<1x784xf32>, vector<784x2048xf32>, vector<1x2048xf32> -> vector<1x2048xf32>
    %max3A = arith.constant 0.000000e+00 : f32
    %max3A_6 = vector.broadcast %max3A : f32 to vector<1x2048xf32>
    %max3A_7 = arith.maximumf %dot_general3A_5, %max3A_6 : vector<1x2048xf32>
    %get3A_8 = arith.constant 0 : index
    %get3A_9 = arith.constant 0 : index
    %get3A_10 = vector.load %arg3[%get3A_8, %get3A_9] : memref<10x2048xf32, #tpu.memory_space<vmem>>, vector<10x2048xf32>
    %dot_general3A_11 = arith.constant dense<0.000000e+00> : vector<10x1xf32>
    %dot_general3A_12 = tpu.matmul %get3A_10, %max3A_7, %dot_general3A_11 {dimension_numbers = #tpu.dot_dimension_numbers<[1], [1], [0], [0], [0, 0, 1, 0], [], []>, transpose_lhs_hint = false} : vector<10x2048xf32>, vector<1x2048xf32>, vector<10x1xf32> -> vector<10x1xf32>
    %eq3A = arith.constant 0 : i32
    %eq3A_13 = arith.cmpi eq, %arg0, %eq3A : i32
    %convert_element_type3A = arith.extui %eq3A_13 : i1 to i32
    %cond3A = arith.constant 0 : i32
    %cond3A_14 = arith.cmpi ne, %convert_element_type3A, %cond3A : i32
    scf.if %cond3A_14 {
      %get3A_19 = arith.constant 0 : index
      %get3A_20 = arith.constant 0 : index
      %get3A_21 = vector.load %arg4[%get3A_19, %get3A_20] : memref<10x1xf32, #tpu.memory_space<vmem>>, vector<10x1xf32>
      %add3A = arith.addf %get3A_21, %dot_general3A_12 : vector<10x1xf32>
      %swap3A = arith.constant 0 : index
      %swap3A_22 = arith.constant 0 : index
      %swap3A_23 = vector.load %arg5[%swap3A, %swap3A_22] : memref<10x1xf32, #tpu.memory_space<vmem>>, vector<10x1xf32>
      tpu.vector_store %arg5[%swap3A, %swap3A_22], %add3A {strides = array<i32>} : memref<10x1xf32, #tpu.memory_space<vmem>>, vector<10x1xf32>,
    } else {
    }
    %ne3A = arith.constant 0 : i32
    %ne3A_15 = arith.cmpi ne, %arg0, %ne3A : i32
    %convert_element_type3A_16 = arith.extui %ne3A_15 : i1 to i32
    %cond3A_17 = arith.constant 0 : i32
    %cond3A_18 = arith.cmpi ne, %convert_element_type3A_16, %cond3A_17 : i32
    scf.if %cond3A_18 {
      %get3A_19 = arith.constant 0 : index
      %get3A_20 = arith.constant 0 : index
      %get3A_21 = vector.load %arg5[%get3A_19, %get3A_20] : memref<10x1xf32, #tpu.memory_space<vmem>>, vector<10x1xf32>
      %add3A = arith.addf %get3A_21, %dot_general3A_12 : vector<10x1xf32>
      %swap3A = arith.constant 0 : index
      %swap3A_22 = arith.constant 0 : index
      %swap3A_23 = vector.load %arg5[%swap3A, %swap3A_22] : memref<10x1xf32, #tpu.memory_space<vmem>>, vector<10x1xf32>
      tpu.vector_store %arg5[%swap3A, %swap3A_22], %add3A {strides = array<i32>} : memref<10x1xf32, #tpu.memory_space<vmem>>, vector<10x1xf32>,
    } else {
    }
    return
  }
  func.func @transform_0(%arg0: i32) -> (i32, i32) {
    %c0_i32 = arith.constant 0 : i32
    %c0_i32_0 = arith.constant 0 : i32
    %c0_i32_1 = arith.constant 0 : i32
    return %c0_i32, %c0_i32_0 : i32, i32
  }
  func.func @transform_1(%arg0: i32) -> (i32, i32) {
    %c0_i32 = arith.constant 0 : i32
    %c0_i32_0 = arith.constant 0 : i32
    return %c0_i32, %arg0 : i32, i32
  }
  func.func @transform_2(%arg0: i32) -> (i32, i32) {
    %c0_i32 = arith.constant 0 : i32
    %c0_i32_0 = arith.constant 0 : i32
    return %c0_i32, %arg0 : i32, i32
  }
  func.func @transform_3(%arg0: i32) -> (i32, i32) {
    %c0_i32 = arith.constant 0 : i32
    %c0_i32_0 = arith.constant 0 : i32
    %c0_i32_1 = arith.constant 0 : i32
    return %c0_i32, %c0_i32_0 : i32, i32
  }
  func.func @transform_4(%arg0: i32) -> (i32, i32) {
    %c0_i32 = arith.constant 0 : i32
    %c0_i32_0 = arith.constant 0 : i32
    %c0_i32_1 = arith.constant 0 : i32
    return %c0_i32, %c0_i32_0 : i32, i32
  }
}

</mosaic_0001>

<sc_bundles>
// kernel: kernel.4.cloned.1.call-start
scs
__scs_entry_jumppad:
0x0: {  	(pc) =	sbr.rel $0x88, $3  }
0x1: {  	(tag) =	ssettag $0x0;
	lr =	simm.s32 $0x1  }
0x2: {  	[smem:$0x3F9D] =	sst lr;
	_ =	strace $0xD0000000  }
0x3: {  	_ = 	snop  }
0x4: {  	_ = 	snop  }
0x5: {  	_ = 	snop  }
0x6: {  	_ = 	snop  }
0x7: {  	_ = 	snop  }
__scs_overlays_trampoline_lowered:
0x8: {  	[smem:$0x3FAC] =	sst s0  }
0x9: {  	[smem:$0x3FAD] =	sst s1  }
0xa: {  	[smem:$0x3FAE] =	sst s2  }
0xb: {  	[smem:$0x3FAF] =	sst s3  }
0xc: {  	[smem:$0x3FB0] =	sst s4  }
0xd: {  	[smem:$0x3FB1] =	sst s5  }
0xe: {  	[smem:$0x3FB2] =	sst s6  }
0xf: {  	[smem:$0x3FB3] =	sst s7  }
0x10: {  	[smem:$0x3FB4] =	sst s8  }
0x11: {  	[smem:$0x3FB5] =	sst s9;
	s0 =	simm.s32 @!p0 $0x0  }
0x12: {  	s1 =	sld [smem:$0x3F9B];
	s0 =	simm.s32 @p0 $0x1  }
0x13: {  	[smem:$0x3FB6] =	sst s0;
	s0 =	simm.s32 @!p1 $0x0  }
0x14: {  	s2 =	sld [smem:$0x3F9A];
	s0 =	simm.s32 @p1 $0x1  }
0x15: {  	[smem:$0x3FB7] =	sst s0;
	s0 =	simm.s32 @!p2 $0x0  }
0x16: {  	s3 =	sld [smem:$0x3FDB];
	s0 =	simm.s32 @p2 $0x1  }
0x17: {  	s4 =	simm.s32 $0x1BF5;
	[smem:$0x3FB9] =	sst s0  }
0x18: {  	s0 =	sld [smem:$0x3F9C];
	_ =	swait.ge [sflag:s4], $0x0  }
0x19: {  	s7 =	sld [smem:$0x3F9D]  }
0x1a: {  	s8 =	sadd.s32 $0xFFFFE003, lr  }
0x1b: {  	s9 =	sadd.s32 $0xFFFFFEF7, lr;
	s5 =	simm.s32 $0xFFFFFFFF;
	p2 =	slt.u32 s8, $0xFFFFF086  }
0x1c: {  	p1 =	slt.u32 s9, $0xF7A;
	s5 =	simm.s32 @!p2 $0x0  }
0x1d: {  	s5 =	simm.s32 @p1 $0x1;
	p0 =	seq.s32 s7, s2  }
0x1e: {  	s7 =	smul.u32 @!p0 $0xF7A, s2;
	p2 =	seq.s32 @!p0 s5, $0x0  }
0x1f: {  	s9 =	smul.u32 $0xF7A, s1;
	s8 =	simm.s32 @!p0 $0x1BF5;
	p2 =	por !p2, p0  }
0x20: {  	[sflag:s8] =	ssyncset.s32 @!p0 $0xFFFFF086;
	s6 =	sadd.s32 @!p0 s3, s7;
	s7 =	simm.s32 @!p0 $0x108  }
0x21: {  	s3 =	sadd.s32 s3, s9;
	s6 =	sadd.s32 @!p0 $0x88, s6;
	s7 =	simm.s32 @p2 $0x1082  }
0x22: {  	[simem:s7], [sflag:s8] =	dma.local @!p0 [hbm:s6], $0xF7A  }
0x23: {  	s9 =	sor.u32 $0xD0000000, s2;
	s6 =	simm.s32 $0x108;
	_ =	swait.ge @!p0 [sflag:s8], $0x0  }
0x24: {  	s3 =	sadd.s32 $0x88, s3;
	s6 =	simm.s32 @!p1 $0x1082;
	[sflag:s4] =	ssyncset.s32 $0xFFFFF086  }
0x25: {  	[simem:s6], [sflag:s4] =	dma.local [hbm:s3], $0xF7A  }
0x26: {  	[smem:$0x3F9D] =	sst s1;
	(tag) =	ssettag s2;
	_ =	strace s9  }
0x27: {  	s1 =	sld [smem:$0x3FAD]  }
0x28: {  	s2 =	sld [smem:$0x3FAE]  }
0x29: {  	s4 =	sld [smem:$0x3FB0]  }
0x2a: {  	p0 =	seq.s32 s5, $0x0;
	s5 =	sld [smem:$0x3FB1]  }
0x2b: {  	s6 =	sld [smem:$0x3FB2]  }
0x2c: {  	s7 =	sld [smem:$0x3FB3]  }
0x2d: {  	s3 =	simm.s32 $0x108;
	s8 =	sld [smem:$0x3FB4]  }
0x2e: {  	s3 =	simm.s32 @!p0 $0x1082;
	s9 =	sld [smem:$0x3FB5]  }
0x2f: {  	lr =	sadd.s32 s0, s3;
	s0 =	sld [smem:$0x3FAC]  }
0x30: {  	s3 =	sld [smem:$0x3FAF]  }
0x31: {  	[smem:$0x3FB8] =	sst s10  }
0x32: {  	s10 =	sld [smem:$0x3FB6];
	_ =	sdelay $0x3  }
0x33: {  	p0 =	seq.s32 s10, $0x1;
	s10 =	sld [smem:$0x3FB8];
	_ =	sdelay $0x3  }
0x34: {  	[smem:$0x3FB8] =	sst s10  }
0x35: {  	s10 =	sld [smem:$0x3FB7];
	_ =	sdelay $0x3  }
0x36: {  	p1 =	seq.s32 s10, $0x1;
	s10 =	sld [smem:$0x3FB8];
	_ =	sdelay $0x3  }
0x37: {  	[smem:$0x3FB8] =	sst s10  }
0x38: {  	s10 =	sld [smem:$0x3FB9]  }
0x39: {  	_ = 	snop;
	(pc) =	sbr.ind lr, $3  }
0x3a: {  	_ = 	snop  }
0x3b: {  	_ = 	snop  }
0x3c: {  	p2 =	seq.s32 s10, $0x1;
	s10 =	sld [smem:$0x3FB8]  }
0x3d: {  	_ =	shalt  }
0x3e: {  	_ =	shalt  }
0x3f: {  	_ =	shalt  }
0x40: {  	_ =	shalt  }
0x41: {  	_ =	shalt  }
0x42: {  	_ =	shalt  }
0x43: {  	_ =	shalt  }
0x44: {  	_ =	shalt  }
0x45: {  	_ =	shalt  }
0x46: {  	_ =	shalt  }
0x47: {  	_ =	shalt  }
0x48: {  	_ =	shalt  }
0x49: {  	_ =	shalt  }
0x4a: {  	_ =	shalt  }
0x4b: {  	_ =	shalt  }
0x4c: {  	_ =	shalt  }
0x4d: {  	_ =	shalt  }
0x4e: {  	_ =	shalt  }
0x4f: {  	_ =	shalt  }
0x50: {  	_ =	shalt  }
0x51: {  	_ =	shalt  }
0x52: {  	_ =	shalt  }
0x53: {  	_ =	shalt  }
0x54: {  	_ =	shalt  }
0x55: {  	_ =	shalt  }
0x56: {  	_ =	shalt  }
0x57: {  	_ =	shalt  }
0x58: {  	_ =	shalt  }
0x59: {  	_ =	shalt  }
0x5a: {  	_ =	shalt  }
0x5b: {  	_ =	shalt  }
0x5c: {  	_ =	shalt  }
0x5d: {  	_ =	shalt  }
0x5e: {  	_ =	shalt  }
0x5f: {  	_ =	shalt  }
0x60: {  	_ =	shalt  }
0x61: {  	_ =	shalt  }
0x62: {  	_ =	shalt  }
0x63: {  	_ =	shalt  }
0x64: {  	_ =	shalt  }
0x65: {  	_ =	shalt  }
0x66: {  	_ =	shalt  }
0x67: {  	_ =	shalt  }
0x68: {  	_ =	shalt  }
0x69: {  	_ =	shalt  }
0x6a: {  	_ =	shalt  }
0x6b: {  	_ =	shalt  }
0x6c: {  	_ =	shalt  }
0x6d: {  	_ =	shalt  }
0x6e: {  	_ =	shalt  }
0x6f: {  	_ =	shalt  }
0x70: {  	_ =	shalt  }
0x71: {  	_ =	shalt  }
0x72: {  	_ =	shalt  }
0x73: {  	_ =	shalt  }
0x74: {  	_ =	shalt  }
0x75: {  	_ =	shalt  }
0x76: {  	_ =	shalt  }
0x77: {  	_ =	shalt  }
0x78: {  	_ =	shalt  }
0x79: {  	_ =	shalt  }
0x7a: {  	_ =	shalt  }
0x7b: {  	_ =	shalt  }
0x7c: {  	_ =	shalt  }
0x7d: {  	_ =	shalt  }
0x7e: {  	_ =	shalt  }
0x7f: {  	_ =	shalt  }
0x80: {  	_ =	shalt  }
0x81: {  	_ =	shalt  }
0x82: {  	_ =	shalt  }
0x83: {  	_ =	shalt  }
0x84: {  	_ =	shalt  }
0x85: {  	_ =	shalt  }
0x86: {  	_ =	shalt  }
0x87: {  	_ =	shalt  }
.Lfunc_end0:
.L_simem_size_0:
called_computation_lowered:
.L_overlay_start_0:
0x88: {  	s2 =	sld [smem:$0x3FD9]  }
0x89: {  	s3 =	sld [smem:$0x3FFE];
	_ =	sdelay $0x1  }
0x8a: {  	s1 =	srdreg.scid  }
0x8b: {  	s0 =	sand.u32 $0x1, s1  }
0x8c: {  	s17 =	sshll.u32 s0, $0xA;
	s2 =	sadd.s32 s3, s2  }
0x8d: {  	s2 =	sadd.s32 s2, s17  }
0x8e: {  	[smem:$0x3FC4] =	sst s2  }
0x8f: {  	_ = 	snop  }
0x90: {  	s2 =	sld [smem:$0x3FC9]  }
0x91: {  	s18 =	sld [smem:$0x3FC8]  }
0x92: {  	s4 =	sld [smem:$0x3FC7];
	(tm) =	ssettm $0x1  }
0x93: {  	s5 =	sld [smem:$0x3FFB];
	_ =	sdelay $0x3  }
0x94: {  	_ =	strace s5  }
0x95: {  	s5 =	sld [smem:$0x3FFC];
	_ =	sdelay $0x3  }
0x96: {  	_ =	strace s5  }
0x97: {  	s5 =	sld [smem:$0x3FFD];
	_ =	sdelay $0x3  }
0x98: {  	_ =	strace s5  }
0x99: {  	_ =	strace $0x8FFFFFFF  }
0x9a: {  	s19 =	sld [smem:$0x3FDB];
	_ =	sdelay $0x1  }
0x9b: {  	s6 =	simm.s32 $_scs_section_size  }
0x9c: {  	s7 =	simm.s32 $_size__tile_overlayer_lowered;
	s8 =	simm.s32 $_tile_overlayer_lowered  }
0x9d: {  	s22 =	simm.s32 $0x1BFF;
	s21 =	sshll.u32 s8, $0x1;
	s5 =	sadd.s32 s6, s19  }
0x9e: {  	s9 =	simm.s32 $0x0;
	s20 =	sshll.u32 s7, $0x1;
	s7 =	sadd.s32 s21, s5  }
0x9f: {  	[timem:s9], [sflag:s22] =	dma.local [hbm:s7], s20  }
0xa0: {  	_ =	swait.ge [sflag:s22], s20  }
0xa1: {  	s6 =	ssub.s32 $0x0, s20;
	[sflag:s22] =	ssyncset.done $0x0  }
0xa2: {  	[sflag:s22] =	ssyncadd.s32 s6;
	_ =	sdelay $0x1  }
0xa3: {  	s23 =	simm.s32 $0x1B8B  }
0xa4: {  	_ =	swait.ge [sflag:s23], $0x1  }
0xa5: {  	[sflag:s23] =	ssyncset.done $0x0  }
0xa6: {  	s25 =	simm.s32 $0x1B8E;
	s24 =	sld [smem:$0x3FFE];
	[sflag:s23] =	ssyncadd.s32 $0xFFFFFFFF  }
0xa7: {  	s26 =	simm.s32 $execute0_lowered;
	[smem:$0x3FD2] =	sst s25  }
0xa8: {  	s7 =	sshll.u32 s26, $0x1;
	_ =	strace $0x80000046;
	[dreg:$0x1] =	wrdreg $0xFFFFFFFF  }
0xa9: {  	s28 =	simm.s32 $_size_execute0_lowered;
	s5 =	sadd.s32 s5, s7;
	[dreg:$0x0] =	wrdreg $0x0  }
0xaa: {  	s7 =	sshll.u32 s28, $0x1;
	[dreg:$0x2] =	wrdreg s5  }
0xab: {  	[dreg:$0x3] =	wrdreg s7  }
0xac: {  	[dreg:$0x4] =	wrdreg $0xC0  }
0xad: {  	_ =	task [dreg:s9], $0x5FFFF  }
0xae: {  	[dreg:$0x1] =	wrdreg $0xFFFFFFFF  }
0xaf: {  	[dreg:$0x0] =	wrdreg $0x60  }
0xb0: {  	[dreg:$0x2] =	wrdreg s18  }
0xb1: {  	[dreg:$0x3] =	wrdreg s2  }
0xb2: {  	[dreg:$0x4] =	wrdreg s4  }
0xb3: {  	[dreg:$0x5] =	wrdreg s24  }
0xb4: {  	[dreg:$0x6] =	wrdreg $0x9  }
0xb5: {  	_ =	task.clear_ibuf [dreg:s9], $0x7FFFF;
	_ =	strace $0x90000046  }
0xb6: {  	s29 =	simm.s32 $0x9;
	_ =	strace $0x80000048  }
0xb7: {  	_ =	swait.ge [sflag:s29], $0x1  }
0xb8: {  	[sflag:s29] =	ssyncadd.s32 $0xFFFFFFFF  }
0xb9: {  	_ =	strace $0x90000048  }
0xba: {  	_ =	sfence  }
0xbb: {  	s30 =	sld [smem:$0x0];
	_ =	sdelay $0x2  }
0xbc: {  	s31 =	sshll.u32 s1, $0xD;
	s1 =	sshrl.u32 s1, $0x2  }
0xbd: {  	s3 =	sand.u32 $0x4000, s31;
	s1 =	sadd.s32 s1, s30  }
0xbe: {  	s0 =	sor.u32 s3, s0;
	s1 =	sshll.u32 s1, $0x11  }
0xbf: {  	s0 =	sor.u32 s1, s0  }
0xc0: {  	s0 =	sadd.s32 $0x8F2B, s0  }
0xc1: {  	[sflag:s0] =	ssyncadd.remote.s32 $0x1  }
0xc2: {  	_ =	sfence.sel $0xFFFF  }
0xc3: {  	[dreg:$0x0] =	wrdreg $0xFFFFFFFF;
	(pc) =	sbr.abs _section_cstart, $3  }
0xc4: {  	[dreg:$0x1] =	wrdreg $0xFFFFFFFF  }
0xc5: {  	_ =	task.clear_ibuf [dreg:s9], $0x2FFFF;
	_ =	strace $0x9FFFFFFF  }
0xc6: {  	(tm) =	ssettm $0x7FFFFFFF  }
0xc7: {  	_ =	shalt  }
tec
execute0_lowered:
.L_overlay_start_1:
0x0: {  	(tag) =	ssettag $0x1  }
0x1: {  	s4 =	rddreg [dreg:$0x0]  }
0x2: {  	s1 =	rddreg [dreg:$0x1]  }
0x3: {  	s5 =	rddreg [dreg:$0x2]  }
0x4: {  	s2 =	srdreg.scid;
	s0 =	stileid.u32  }
0x5: {  	s6 =	rddreg [dreg:$0x3];
	s3 =	simm.s32 $0x0;
	s11 =	simm.s32 $0x18B80  }
0x6: {  	s13 =	simm.s32 $0x18F80;
	s14 =	simm.s32 $0x1;
	s15 =	simm.s32 $0x19380  }
0x7: {  	s7 =	sand.u32 $0x1, s2;
	s8 =	sshll.u32 s0, $0x1;
	s2 =	rddreg [dreg:$0x4]  }
0x8: {  	s16 =	simm.s32 $0x0;
	[smem:$0x7FF] =	sst s3;
	s8 =	sor.u32 s7, s8  }
0x9: {  	s7 =	ssub.s32 $0x2, s7;
	_ =	strace $0x80000047;
	s9 =	sshll.u32 s8, $0x7  }
0xa: {  	s10 =	sshrl.u32 s7, $0x1;
	s8 =	sshll.u32 s8, $0x8;
	s9 =	sor.u32 $0x1000, s9  }
0xb: {  	s7 =	ssub.s32 s7, s10;
	s6 =	sadd.s32 s6, s8;
	s8 =	simm.s32 $0x10000  }
0xc: {  	s10 =	simm.s32 $0x2;
	s4 =	sadd.s32 s4, s9;
	s5 =	sadd.s32 s5, s9  }
0xd: {  	s7 =	smax.u32 s7, $0x1;
	s9 =	simm.s32 $0x18800;
	s12 =	sadd.s32 $0x2000, s5  }
.LBB2_1:
0xe: {  	s17 =	simm.s32 $0x400  }
0xf: {  	[tilespmem:s3], [sflag:$0x1] =	stream.strided.gather [hbm4b:s4+s17], $0x18800, s8, s17, $0x38;
	[tilespmem:$0x19B80] =	vst v63  }
0x10: {  	_ = 	snop  }
0x11: {  	[tilespmem:s9], [sflag:$0x2] =	stream.linear.gather [hbm4b:s1+s3], $0x380, $0x38;
	[tilespmem:$0x19B80] =	vst v63  }
0x12: {  	_ =	swait.ge [sflag:s10], $0x380  }
0x13: {  	[sflag:s10] =	ssyncset.done $0x0  }
0x14: {  	[sflag:s10] =	ssyncadd.s32 $0xFFFFFC80  }
0x15: {  	[tilespmem:s11], [sflag:$0x2] =	stream.linear.gather [hbm4b:s5+s3], $0x400, $0x38;
	[tilespmem:$0x19B80] =	vst v63  }
0x16: {  	_ = 	snop  }
0x17: {  	[tilespmem:s13], [sflag:$0x2] =	stream.linear.gather [hbm4b:s12+s3], $0x100, $0x38;
	[tilespmem:$0x19B80] =	vst v63  }
0x18: {  	_ =	swait.ge [sflag:s10], $0x500  }
0x19: {  	[sflag:s10] =	ssyncset.done $0x0  }
0x1a: {  	[sflag:s10] =	ssyncadd.s32 $0xFFFFFB00  }
0x1b: {  	_ =	swait.ge [sflag:s14], $0x18800  }
0x1c: {  	[sflag:s14] =	ssyncset.done $0x0  }
0x1d: {  	[sflag:s14] =	ssyncadd.s32 $0xFFFE7800  }
0x1e: {  	v29 =	vld [tilespmem:s17+$0x380]  }
0x1f: {  	v30 =	vld [tilespmem:s17+$0x390]  }
0x20: {  	v32 =	vld [tilespmem:s17+$0x3A0]  }
0x21: {  	v38 =	vld [tilespmem:s17+$0x3B0]  }
0x22: {  	v39 =	vld [tilespmem:s17+$0x3C0]  }
0x23: {  	v40 =	vld [tilespmem:s17+$0x3D0]  }
0x24: {  	v41 =	vld [tilespmem:s17+$0x300]  }
0x25: {  	v44 =	vld [tilespmem:s17+$0x310]  }
0x26: {  	v53 =	vld [tilespmem:s17+$0x320]  }
0x27: {  	v0 =	vld [tilespmem:s17+$0x110]  }
0x28: {  	v54 =	vld [tilespmem:s17+$0x330]  }
0x29: {  	v55 =	vld [tilespmem:s17+$0x340]  }
0x2a: {  	v56 =	vld [tilespmem:s17+$0x350]  }
0x2b: {  	v16 =	vld [tilespmem:s17+$0x280]  }
0x2c: {  	[tilespmem:$0x1FF20] =	vst v0;
	v0 =	vld [tilespmem:s17+$0x120]  }
0x2d: {  	v45 =	vld [tilespmem:s17+$0x290]  }
0x2e: {  	v46 =	vld [tilespmem:s17+$0x2A0]  }
0x2f: {  	v51 =	vld [tilespmem:s17+$0x2B0]  }
0x30: {  	v52 =	vld [tilespmem:s17+$0x2C0]  }
0x31: {  	[tilespmem:$0x1FF30] =	vst v0;
	v0 =	vld [tilespmem:s17+$0x130]  }
0x32: {  	s18 =	simm.s32 $0x0;
	v15 =	vld [tilespmem:s17+$0x2D0]  }
0x33: {  	v22 =	vld [tilespmem:s18+$0x18800]  }
0x34: {  	v13 =	vld [tilespmem:s17+$0xFFFFFD00]  }
0x35: {  	v17 =	vld [tilespmem:s17+$0xFFFFFC80]  }
0x36: {  	[tilespmem:$0x1FF40] =	vst v0;
	v0 =	vld [tilespmem:s17+$0x140]  }
0x37: {  	v12 =	vld [tilespmem:s17+$0xFFFFFC00]  }
0x38: {  	v18 =	vld [tilespmem:s17+$0xFFFFFC10];
	v1 =	vbroadcast v22, $0xE  }
0x39: {  	v31 =	vld [tilespmem:s17+$0xFFFFFC90];
	v3 =	vbroadcast v22, $0xC;
	v2 =	vbroadcast v22, $0xD  }
0x3a: {  	v57 =	vld [tilespmem:s17+$0xFFFFFC20];
	v7 =	vbroadcast v22, $0xA;
	v4 =	vbroadcast v22, $0xB  }
0x3b: {  	v24 =	vbroadcast v22, $0x0;
	v9 =	vbroadcast v22, $0x8;
	[tilespmem:$0x1FF50] =	vst v0;
	v0 =	vld [tilespmem:s17+$0x150]  }
0x3c: {  	v58 =	vld [tilespmem:s17+$0xFFFFFC30];
	v8 =	vbroadcast v22, $0x9;
	v23 =	vbroadcast v22, $0x1  }
0x3d: {  	v10 =	vld [tilespmem:s17+$0xFFFFFD20];
	v21 =	vbroadcast v22, $0x2;
	v60 =	vmul.f32 v24, v12  }
0x3e: {  	v59 =	vld [tilespmem:s17+$0xFFFFFCA0];
	v12 =	vbroadcast v22, $0x6;
	v18 =	vmul.f32 v18, v24  }
0x3f: {  	v6 =	vimm.f32 $0.0e+00;
	v61 =	vld [tilespmem:s17+$0xFFFFFCB0];
	v17 =	vmul.f32 v17, v23;
	v31 =	vmul.f32 v31, v23  }
0x40: {  	v14 =	vld [tilespmem:s17+$0x200];
	v57 =	vmul.f32 v57, v24;
	v60 =	vadd.f32 v60, v6;
	[tilespmem:$0x1FF70] =	vst v0;
	v0 =	vbroadcast v22, $0xF  }
0x41: {  	v19 =	vld [tilespmem:s17+$0x210];
	v63 =	vmul.f32 v13, v21;
	v13 =	vmul.f32 v58, v24;
	v18 =	vadd.f32 v18, v6  }
0x42: {  	v62 =	vld [tilespmem:s17+$0xFFFFFD10];
	v10 =	vmul.f32 v10, v21;
	v60 =	vadd.f32 v17, v60;
	v11 =	vmul.f32 v29, v0  }
0x43: {  	v58 =	vld [tilespmem:s17+$0xFFFFFD30];
	v31 =	vadd.f32 v31, v18;
	v17 =	vmul.f32 v59, v23;
	v18 =	vadd.f32 v57, v6  }
0x44: {  	v5 =	vimm.f32 $0.0e+00;
	v59 =	vmul.f32 v61, v23;
	v61 =	vld [tilespmem:s17+$0xFFFFFD80];
	[tilespmem:$0x1FDF0] =	vst v11;
	v11 =	vmul.f32 v30, v0  }
0x45: {  	[tilespmem:$0x1FDE0] =	vst v5;
	v49 =	vld [tilespmem:s17+$0x220];
	v57 =	vadd.f32 v13, v6;
	v13 =	vbroadcast v22, $0x7;
	v5 =	vadd.f32 v17, v18  }
0x46: {  	v18 =	vbroadcast v22, $0x4;
	v17 =	vbroadcast v22, $0x5;
	[tilespmem:$0x1FE00] =	vst v11;
	v11 =	vld [tilespmem:s17+$0xFFFFFE00]  }
0x47: {  	v48 =	vld [tilespmem:s17+$0x230];
	v5 =	vadd.f32 v10, v5;
	v22 =	vbroadcast v22, $0x3;
	v10 =	vmul.f32 v32, v0  }
0x48: {  	v58 =	vmul.f32 v58, v21;
	v57 =	vadd.f32 v59, v57;
	v59 =	vmul.f32 v62, v21;
	v62 =	vld [tilespmem:s17+$0xFFFFFDA0]  }
0x49: {  	v35 =	vld [tilespmem:s17+$0x240];
	v60 =	vadd.f32 v63, v60;
	[tilespmem:$0x1FE10] =	vst v10;
	v10 =	vmul.f32 v61, v22  }
0x4a: {  	v57 =	vadd.f32 v58, v57;
	v58 =	vld [tilespmem:s17+$0xFFFFFE20]  }
0x4b: {  	v25 =	vld [tilespmem:s17+$0x250];
	v10 =	vadd.f32 v10, v60;
	v11 =	vmul.f32 v11, v18  }
0x4c: {  	v6 =	vld [tilespmem:s17+$0xFFFFFD90]  }
0x4d: {  	v29 =	vld [tilespmem:s17+$0xFFFFFDB0];
	v32 =	vmul.f32 v62, v22;
	v10 =	vadd.f32 v11, v10;
	v11 =	vmul.f32 v53, v1  }
0x4e: {  	v20 =	vmul.f32 v38, v0;
	v30 =	vld [tilespmem:s17+$0xFFFFFE80]  }
0x4f: {  	v5 =	vadd.f32 v32, v5;
	v60 =	vld [tilespmem:s17+$0xFFFFFE30];
	[tilespmem:$0x1FE70] =	vst v11;
	v11 =	vmul.f32 v58, v18  }
0x50: {  	v61 =	vld [tilespmem:s17+$0xFFFFFE10];
	[tilespmem:$0x1FE20] =	vst v20;
	v20 =	vmul.f32 v39, v0  }
0x51: {  	v42 =	vld [tilespmem:s17+$0x180];
	v5 =	vadd.f32 v11, v5;
	v11 =	vmul.f32 v55, v1  }
0x52: {  	v59 =	vadd.f32 v59, v31;
	v31 =	vld [tilespmem:s17+$0xFFFFFE90];
	v6 =	vmul.f32 v6, v22;
	[tilespmem:$0x1FE30] =	vst v20  }
0x53: {  	v39 =	vld [tilespmem:s17+$0xFFFFFEB0];
	v20 =	vmul.f32 v40, v0;
	[tilespmem:$0x1FE90] =	vst v11;
	v11 =	vmul.f32 v30, v17  }
0x54: {  	v6 =	vadd.f32 v6, v59;
	v29 =	vmul.f32 v29, v22;
	v40 =	vmul.f32 v60, v18;
	v60 =	vld [tilespmem:s17+$0xFFFFFF10]  }
0x55: {  	v32 =	vmul.f32 v61, v18;
	v10 =	vadd.f32 v11, v10;
	v11 =	vmul.f32 v16, v2;
	v16 =	vld [tilespmem:s17+$0xFFFFFF30]  }
0x56: {  	v36 =	vld [tilespmem:s17+$0x190];
	v57 =	vadd.f32 v29, v57  }
0x57: {  	v62 =	vmul.f32 v31, v17;
	v6 =	vadd.f32 v32, v6;
	v30 =	vld [tilespmem:s17+$0xFFFFFF90]  }
0x58: {  	v26 =	vld [tilespmem:s17+$0x1A0];
	v15 =	vmul.f32 v15, v2;
	v57 =	vadd.f32 v40, v57;
	v53 =	vmul.f32 v39, v17  }
0x59: {  	v27 =	vld [tilespmem:s17+$0x1B0];
	v6 =	vadd.f32 v62, v6;
	v55 =	vmul.f32 v60, v12  }
0x5a: {  	v28 =	vld [tilespmem:s17+$0x1C0];
	[tilespmem:$0x1FED0] =	vst v15;
	v53 =	vadd.f32 v53, v57;
	v15 =	vmul.f32 v16, v12  }
0x5b: {  	v33 =	vld [tilespmem:s17+$0x1D0];
	v6 =	vadd.f32 v55, v6  }
0x5c: {  	v38 =	vld [tilespmem:s17+$0xFFFFFEA0];
	v15 =	vadd.f32 v15, v53;
	v53 =	vmul.f32 v19, v3;
	v19 =	vmul.f32 v30, v13  }
0x5d: {  	v34 =	vld [tilespmem:s17+$0x100]  }
0x5e: {  	[tilespmem:$0x1FE40] =	vst v20;
	v20 =	vmul.f32 v41, v1;
	v41 =	vld [tilespmem:s17+$0xFFFFFF00];
	v6 =	vadd.f32 v19, v6;
	v19 =	vmul.f32 v25, v3  }
0x5f: {  	v47 =	vld [tilespmem:s17+$0x80]  }
0x60: {  	v37 =	vld [tilespmem:s17+$0xA0];
	[tilespmem:$0x1FEF0] =	vst v19;
	v19 =	vmul.f32 v28, v4  }
0x61: {  	v63 =	vld [tilespmem:s17+$0xFFFFFF20];
	[tilespmem:$0x1FEB0] =	vst v11;
	v11 =	vmul.f32 v38, v17  }
0x62: {  	[tilespmem:$0x1FF00] =	vst v19;
	v19 =	vld [tilespmem:$0x1FF20]  }
0x63: {  	v29 =	vld [tilespmem:s17+$0xFFFFFF80];
	v5 =	vadd.f32 v11, v5;
	v11 =	vmul.f32 v41, v12  }
0x64: {  	v32 =	vld [tilespmem:s17+$0xFFFFFFB0];
	v62 =	vmul.f32 v26, v4  }
0x65: {  	v10 =	vadd.f32 v11, v10;
	v11 =	vmul.f32 v52, v2;
	v52 =	vmul.f32 v14, v3;
	v14 =	vld [tilespmem:s17+$0x10]  }
0x66: {  	v39 =	vld [tilespmem:s17+$0x30];
	v26 =	vmul.f32 v27, v4;
	v27 =	vmul.f32 v37, v8  }
0x67: {  	[tilespmem:$0x1FEC0] =	vst v11;
	v11 =	vmul.f32 v63, v12;
	v37 =	vmul.f32 v19, v7;
	v19 =	vld [tilespmem:$0x1FF40]  }
0x68: {  	v43 =	vld [tilespmem:s17+$0x90];
	[tilespmem:$0x1FE50] =	vst v20;
	v20 =	vmul.f32 v44, v1  }
0x69: {  	v50 =	vld [tilespmem:s17+$0xB0];
	v5 =	vadd.f32 v11, v5;
	v11 =	vmul.f32 v29, v13;
	v29 =	vmul.f32 v32, v13  }
0x6a: {  	v31 =	vld [tilespmem:s17+$0xFFFFFFA0];
	v14 =	vmul.f32 v14, v9  }
0x6b: {  	[tilespmem:$0x1FE60] =	vst v20;
	v20 =	vmul.f32 v54, v1;
	v54 =	vmul.f32 v49, v3;
	v49 =	vld [tilespmem:s17+$0xFFFFFFC0];
	v15 =	vadd.f32 v29, v15  }
0x6c: {  	v6 =	vadd.f32 v14, v6;
	v14 =	vmul.f32 v39, v9;
	v39 =	vmul.f32 v19, v7;
	v19 =	vld [tilespmem:$0x1FF50]  }
0x6d: {  	v57 =	vld [tilespmem:s17+$0xC0]  }
0x6e: {  	v60 =	vmul.f32 v36, v4;
	v36 =	vld [tilespmem:s17+$0xFFFFFEC0];
	v14 =	vadd.f32 v14, v15;
	v15 =	vmul.f32 v43, v8  }
0x6f: {  	v55 =	vmul.f32 v48, v3;
	v48 =	vld [tilespmem:s17+$0x40]  }
0x70: {  	v38 =	vld [tilespmem:s17+$0x20];
	v6 =	vadd.f32 v15, v6;
	v15 =	vmul.f32 v33, v4  }
0x71: {  	v16 =	vld [tilespmem:s17+$0x0];
	v19 =	vmul.f32 v19, v7  }
0x72: {  	v30 =	vld [tilespmem:s17+$0xFFFFFFD0];
	v10 =	vadd.f32 v11, v10;
	v11 =	vmul.f32 v31, v13;
	[tilespmem:$0x1FF10] =	vst v15;
	v15 =	vmul.f32 v50, v8  }
0x73: {  	v45 =	vmul.f32 v45, v2;
	v46 =	vmul.f32 v46, v2;
	[tilespmem:$0x1FF60] =	vst v19;
	v19 =	vld [tilespmem:$0x1FF70]  }
0x74: {  	v5 =	vadd.f32 v11, v5;
	v11 =	vmul.f32 v35, v3;
	v14 =	vadd.f32 v15, v14;
	v15 =	vld [tilespmem:$0x1FF30]  }
0x75: {  	[tilespmem:$0x1FE80] =	vst v20;
	v20 =	vmul.f32 v56, v1;
	v25 =	vmul.f32 v38, v9;
	v38 =	vld [tilespmem:s17+$0xFFFFFED0]  }
0x76: {  	v51 =	vmul.f32 v51, v2;
	v31 =	vld [tilespmem:s17+$0xFFFFFF40];
	[tilespmem:$0x1FEE0] =	vst v11;
	v11 =	vmul.f32 v16, v9  }
0x77: {  	[tilespmem:$0x1FEA0] =	vst v20;
	v56 =	vmul.f32 v49, v13;
	v20 =	vmul.f32 v57, v8;
	v16 =	vld [tilespmem:s17+$0xD0];
	v5 =	vadd.f32 v25, v5  }
0x78: {  	v10 =	vadd.f32 v11, v10;
	v11 =	vmul.f32 v42, v4;
	v42 =	vld [tilespmem:s17+$0x50];
	v19 =	vmul.f32 v19, v7  }
0x79: {  	v41 =	vld [tilespmem:s17+$0xFFFFFDC0];
	v25 =	vmul.f32 v47, v8;
	v5 =	vadd.f32 v27, v5;
	v15 =	vmul.f32 v15, v7  }
0x7a: {  	v57 =	vmul.f32 v30, v13;
	v61 =	vmul.f32 v38, v17;
	[tilespmem:$0x1FF80] =	vst v19;
	v19 =	vld [tilespmem:s17+$0xFFFFFE50]  }
0x7b: {  	v10 =	vadd.f32 v25, v10;
	v25 =	vld [tilespmem:s17+$0xFFFFFF50];
	v5 =	vadd.f32 v15, v5;
	v15 =	vmul.f32 v48, v9  }
0x7c: {  	v40 =	vld [tilespmem:s17+$0xFFFFFE40];
	[tilespmem:$0x1FF90] =	vst v20;
	v27 =	vmul.f32 v34, v7;
	v6 =	vadd.f32 v37, v6;
	v16 =	vmul.f32 v16, v8  }
0x7d: {  	v58 =	vmul.f32 v31, v12;
	[tilespmem:$0x1FFB0] =	vst v15;
	v15 =	vmul.f32 v42, v9;
	v42 =	vld [tilespmem:s17+$0xFFFFFDD0]  }
0x7e: {  	v50 =	vld [tilespmem:s17+$0xFFFFFCD0];
	v10 =	vadd.f32 v27, v10;
	v49 =	vadd.f32 v60, v6;
	v60 =	vmul.f32 v36, v17;
	[tilespmem:$0x1FFA0] =	vst v16  }
0x7f: {  	v16 =	vld [tilespmem:s17+$0xFFFFFCC0];
	v43 =	vadd.f32 v39, v14;
	[tilespmem:$0x1FFC0] =	vst v15;
	v63 =	vmul.f32 v19, v18;
	v19 =	vimm.f32 $0.0e+00  }
0x80: {  	v6 =	vmul.f32 v41, v22;
	v59 =	vmul.f32 v25, v12;
	v14 =	vld [tilespmem:s17+$0xFFFFFD40];
	[tilespmem:$0x1FFD0] =	vst v19;
	v19 =	vimm.f32 $0.0e+00  }
0x81: {  	v47 =	vadd.f32 v26, v43;
	v48 =	vld [tilespmem:s17+$0xFFFFFC40];
	v5 =	vadd.f32 v62, v5;
	[tilespmem:$0x1FFE0] =	vst v19;
	v19 =	vimm.f32 $0.0e+00  }
0x82: {  	s18 =	simm.s32 $0x40;
	v62 =	vmul.f32 v40, v18;
	v15 =	vadd.f32 v11, v10;
	v11 =	vld [tilespmem:s17+$0xFFFFFD50];
	v10 =	vmul.f32 v42, v22;
	[tilespmem:$0x1FFF0] =	vst v19  }
.LBB2_2:
0x83: {  	v20 =	vld [tilespmem:$0x1FEB0];
	_ =	sdelay $0x2  }
0x84: {  	v15 =	vadd.f32 v52, v15;
	_ =	sdelay $0x1  }
0x85: {  	v15 =	vadd.f32 v20, v15;
	v20 =	vld [tilespmem:$0x1FE50];
	_ =	sdelay $0x4  }
0x86: {  	v15 =	vadd.f32 v20, v15;
	v20 =	vld [tilespmem:$0x1FE60]  }
0x87: {  	v49 =	vadd.f32 v53, v49;
	_ =	sdelay $0x1  }
0x88: {  	v44 =	vadd.f32 v45, v49;
	_ =	sdelay $0x1  }
0x89: {  	v38 =	vadd.f32 v20, v44;
	v20 =	vld [tilespmem:$0x1FE70]  }
0x8a: {  	v5 =	vadd.f32 v54, v5;
	_ =	sdelay $0x1  }
0x8b: {  	v5 =	vadd.f32 v46, v5;
	_ =	sdelay $0x1  }
0x8c: {  	v5 =	vadd.f32 v20, v5;
	v20 =	vld [tilespmem:$0x1FE80]  }
0x8d: {  	v47 =	vadd.f32 v55, v47;
	_ =	sdelay $0x1  }
0x8e: {  	v33 =	vadd.f32 v51, v47;
	_ =	sdelay $0x1  }
0x8f: {  	v40 =	vadd.f32 v20, v33;
	v20 =	vld [tilespmem:$0x1FDF0];
	_ =	sdelay $0x4  }
0x90: {  	v15 =	vadd.f32 v20, v15;
	v20 =	vld [tilespmem:$0x1FE10];
	_ =	sdelay $0x3  }
0x91: {  	v19 =	vld [tilespmem:s17+$0xFFFFFC50]  }
0x92: {  	v5 =	vadd.f32 v20, v5  }
0x93: {  	v20 =	vld [tilespmem:$0x1FFD0]  }
0x94: {  	[tilespmem:$0x1FDC0] =	vst v5;
	v5 =	vld [tilespmem:$0x1FE20]  }
0x95: {  	v30 =	vld [tilespmem:s17+$0xFFFFFC60]  }
0x96: {  	v19 =	vmul.f32 v19, v24;
	[tilespmem:$0x1FDA0] =	vst v15;
	v15 =	vld [tilespmem:$0x1FE00]  }
0x97: {  	v31 =	vld [tilespmem:s17+$0xFFFFFC70]  }
0x98: {  	v19 =	vadd.f32 v19, v20;
	v20 =	vld [tilespmem:$0x1FFE0]  }
0x99: {  	v5 =	vadd.f32 v5, v40  }
0x9a: {  	v32 =	vld [tilespmem:s17+$0xFFFFFCE0]  }
0x9b: {  	v41 =	vmul.f32 v30, v24;
	v15 =	vadd.f32 v15, v38;
	[tilespmem:$0x1FDD0] =	vst v5;
	v5 =	vld [tilespmem:$0x1FDE0]  }
0x9c: {  	v35 =	vld [tilespmem:s17+$0xFFFFFCF0]  }
0x9d: {  	[tilespmem:$0x1FDB0] =	vst v15;
	v15 =	vmul.f32 v31, v24;
	v31 =	vadd.f32 v41, v20;
	v20 =	vld [tilespmem:$0x1FFF0]  }
0x9e: {  	v39 =	vld [tilespmem:s17+$0xFFFFFD60];
	v34 =	vmul.f32 v48, v24  }
0x9f: {  	v37 =	vld [tilespmem:s17+$0xFFFFFD70];
	v14 =	vmul.f32 v14, v21  }
0xa0: {  	v11 =	vmul.f32 v11, v21;
	v16 =	vmul.f32 v16, v23;
	v24 =	vld [tilespmem:s17+$0xFFFFFDE0];
	v5 =	vadd.f32 v34, v5  }
0xa1: {  	v55 =	vmul.f32 v50, v23;
	v29 =	vmul.f32 v32, v23;
	v30 =	vld [tilespmem:s17+$0xFFFFFDF0]  }
0xa2: {  	v23 =	vmul.f32 v35, v23;
	v32 =	vld [tilespmem:s17+$0xFFFFFE60];
	v15 =	vadd.f32 v15, v20;
	v5 =	vadd.f32 v16, v5  }
0xa3: {  	v35 =	vld [tilespmem:s17+$0xFFFFFE70];
	v29 =	vadd.f32 v29, v31;
	v16 =	vadd.f32 v55, v19;
	v19 =	vmul.f32 v39, v21  }
0xa4: {  	v21 =	vmul.f32 v37, v21;
	v15 =	vadd.f32 v23, v15;
	v23 =	vld [tilespmem:s17+$0xFFFFFEE0];
	v5 =	vadd.f32 v14, v5  }
0xa5: {  	v11 =	vadd.f32 v11, v16;
	v14 =	vmul.f32 v24, v22;
	v16 =	vld [tilespmem:s17+$0xFFFFFEF0];
	v19 =	vadd.f32 v19, v29  }
0xa6: {  	v15 =	vadd.f32 v21, v15;
	v21 =	vmul.f32 v30, v22;
	v22 =	vld [tilespmem:s17+$0xFFFFFF60];
	v5 =	vadd.f32 v6, v5  }
0xa7: {  	v6 =	vadd.f32 v10, v11;
	v10 =	vmul.f32 v32, v18;
	v11 =	vld [tilespmem:s17+$0xFFFFFF70];
	v14 =	vadd.f32 v14, v19  }
0xa8: {  	v18 =	vmul.f32 v35, v18;
	v19 =	vld [tilespmem:s17+$0xFFFFFFE0];
	v15 =	vadd.f32 v21, v15  }
0xa9: {  	v21 =	vmul.f32 v23, v17;
	v10 =	vadd.f32 v10, v14  }
0xaa: {  	v14 =	vadd.f32 v18, v15;
	v15 =	vmul.f32 v16, v17;
	v16 =	vld [tilespmem:s17+$0x60]  }
0xab: {  	v17 =	vmul.f32 v22, v12;
	v10 =	vadd.f32 v21, v10  }
0xac: {  	v5 =	vadd.f32 v62, v5;
	v11 =	vmul.f32 v11, v12;
	v12 =	vld [tilespmem:s17+$0xE0]  }
0xad: {  	v23 =	vld [tilespmem:s17+$0xFFFFFFF0];
	v14 =	vadd.f32 v15, v14;
	v15 =	vmul.f32 v19, v13;
	v10 =	vadd.f32 v17, v10  }
0xae: {  	v18 =	vld [tilespmem:s17+$0x70];
	v5 =	vadd.f32 v60, v5  }
0xaf: {  	v16 =	vmul.f32 v16, v9;
	v10 =	vadd.f32 v15, v10;
	v15 =	vld [tilespmem:$0x1FFB0]  }
0xb0: {  	v19 =	vld [tilespmem:s17+$0xF0];
	v5 =	vadd.f32 v58, v5  }
0xb1: {  	v6 =	vadd.f32 v63, v6;
	v12 =	vmul.f32 v12, v8;
	v10 =	vadd.f32 v16, v10;
	v16 =	vld [tilespmem:$0x1FF90]  }
0xb2: {  	v11 =	vadd.f32 v11, v14;
	v14 =	vld [tilespmem:s17+$0x160];
	v5 =	vadd.f32 v56, v5  }
0xb3: {  	v6 =	vadd.f32 v61, v6;
	v10 =	vadd.f32 v12, v10;
	v12 =	vld [tilespmem:$0x1FF60]  }
0xb4: {  	v5 =	vadd.f32 v15, v5;
	v15 =	vld [tilespmem:$0x1FFC0]  }
0xb5: {  	v6 =	vadd.f32 v59, v6;
	v17 =	vld [tilespmem:s17+$0x170];
	v13 =	vmul.f32 v23, v13  }
0xb6: {  	v5 =	vadd.f32 v16, v5;
	v16 =	vld [tilespmem:$0x1FFA0]  }
0xb7: {  	v6 =	vadd.f32 v57, v6;
	v9 =	vmul.f32 v18, v9;
	v11 =	vadd.f32 v13, v11;
	v13 =	vld [tilespmem:s17+$0x1E0]  }
0xb8: {  	v5 =	vadd.f32 v12, v5;
	v12 =	vld [tilespmem:$0x1FF80]  }
0xb9: {  	v9 =	vadd.f32 v9, v11;
	v11 =	vld [tilespmem:s17+$0x260];
	v14 =	vmul.f32 v14, v7;
	v6 =	vadd.f32 v15, v6  }
0xba: {  	v15 =	vld [tilespmem:s17+$0x1F0]  }
0xbb: {  	v8 =	vmul.f32 v19, v8;
	v10 =	vadd.f32 v14, v10;
	v14 =	vld [tilespmem:$0x1FF00];
	v6 =	vadd.f32 v16, v6  }
0xbc: {  	v7 =	vmul.f32 v17, v7;
	v16 =	vld [tilespmem:s17+$0x270]  }
0xbd: {  	v8 =	vadd.f32 v8, v9;
	v9 =	vld [tilespmem:s17+$0x2E0];
	v6 =	vadd.f32 v12, v6;
	v12 =	vmul.f32 v13, v4  }
0xbe: {  	v13 =	vld [tilespmem:s17+$0x2F0]  }
0xbf: {  	s19 =	sshra.s32 s18, $0x2;
	v7 =	vadd.f32 v7, v8;
	v4 =	vmul.f32 v15, v4;
	v10 =	vadd.f32 v12, v10;
	v12 =	vld [tilespmem:$0x1FEE0]  }
0xc0: {  	v23 =	vld [tilespmem:s19+$0x18800];
	v11 =	vmul.f32 v11, v3  }
0xc1: {  	v5 =	vadd.f32 v14, v5;
	v14 =	vld [tilespmem:$0x1FF10];
	v4 =	vadd.f32 v4, v7;
	v3 =	vmul.f32 v16, v3  }
0xc2: {  	v8 =	vld [tilespmem:s17+$0x360]  }
0xc3: {  	v9 =	vmul.f32 v9, v2;
	v3 =	vadd.f32 v3, v4;
	v2 =	vmul.f32 v13, v2;
	v4 =	vld [tilespmem:$0x1FEC0]  }
0xc4: {  	v5 =	vadd.f32 v12, v5;
	v12 =	vld [tilespmem:$0x1FEF0]  }
0xc5: {  	v2 =	vadd.f32 v2, v3;
	v3 =	vld [tilespmem:$0x1FE90]  }
0xc6: {  	v6 =	vadd.f32 v14, v6;
	v14 =	vld [tilespmem:s17+$0x370]  }
0xc7: {  	v7 =	vld [tilespmem:s17+$0x3E0]  }
0xc8: {  	v4 =	vadd.f32 v4, v5;
	v5 =	vld [tilespmem:$0x1FED0]  }
0xc9: {  	v6 =	vadd.f32 v12, v6;
	v12 =	vld [tilespmem:s17+$0x3F0]  }
0xca: {  	s17 =	sadd.s32 $0x800, s17;
	v3 =	vadd.f32 v3, v4;
	v4 =	vld [tilespmem:$0x1FEA0]  }
0xcb: {  	v15 =	vld [tilespmem:s17+$0x380]  }
0xcc: {  	v10 =	vadd.f32 v11, v10;
	v11 =	vld [tilespmem:s17+$0x390]  }
0xcd: {  	v16 =	vld [tilespmem:s17+$0x3A0]  }
0xce: {  	v19 =	vld [tilespmem:s17+$0x3D0]  }
0xcf: {  	v20 =	vld [tilespmem:s17+$0x300]  }
0xd0: {  	v25 =	vld [tilespmem:s17+$0x330]  }
0xd1: {  	v26 =	vld [tilespmem:s17+$0x340]  }
0xd2: {  	v27 =	vld [tilespmem:s17+$0x350]  }
0xd3: {  	v28 =	vld [tilespmem:s17+$0x280]  }
0xd4: {  	v33 =	vld [tilespmem:s17+$0x290]  }
0xd5: {  	v34 =	vld [tilespmem:s17+$0x2A0]  }
0xd6: {  	v42 =	vld [tilespmem:s17+$0x2B0]  }
0xd7: {  	v43 =	vld [tilespmem:s17+$0x2C0]  }
0xd8: {  	v47 =	vld [tilespmem:s17+$0x2D0]  }
0xd9: {  	v48 =	vld [tilespmem:s17+$0x200]  }
0xda: {  	v49 =	vld [tilespmem:s17+$0x210]  }
0xdb: {  	v50 =	vld [tilespmem:s17+$0x220]  }
0xdc: {  	v55 =	vld [tilespmem:s17+$0x230]  }
0xdd: {  	v56 =	vld [tilespmem:s17+$0x240]  }
0xde: {  	v57 =	vld [tilespmem:s17+$0x250];
	v5 =	vadd.f32 v5, v6;
	v6 =	vmul.f32 v8, v1;
	v1 =	vmul.f32 v14, v1  }
0xdf: {  	v58 =	vld [tilespmem:s17+$0x180]  }
0xe0: {  	v1 =	vadd.f32 v1, v2;
	v2 =	vld [tilespmem:$0x1FE30]  }
0xe1: {  	v59 =	vld [tilespmem:s17+$0x190]  }
0xe2: {  	v60 =	vld [tilespmem:s17+$0x1A0]  }
0xe3: {  	v61 =	vld [tilespmem:s17+$0x1B0]  }
0xe4: {  	v62 =	vld [tilespmem:s17+$0x1C0]  }
0xe5: {  	v63 =	vld [tilespmem:s17+$0x1D0];
	v2 =	vadd.f32 v2, v3  }
0xe6: {  	v29 =	vld [tilespmem:s17+$0x100]  }
0xe7: {  	[tilespmem:$0x1FDE0] =	vst v2;
	v2 =	vld [tilespmem:$0x1FE40]  }
0xe8: {  	v30 =	vld [tilespmem:s17+$0x110]  }
0xe9: {  	v31 =	vld [tilespmem:s17+$0x120];
	v4 =	vadd.f32 v4, v5;
	v5 =	vmul.f32 v7, v0;
	v0 =	vmul.f32 v12, v0  }
0xea: {  	v32 =	vld [tilespmem:s17+$0x130];
	v8 =	vadd.f32 v9, v10  }
0xeb: {  	v35 =	vld [tilespmem:s17+$0x140];
	v0 =	vadd.f32 v0, v1  }
0xec: {  	v10 =	vld [tilespmem:s17+$0x3B0];
	v6 =	vadd.f32 v6, v8;
	v2 =	vadd.f32 v2, v4  }
0xed: {  	v36 =	vld [tilespmem:s17+$0x150];
	[tilespmem:$0x1FFF0] =	vst v0;
	v0 =	vbroadcast v23, $0xF  }
0xee: {  	[tilespmem:$0x1FFD0] =	vst v2;
	v2 =	vadd.f32 v5, v6;
	v5 =	vld [tilespmem:s17+$0x310]  }
0xef: {  	v14 =	vld [tilespmem:s17+$0x3C0];
	v15 =	vmul.f32 v15, v0  }
0xf0: {  	v11 =	vmul.f32 v11, v0;
	v6 =	vld [tilespmem:s17+$0x320]  }
0xf1: {  	v37 =	vld [tilespmem:s17+$0x80];
	v1 =	vbroadcast v23, $0xE;
	v10 =	vmul.f32 v10, v0;
	[tilespmem:$0x1FDF0] =	vst v15  }
0xf2: {  	v38 =	vld [tilespmem:s17+$0x90];
	[tilespmem:$0x1FE00] =	vst v11;
	v15 =	vmul.f32 v16, v0  }
0xf3: {  	v39 =	vld [tilespmem:s17+$0xA0];
	v7 =	vbroadcast v23, $0xA;
	[tilespmem:$0x1FE20] =	vst v10;
	v5 =	vmul.f32 v5, v1  }
0xf4: {  	v40 =	vld [tilespmem:s17+$0xFFFFFF00];
	v3 =	vbroadcast v23, $0xC;
	v10 =	vmul.f32 v14, v0;
	[tilespmem:$0x1FE10] =	vst v15  }
0xf5: {  	v18 =	vbroadcast v23, $0x4;
	v41 =	vld [tilespmem:s17+$0xFFFFFF10];
	[tilespmem:$0x1FE60] =	vst v5;
	v5 =	vmul.f32 v6, v1  }
0xf6: {  	v44 =	vld [tilespmem:s17+$0xFFFFFE80];
	v54 =	vmul.f32 v50, v3;
	v14 =	vmul.f32 v35, v7;
	[tilespmem:$0x1FE30] =	vst v10  }
0xf7: {  	v50 =	vmul.f32 v31, v7;
	v31 =	vld [tilespmem:s17+$0xFFFFFD80];
	[tilespmem:$0x1FE70] =	vst v5;
	v5 =	vmul.f32 v25, v1  }
0xf8: {  	v17 =	vbroadcast v23, $0x5;
	v21 =	vbroadcast v23, $0x2;
	v11 =	vld [tilespmem:s17+$0xB0];
	[tilespmem:$0x1FF60] =	vst v14  }
0xf9: {  	v9 =	vbroadcast v23, $0x8;
	v16 =	vld [tilespmem:s17+$0xD0];
	[tilespmem:$0x1FE80] =	vst v5;
	v5 =	vmul.f32 v26, v1  }
0xfa: {  	v53 =	vmul.f32 v49, v3;
	v10 =	vmul.f32 v19, v0;
	v19 =	vld [tilespmem:s17+$0x0];
	[tilespmem:$0x1FFE0] =	vst v2  }
0xfb: {  	v35 =	vld [tilespmem:s17+$0xFFFFFD00];
	v2 =	vbroadcast v23, $0xD;
	[tilespmem:$0x1FE90] =	vst v5;
	v5 =	vmul.f32 v27, v1  }
0xfc: {  	v15 =	vld [tilespmem:s17+$0xC0];
	v4 =	vbroadcast v23, $0xB;
	[tilespmem:$0x1FE40] =	vst v10;
	v10 =	vmul.f32 v20, v1  }
0xfd: {  	v14 =	vmul.f32 v36, v7;
	v36 =	vld [tilespmem:s17+$0xFFFFFCB0];
	[tilespmem:$0x1FEA0] =	vst v5;
	v5 =	vmul.f32 v28, v2  }
0xfe: {  	[tilespmem:$0x1FE50] =	vst v10;
	v49 =	vmul.f32 v59, v4;
	v10 =	vmul.f32 v30, v7;
	v30 =	vld [tilespmem:s17+$0xFFFFFE10]  }
0xff: {  	v59 =	vmul.f32 v19, v9;
	v19 =	vld [tilespmem:s17+$0xFFFFFC80];
	[tilespmem:$0x1FEB0] =	vst v5;
	v5 =	vmul.f32 v43, v2  }
0x100: {  	v8 =	vbroadcast v23, $0x9;
	v51 =	vmul.f32 v42, v2;
	v42 =	vld [tilespmem:s17+$0x40]  }
0x101: {  	v45 =	vmul.f32 v33, v2;
	v33 =	vld [tilespmem:s17+$0xFFFFFF80];
	[tilespmem:$0x1FEC0] =	vst v5;
	v5 =	vmul.f32 v47, v2  }
0x102: {  	v12 =	vbroadcast v23, $0x6;
	v46 =	vmul.f32 v34, v2;
	v34 =	vld [tilespmem:s17+$0xFFFFFF90]  }
0x103: {  	v6 =	vmul.f32 v62, v4;
	v26 =	vld [tilespmem:s17+$0x20];
	[tilespmem:$0x1FED0] =	vst v5;
	v5 =	vmul.f32 v56, v3  }
0x104: {  	v62 =	vmul.f32 v39, v8;
	v39 =	vmul.f32 v41, v12;
	v41 =	vld [tilespmem:s17+$0xFFFFFD30]  }
0x105: {  	v22 =	vbroadcast v23, $0x3;
	v28 =	vld [tilespmem:s17+$0x50];
	[tilespmem:$0x1FEE0] =	vst v5;
	v5 =	vmul.f32 v57, v3  }
0x106: {  	v25 =	vld [tilespmem:s17+$0x10];
	[tilespmem:$0x1FF00] =	vst v6;
	v6 =	vmul.f32 v63, v4;
	v63 =	vmul.f32 v29, v7  }
0x107: {  	v29 =	vld [tilespmem:s17+$0xFFFFFE00];
	v57 =	vmul.f32 v44, v17;
	[tilespmem:$0x1FEF0] =	vst v5;
	v5 =	vmul.f32 v60, v4  }
0x108: {  	v44 =	vld [tilespmem:s17+$0xFFFFFC30];
	v60 =	vmul.f32 v26, v9;
	v26 =	vmul.f32 v42, v9  }
0x109: {  	v24 =	vbroadcast v23, $0x0;
	v13 =	vbroadcast v23, $0x7;
	v43 =	vld [tilespmem:s17+$0xFFFFFD10]  }
0x10a: {  	v52 =	vmul.f32 v48, v3;
	v27 =	vld [tilespmem:s17+$0x30];
	[tilespmem:$0x1FFB0] =	vst v26;
	v26 =	vmul.f32 v28, v9  }
0x10b: {  	[tilespmem:$0x1FF80] =	vst v14;
	v14 =	vmul.f32 v38, v8;
	v15 =	vmul.f32 v15, v8;
	v56 =	vld [tilespmem:s17+$0xFFFFFC20]  }
0x10c: {  	v48 =	vmul.f32 v58, v4;
	v23 =	vbroadcast v23, $0x1;
	[tilespmem:$0x1FFC0] =	vst v26;
	v26 =	vld [tilespmem:s17+$0xFFFFFC00]  }
0x10d: {  	[tilespmem:$0x1FF90] =	vst v15;
	v15 =	vmul.f32 v16, v8;
	v58 =	vmul.f32 v44, v24;
	v44 =	vld [tilespmem:$0x1FDC0]  }
0x10e: {  	v16 =	vmul.f32 v25, v9;
	v38 =	vmul.f32 v43, v21;
	v43 =	vld [tilespmem:$0x1FDA0]  }
0x10f: {  	[tilespmem:$0x1FFA0] =	vst v15;
	v25 =	vld [tilespmem:s17+$0xFFFFFC90];
	v15 =	vmul.f32 v27, v9;
	v47 =	vmul.f32 v61, v4  }
0x110: {  	v61 =	vmul.f32 v37, v8;
	v37 =	vld [tilespmem:s17+$0xFFFFFCA0];
	v56 =	vmul.f32 v56, v24  }
0x111: {  	v27 =	vmul.f32 v33, v13;
	v33 =	vld [tilespmem:s17+$0xFFFFFC10];
	v26 =	vmul.f32 v24, v26  }
0x112: {  	v31 =	vmul.f32 v31, v22;
	v56 =	vadd.f32 v56, v44;
	v44 =	vld [tilespmem:$0x1FDD0]  }
0x113: {  	v35 =	vmul.f32 v35, v21;
	v36 =	vmul.f32 v36, v23;
	v26 =	vadd.f32 v26, v43;
	v43 =	vld [tilespmem:$0x1FDB0]  }
0x114: {  	v28 =	vmul.f32 v34, v13;
	v34 =	vmul.f32 v40, v12;
	v40 =	vld [tilespmem:s17+$0xFFFFFD20]  }
0x115: {  	[tilespmem:$0x1FF10] =	vst v6;
	v6 =	vmul.f32 v32, v7;
	v32 =	vld [tilespmem:s17+$0xFFFFFD90];
	v37 =	vmul.f32 v37, v23  }
0x116: {  	v19 =	vmul.f32 v19, v23;
	v33 =	vmul.f32 v33, v24;
	v42 =	vld [tilespmem:s17+$0xFFFFFDA0]  }
0x117: {  	v30 =	vmul.f32 v30, v18;
	v37 =	vadd.f32 v37, v56;
	v58 =	vadd.f32 v58, v44;
	v44 =	vld [tilespmem:s17+$0xFFFFFE20]  }
0x118: {  	v25 =	vmul.f32 v25, v23;
	v19 =	vadd.f32 v19, v26;
	v33 =	vadd.f32 v33, v43;
	v43 =	vld [tilespmem:s17+$0xFFFFFDB0]  }
0x119: {  	v56 =	vmul.f32 v41, v21;
	v41 =	vld [tilespmem:s17+$0xFFFFFEA0];
	v26 =	vmul.f32 v40, v21;
	v36 =	vadd.f32 v36, v58  }
0x11a: {  	v29 =	vmul.f32 v29, v18;
	v19 =	vadd.f32 v35, v19;
	v25 =	vadd.f32 v25, v33;
	v33 =	vld [tilespmem:s17+$0xFFFFFE30]  }
0x11b: {  	v20 =	vld [tilespmem:s17+$0xFFFFFE90];
	v35 =	vmul.f32 v42, v22;
	v26 =	vadd.f32 v26, v37;
	v36 =	vadd.f32 v56, v36  }
0x11c: {  	v32 =	vmul.f32 v32, v22;
	v19 =	vadd.f32 v31, v19;
	v25 =	vadd.f32 v38, v25;
	v38 =	vld [tilespmem:s17+$0xFFFFFEB0]  }
0x11d: {  	v40 =	vld [tilespmem:s17+$0xFFFFFF20];
	v26 =	vadd.f32 v35, v26;
	v56 =	vmul.f32 v44, v18;
	v58 =	vmul.f32 v43, v22  }
0x11e: {  	v41 =	vmul.f32 v41, v17;
	v19 =	vadd.f32 v29, v19;
	v25 =	vadd.f32 v32, v25;
	v32 =	vld [tilespmem:s17+$0xFFFFFF30]  }
0x11f: {  	v26 =	vadd.f32 v56, v26;
	v58 =	vadd.f32 v58, v36;
	v33 =	vmul.f32 v33, v18;
	v36 =	vld [tilespmem:s17+$0xFFFFFFA0]  }
0x120: {  	v20 =	vmul.f32 v20, v17;
	v19 =	vadd.f32 v57, v19;
	v25 =	vadd.f32 v30, v25;
	v30 =	vld [tilespmem:s17+$0xFFFFFFB0]  }
0x121: {  	v44 =	vld [tilespmem:s17+$0xFFFFFFD0];
	v26 =	vadd.f32 v41, v26;
	v42 =	vadd.f32 v33, v58;
	v43 =	vmul.f32 v38, v17  }
0x122: {  	v55 =	vmul.f32 v55, v3;
	v56 =	vld [tilespmem:s17+$0xFFFFFFC0];
	v19 =	vadd.f32 v34, v19;
	v20 =	vadd.f32 v20, v25  }
0x123: {  	v41 =	vld [tilespmem:s17+$0xFFFFFEC0];
	v25 =	vmul.f32 v40, v12;
	v57 =	vadd.f32 v43, v42;
	v58 =	vmul.f32 v32, v12  }
0x124: {  	v33 =	vld [tilespmem:s17+$0xFFFFFF50];
	v19 =	vadd.f32 v27, v19;
	v20 =	vadd.f32 v39, v20;
	v40 =	vmul.f32 v36, v13  }
0x125: {  	v32 =	vld [tilespmem:s17+$0xFFFFFF40];
	v25 =	vadd.f32 v25, v26;
	v26 =	vadd.f32 v58, v57;
	v42 =	vmul.f32 v30, v13  }
0x126: {  	v11 =	vmul.f32 v11, v8;
	v27 =	vld [tilespmem:s17+$0xFFFFFE40];
	v19 =	vadd.f32 v59, v19;
	v20 =	vadd.f32 v28, v20  }
0x127: {  	v56 =	vmul.f32 v56, v13;
	v43 =	vld [tilespmem:s17+$0xFFFFFED0];
	v25 =	vadd.f32 v40, v25;
	v26 =	vadd.f32 v42, v26  }
0x128: {  	v57 =	vmul.f32 v44, v13;
	v44 =	vld [tilespmem:s17+$0xFFFFFE50];
	v19 =	vadd.f32 v61, v19;
	v16 =	vadd.f32 v16, v20  }
0x129: {  	v59 =	vmul.f32 v33, v12;
	v20 =	vld [tilespmem:s17+$0xFFFFFDC0];
	v25 =	vadd.f32 v60, v25;
	v15 =	vadd.f32 v15, v26  }
0x12a: {  	p0 =	sne.s32 s18, $0xC00;
	v19 =	vadd.f32 v63, v19;
	v58 =	vmul.f32 v32, v12;
	v26 =	vld [tilespmem:s17+$0xFFFFFDD0];
	v16 =	vadd.f32 v14, v16  }
.Ltmp0:
0x12b: {  	v60 =	vmul.f32 v41, v17;
	v14 =	vld [tilespmem:s17+$0xFFFFFD40];
	v25 =	vadd.f32 v62, v25;
	v15 =	vadd.f32 v11, v15;
	(pc) =	sbr.rel @p0 .LBB2_2-.Ltmp0, $4  }
0x12c: {  	v61 =	vmul.f32 v43, v17;
	v62 =	vmul.f32 v27, v18;
	v11 =	vld [tilespmem:s17+$0xFFFFFD50];
	v10 =	vadd.f32 v10, v16  }
0x12d: {  	v63 =	vmul.f32 v44, v18;
	v16 =	vld [tilespmem:s17+$0xFFFFFCC0];
	v25 =	vadd.f32 v50, v25;
	v27 =	vadd.f32 v6, v15  }
0x12e: {  	v50 =	vld [tilespmem:s17+$0xFFFFFCD0];
	v6 =	vmul.f32 v20, v22;
	v15 =	vadd.f32 v48, v19;
	v49 =	vadd.f32 v49, v10  }
0x12f: {  	s18 =	sadd.s32 $0x40, s18;
	v48 =	vld [tilespmem:s17+$0xFFFFFC40];
	v10 =	vmul.f32 v26, v22;
	v5 =	vadd.f32 v5, v25;
	v47 =	vadd.f32 v47, v27  }
0x130: {  	v19 =	vld [tilespmem:s17+$0xFFFFFC50]  }
0x131: {  	v20 =	vld [tilespmem:s17+$0xFFFFFC60]  }
0x132: {  	v25 =	vld [tilespmem:s17+$0xFFFFFC70]  }
0x133: {  	v26 =	vld [tilespmem:s17+$0xFFFFFCE0]  }
0x134: {  	v27 =	vld [tilespmem:s17+$0xFFFFFCF0]  }
0x135: {  	v28 =	vld [tilespmem:s17+$0xFFFFFD60]  }
0x136: {  	v31 =	vld [tilespmem:s17+$0xFFFFFD70]  }
0x137: {  	v32 =	vld [tilespmem:s17+$0xFFFFFDE0]  }
0x138: {  	v33 =	vld [tilespmem:s17+$0xFFFFFDF0]  }
0x139: {  	v34 =	vld [tilespmem:s17+$0xFFFFFE60]  }
0x13a: {  	v35 =	vld [tilespmem:s17+$0xFFFFFE70]  }
0x13b: {  	v36 =	vld [tilespmem:s17+$0xFFFFFEE0]  }
0x13c: {  	v37 =	vld [tilespmem:s17+$0xFFFFFEF0]  }
0x13d: {  	v29 =	vadd.f32 v53, v49;
	v53 =	vld [tilespmem:$0x1FEB0]  }
0x13e: {  	v38 =	vld [tilespmem:s17+$0xFFFFFF60]  }
0x13f: {  	v5 =	vadd.f32 v54, v5;
	v54 =	vld [tilespmem:$0x1FE50]  }
0x140: {  	v39 =	vld [tilespmem:s17+$0xFFFFFF70];
	v15 =	vadd.f32 v52, v15  }
0x141: {  	v40 =	vld [tilespmem:s17+$0xFFFFFFE0]  }
0x142: {  	v41 =	vld [tilespmem:s17+$0xFFFFFFF0];
	v15 =	vadd.f32 v53, v15  }
0x143: {  	v42 =	vld [tilespmem:s17+$0x60]  }
0x144: {  	v15 =	vadd.f32 v54, v15;
	v54 =	vld [tilespmem:$0x1FE70]  }
0x145: {  	v30 =	vadd.f32 v55, v47;
	v55 =	vld [tilespmem:$0x1FE60]  }
0x146: {  	v43 =	vld [tilespmem:s17+$0x70]  }
0x147: {  	v44 =	vld [tilespmem:s17+$0xE0];
	v5 =	vadd.f32 v46, v5  }
0x148: {  	v52 =	vld [tilespmem:s17+$0xF0];
	v29 =	vadd.f32 v45, v29  }
0x149: {  	v30 =	vadd.f32 v51, v30;
	v51 =	vadd.f32 v54, v5;
	v5 =	vld [tilespmem:$0x1FE10]  }
0x14a: {  	v29 =	vadd.f32 v55, v29;
	v55 =	vld [tilespmem:$0x1FE80]  }
0x14b: {  	v49 =	vld [tilespmem:s17+$0x160]  }
0x14c: {  	v47 =	vld [tilespmem:s17+$0x170]  }
0x14d: {  	v45 =	vld [tilespmem:s17+$0x1E0]  }
0x14e: {  	v5 =	vadd.f32 v5, v51;
	v51 =	vld [tilespmem:$0x1FE20]  }
0x14f: {  	v30 =	vadd.f32 v55, v30;
	v55 =	vld [tilespmem:$0x1FE00]  }
0x150: {  	v54 =	vld [tilespmem:$0x1FDF0]  }
0x151: {  	v46 =	vld [tilespmem:s17+$0x1F0]  }
0x152: {  	v53 =	vld [tilespmem:s17+$0x260]  }
0x153: {  	[tilespmem:$0x1FD80] =	vst v5;
	v5 =	vadd.f32 v51, v30;
	v30 =	vld [tilespmem:$0x1FDE0]  }
0x154: {  	v29 =	vadd.f32 v55, v29;
	v55 =	vld [tilespmem:s17+$0x2E0]  }
0x155: {  	v15 =	vadd.f32 v54, v15;
	v54 =	vld [tilespmem:s17+$0x270]  }
0x156: {  	v48 =	vmul.f32 v48, v24;
	v51 =	vld [tilespmem:s17+$0x2F0]  }
0x157: {  	v19 =	vmul.f32 v19, v24;
	[tilespmem:$0x1FD90] =	vst v5;
	v5 =	vmul.f32 v16, v23;
	v16 =	vld [tilespmem:s17+$0x370]  }
0x158: {  	v20 =	vmul.f32 v20, v24;
	v24 =	vmul.f32 v25, v24;
	v25 =	vadd.f32 v48, v30;
	v48 =	vld [tilespmem:$0x1FFD0]  }
0x159: {  	v50 =	vmul.f32 v50, v23;
	v26 =	vmul.f32 v26, v23;
	v30 =	vld [tilespmem:$0x1FFE0]  }
0x15a: {  	v27 =	vmul.f32 v27, v23;
	v23 =	vld [tilespmem:s17+$0x3E0];
	v5 =	vadd.f32 v5, v25;
	v25 =	vmul.f32 v14, v21  }
0x15b: {  	v14 =	vld [tilespmem:s17+$0x3F0]  }
0x15c: {  	v5 =	vadd.f32 v25, v5;
	v25 =	vld [tilespmem:$0x18B90]  }
0x15d: {  	v19 =	vadd.f32 v19, v48;
	v48 =	vld [tilespmem:s17+$0x360]  }
0x15e: {  	v20 =	vadd.f32 v20, v30;
	v30 =	vld [tilespmem:$0x1FFF0]  }
0x15f: {  	v5 =	vadd.f32 v6, v5;
	v6 =	vld [tilespmem:$0x18BB0]  }
0x160: {  	v11 =	vmul.f32 v11, v21;
	v19 =	vadd.f32 v50, v19;
	v50 =	vmul.f32 v28, v21;
	v28 =	vld [tilespmem:$0x18B80]  }
0x161: {  	v20 =	vadd.f32 v26, v20;
	v26 =	vld [tilespmem:$0x18BA0];
	v5 =	vadd.f32 v62, v5;
	v62 =	vmul.f32 v40, v13  }
0x162: {  	v40 =	vmul.f32 v44, v8;
	v44 =	vmul.f32 v49, v7;
	v49 =	vld [tilespmem:$0x1FF60]  }
0x163: {  	v50 =	vadd.f32 v50, v20;
	v20 =	vld [tilespmem:$0x18BC0]  }
0x164: {  	v11 =	vadd.f32 v11, v19;
	v19 =	vld [tilespmem:$0x18C40];
	v24 =	vadd.f32 v24, v30  }
0x165: {  	v5 =	vadd.f32 v60, v5;
	v60 =	vmul.f32 v38, v12;
	v38 =	vld [tilespmem:$0x1FFB0]  }
0x166: {  	v31 =	vmul.f32 v31, v21;
	v24 =	vadd.f32 v27, v24;
	v27 =	vld [tilespmem:$0x18C00]  }
0x167: {  	v5 =	vadd.f32 v58, v5;
	v58 =	vld [tilespmem:$0x1FF10]  }
0x168: {  	v10 =	vadd.f32 v10, v11;
	v21 =	vadd.f32 v31, v24;
	v31 =	vmul.f32 v33, v22;
	v24 =	vld [tilespmem:$0x18BD0]  }
0x169: {  	v33 =	vmul.f32 v34, v18;
	v34 =	vmul.f32 v35, v18;
	v18 =	vld [tilespmem:$0x18BE0]  }
0x16a: {  	v35 =	vadd.f32 v63, v10;
	v10 =	vld [tilespmem:$0x18BF0]  }
0x16b: {  	v30 =	vmul.f32 v32, v22;
	v63 =	vmul.f32 v41, v13;
	v13 =	vld [tilespmem:$0x18C50]  }
0x16c: {  	v41 =	vmul.f32 v52, v8;
	v52 =	vmul.f32 v45, v4;
	v45 =	vld [tilespmem:$0x18D10]  }
0x16d: {  	v32 =	vadd.f32 v30, v50;
	v21 =	vadd.f32 v31, v21;
	v31 =	vld [tilespmem:$0x18C20]  }
0x16e: {  	v50 =	vadd.f32 v61, v35;
	v61 =	vmul.f32 v39, v12;
	v39 =	vld [tilespmem:$0x1FFC0]  }
0x16f: {  	v11 =	vadd.f32 v33, v32;
	v32 =	vld [tilespmem:$0x18C60]  }
0x170: {  	v5 =	vadd.f32 v56, v5;
	v33 =	vld [tilespmem:$0x18C80]  }
0x171: {  	v36 =	vmul.f32 v36, v17;
	v35 =	vld [tilespmem:$0x18CC0]  }
0x172: {  	v5 =	vadd.f32 v38, v5;
	v38 =	vld [tilespmem:$0x18D00]  }
0x173: {  	v11 =	vadd.f32 v36, v11;
	v36 =	vmul.f32 v42, v9;
	v42 =	vld [tilespmem:$0x1FF90]  }
0x174: {  	v22 =	vadd.f32 v59, v50;
	v50 =	vld [tilespmem:$0x1FF80]  }
0x175: {  	v37 =	vmul.f32 v37, v17;
	v21 =	vadd.f32 v34, v21;
	v34 =	vld [tilespmem:$0x18CA0]  }
0x176: {  	v59 =	vmul.f32 v53, v3;
	v53 =	vld [tilespmem:$0x1FD80]  }
0x177: {  	v17 =	vadd.f32 v37, v21;
	v21 =	vld [tilespmem:$0x18C10]  }
0x178: {  	v37 =	vmul.f32 v43, v9;
	v43 =	vld [tilespmem:$0x1FFA0]  }
0x179: {  	v22 =	vadd.f32 v57, v22;
	v57 =	vld [tilespmem:$0x1FF00]  }
0x17a: {  	v11 =	vadd.f32 v60, v11;
	v12 =	vadd.f32 v61, v17;
	v17 =	vld [tilespmem:$0x18C30]  }
0x17b: {  	v61 =	vld [tilespmem:$0x1FEE0]  }
0x17c: {  	v11 =	vadd.f32 v62, v11;
	v62 =	vld [tilespmem:$0x1FEF0]  }
0x17d: {  	v5 =	vadd.f32 v42, v5;
	v42 =	vld [tilespmem:$0x1FEC0]  }
0x17e: {  	v22 =	vadd.f32 v39, v22;
	v11 =	vadd.f32 v36, v11;
	v36 =	vld [tilespmem:$0x18CB0]  }
0x17f: {  	v12 =	vadd.f32 v63, v12;
	v63 =	vmul.f32 v55, v2;
	v55 =	vld [tilespmem:$0x1FE40]  }
0x180: {  	v22 =	vadd.f32 v43, v22;
	v43 =	vld [tilespmem:$0x1FED0]  }
0x181: {  	v47 =	vmul.f32 v47, v7;
	v5 =	vadd.f32 v49, v5;
	v9 =	vadd.f32 v37, v12;
	v12 =	vld [tilespmem:$0x18C70]  }
0x182: {  	v23 =	vmul.f32 v23, v0;
	v14 =	vmul.f32 v14, v0;
	v11 =	vadd.f32 v40, v11;
	v37 =	vld [tilespmem:$0x18CD0]  }
0x183: {  	v30 =	vmul.f32 v51, v2;
	v5 =	vadd.f32 v57, v5;
	v57 =	vld [tilespmem:$0x1FD90];
	v8 =	vadd.f32 v41, v9  }
0x184: {  	v56 =	vmul.f32 v46, v4;
	v46 =	vmul.f32 v16, v1;
	v22 =	vadd.f32 v50, v22;
	v9 =	vld [tilespmem:$0x18C90]  }
0x185: {  	v11 =	vadd.f32 v44, v11;
	v44 =	vmul.f32 v48, v1;
	v48 =	vld [tilespmem:$0x1FEA0];
	v7 =	vadd.f32 v47, v8  }
0x186: {  	v60 =	vmul.f32 v54, v3;
	v5 =	vadd.f32 v61, v5;
	v8 =	vadd.f32 v58, v22;
	v22 =	vld [tilespmem:$0x18CE0]  }
0x187: {  	v1 =	vmax.f32 v53, $0.0e+00;
	v11 =	vadd.f32 v52, v11;
	v47 =	vld [tilespmem:$0x1FE90];
	v4 =	vadd.f32 v56, v7  }
0x188: {  	v52 =	vld [tilespmem:$0x1FE30];
	v58 =	vmul.f32 v31, v1;
	v5 =	vadd.f32 v42, v5;
	v7 =	vadd.f32 v62, v8  }
0x189: {  	v31 =	vld [tilespmem:$0x18D80];
	v11 =	vadd.f32 v59, v11;
	v3 =	vadd.f32 v60, v4;
	v4 =	vmax.f32 v15, $0.0e+00  }
0x18a: {  	v42 =	vld [tilespmem:$0x18D60];
	v56 =	vmul.f32 v26, v1;
	v7 =	vadd.f32 v43, v7;
	v49 =	vmul.f32 v28, v4  }
0x18b: {  	v8 =	vld [tilespmem:$0x18CF0];
	v11 =	vadd.f32 v63, v11;
	v51 =	vmul.f32 v27, v4;
	v39 =	vmul.f32 v33, v4  }
0x18c: {  	v26 =	vld [tilespmem:$0x18D70];
	v41 =	vmul.f32 v38, v4;
	v2 =	vadd.f32 v30, v3;
	v3 =	vadd.f32 v47, v5  }
0x18d: {  	v15 =	vld [tilespmem:$0x18D20];
	v7 =	vadd.f32 v48, v7;
	v11 =	vadd.f32 v44, v11;
	v5 =	vmax.f32 v29, $0.0e+00  }
0x18e: {  	v43 =	vld [tilespmem:$0x18E00];
	v47 =	vmul.f32 v34, v1;
	v16 =	vadd.f32 $0.0e+00, v49;
	v25 =	vmul.f32 v25, v5  }
0x18f: {  	v28 =	vld [tilespmem:$0x18D30];
	v54 =	vadd.f32 $0.0e+00, v51;
	v21 =	vmul.f32 v21, v5;
	v9 =	vmul.f32 v9, v5  }
0x190: {  	v27 =	vld [tilespmem:$0x18D40];
	v45 =	vmul.f32 v45, v5;
	v50 =	vadd.f32 v46, v2;
	v3 =	vadd.f32 v52, v3  }
0x191: {  	v38 =	vld [tilespmem:$0x19020];
	v7 =	vadd.f32 v55, v7;
	v2 =	vmax.f32 v57, $0.0e+00;
	v11 =	vadd.f32 v23, v11  }
0x192: {  	v30 =	vld [tilespmem:$0x18DA0];
	v16 =	vadd.f32 v25, v16;
	v6 =	vmul.f32 v6, v2;
	v17 =	vmul.f32 v17, v2  }
0x193: {  	v48 =	vld [tilespmem:$0x18E30];
	v21 =	vadd.f32 v21, v54;
	v49 =	vmul.f32 v15, v1;
	v51 =	vmul.f32 v36, v2  }
0x194: {  	v23 =	vld [tilespmem:$0x18DD0];
	v3 =	vmax.f32 v3, $0.0e+00;
	v0 =	vmax.f32 v7, $0.0e+00;
	v53 =	vmul.f32 v28, v2  }
0x195: {  	v25 =	vld [tilespmem:$0x18D90];
	v14 =	vadd.f32 v14, v50;
	v59 =	vmul.f32 v20, v3;
	v61 =	vmul.f32 v19, v3  }
0x196: {  	v29 =	vld [tilespmem:$0x18D50];
	v16 =	vadd.f32 v56, v16;
	v62 =	vmul.f32 v24, v0;
	v13 =	vmul.f32 v13, v0  }
0x197: {  	v50 =	vld [tilespmem:$0x18E40];
	v21 =	vadd.f32 v58, v21;
	v55 =	vmul.f32 v35, v3;
	v57 =	vmul.f32 v27, v3  }
0x198: {  	v52 =	vld [tilespmem:$0x18E50];
	v24 =	vmul.f32 v43, v4;
	v40 =	vmul.f32 v30, v1  }
0x199: {  	v20 =	vld [tilespmem:$0x18DB0];
	v43 =	vmul.f32 v48, v2;
	v6 =	vadd.f32 v6, v16;
	v60 =	vadd.f32 v17, v21  }
0x19a: {  	v19 =	vld [tilespmem:$0x18DC0];
	v48 =	vmul.f32 v23, v0;
	v25 =	vmul.f32 v25, v5  }
0x19b: {  	v27 =	vld [tilespmem:$0x18EB0];
	v16 =	vadd.f32 v59, v6;
	v7 =	vadd.f32 v61, v60;
	v59 =	vmul.f32 v37, v0  }
0x19c: {  	v44 =	vld [tilespmem:$0x18E10];
	v6 =	vmax.f32 v11, $0.0e+00;
	v60 =	vmul.f32 v31, v4;
	v15 =	vmul.f32 v50, v3  }
0x19d: {  	v46 =	vld [tilespmem:$0x18E20];
	v50 =	vmul.f32 v52, v0;
	v18 =	vmul.f32 v18, v6  }
0x19e: {  	v17 =	vld [tilespmem:$0x18DE0];
	v37 =	vadd.f32 $0.0e+00, v24;
	v32 =	vmul.f32 v32, v6;
	v22 =	vmul.f32 v22, v6  }
0x19f: {  	v34 =	vld [tilespmem:$0x19010];
	v20 =	vmul.f32 v20, v2;
	v19 =	vmul.f32 v19, v3;
	v63 =	vadd.f32 v62, v16  }
0x1a0: {  	v58 =	vld [tilespmem:$0x18E80];
	v33 =	vmul.f32 v27, v2;
	v7 =	vadd.f32 v13, v7;
	v16 =	vadd.f32 $0.0e+00, v39  }
0x1a1: {  	v28 =	vld [tilespmem:$0x18E60];
	v13 =	vadd.f32 $0.0e+00, v41;
	v62 =	vmul.f32 v29, v0;
	v39 =	vmul.f32 v44, v5  }
0x1a2: {  	v35 =	vld [tilespmem:$0x18E70];
	v36 =	vadd.f32 $0.0e+00, v60;
	v41 =	vmul.f32 v42, v6;
	v42 =	vmul.f32 v46, v1  }
0x1a3: {  	v21 =	vld [tilespmem:$0x18DF0];
	v52 =	vmul.f32 v17, v6;
	v11 =	vadd.f32 v18, v63;
	v32 =	vadd.f32 v32, v7  }
0x1a4: {  	v46 =	vld [tilespmem:$0x18F20];
	v9 =	vadd.f32 v9, v16;
	v7 =	vmax.f32 v14, $0.0e+00;
	v13 =	vadd.f32 v45, v13  }
0x1a5: {  	v16 =	vadd.f32 v25, v36;
	v45 =	vld [tilespmem:$0x18F10];
	v14 =	vmul.f32 v58, v4;
	v10 =	vmul.f32 v10, v7  }
0x1a6: {  	v63 =	vld [tilespmem:$0x18EA0];
	v12 =	vmul.f32 v12, v7;
	v9 =	vadd.f32 v47, v9;
	v13 =	vadd.f32 v49, v13  }
0x1a7: {  	v61 =	vld [tilespmem:$0x18E90];
	v8 =	vmul.f32 v8, v7;
	v16 =	vadd.f32 v40, v16;
	v14 =	vadd.f32 $0.0e+00, v14  }
0x1a8: {  	v44 =	vld [tilespmem:$0x18F00];
	v26 =	vmul.f32 v26, v7;
	v10 =	vadd.f32 v10, v11;
	v54 =	vadd.f32 v51, v9  }
0x1a9: {  	v30 =	vld [tilespmem:$0x18ED0];
	v21 =	vmul.f32 v21, v7;
	v9 =	vadd.f32 v12, v32;
	v56 =	vadd.f32 v53, v13  }
0x1aa: {  	v49 =	vld [tilespmem:$0x18F30];
	v13 =	vadd.f32 v39, v37;
	v16 =	vadd.f32 v20, v16;
	v20 =	vmul.f32 v45, v5  }
0x1ab: {  	v32 =	vld [tilespmem:$0x18EC0];
	v60 =	vmul.f32 v63, v1;
	v63 =	vmul.f32 v46, v1;
	v11 =	vadd.f32 v55, v54  }
0x1ac: {  	v51 =	vld [tilespmem:$0x18F40];
	v12 =	vadd.f32 v57, v56;
	v13 =	vadd.f32 v42, v13;
	v54 =	vmul.f32 v28, v6  }
0x1ad: {  	v53 =	vld [tilespmem:$0x18F50];
	v47 =	vadd.f32 v19, v16;
	v55 =	vmul.f32 v44, v4;
	v57 =	vmul.f32 v61, v5  }
0x1ae: {  	v31 =	vld [tilespmem:$0x18F90];
	v44 =	vmul.f32 v30, v0;
	v11 =	vadd.f32 v59, v11;
	v12 =	vadd.f32 v62, v12  }
0x1af: {  	v36 =	vld [tilespmem:$0x18EE0];
	v19 =	vmul.f32 v49, v2;
	v13 =	vadd.f32 v43, v13;
	v58 =	vadd.f32 $0.0e+00, v55  }
0x1b0: {  	v59 =	vld [tilespmem:$0x18F80];
	v14 =	vadd.f32 v57, v14;
	v62 =	vmul.f32 v35, v7;
	v37 =	vmul.f32 v32, v3  }
0x1b1: {  	v61 =	vld [tilespmem:$0x19000];
	v18 =	vmul.f32 v51, v3;
	v11 =	vadd.f32 v22, v11;
	v12 =	vadd.f32 v41, v12  }
0x1b2: {  	v39 =	vld [tilespmem:$0x18FB0];
	v46 =	vmul.f32 v53, v0;
	v13 =	vadd.f32 v15, v13;
	v15 =	vadd.f32 v20, v58  }
0x1b3: {  	v35 =	vld [tilespmem:$0x18FA0];
	v14 =	vadd.f32 v60, v14;
	v41 =	vmul.f32 v31, v5;
	v8 =	vadd.f32 v8, v11  }
0x1b4: {  	v56 =	vld [tilespmem:$0x18F60];
	v5 =	vmul.f32 v34, v5;
	v12 =	vadd.f32 v26, v12;
	v11 =	vadd.f32 v48, v47  }
0x1b5: {  	v42 =	vld [tilespmem:$0x19030];
	v13 =	vadd.f32 v50, v13;
	v15 =	vadd.f32 v63, v15;
	v23 =	vmul.f32 v59, v4  }
0x1b6: {  	v51 =	vld [tilespmem:$0x19060];
	v14 =	vadd.f32 v33, v14;
	v4 =	vmul.f32 v61, v4;
	v11 =	vadd.f32 v52, v11  }
0x1b7: {  	v22 =	vld [tilespmem:$0x18EF0];
	v50 =	vmul.f32 v36, v6;
	v13 =	vadd.f32 v54, v13;
	v40 =	vadd.f32 $0.0e+00, v23  }
0x1b8: {  	v43 =	vld [tilespmem:$0x18FC0];
	v20 =	vmul.f32 v35, v1;
	v15 =	vadd.f32 v19, v15;
	v4 =	vadd.f32 $0.0e+00, v4  }
0x1b9: {  	v45 =	vld [tilespmem:$0x19040];
	v1 =	vmul.f32 v38, v1;
	v14 =	vadd.f32 v37, v14;
	v16 =	vadd.f32 v41, v40  }
0x1ba: {  	v47 =	vld [tilespmem:$0x18FD0];
	v19 =	vmul.f32 v39, v2;
	v2 =	vmul.f32 v42, v2;
	v4 =	vadd.f32 v5, v4  }
0x1bb: {  	v48 =	vld [tilespmem:$0x19050];
	v52 =	vmul.f32 v56, v6;
	v60 =	vmul.f32 v51, v6;
	v16 =	vadd.f32 v20, v16  }
0x1bc: {  	v49 =	vld [tilespmem:$0x18FE0];
	v59 =	vmul.f32 v22, v7;
	v11 =	vadd.f32 v21, v11;
	v1 =	vadd.f32 v1, v4  }
0x1bd: {  	v26 =	vld [tilespmem:$0x18F70];
	v15 =	vadd.f32 v18, v15;
	v18 =	vmul.f32 v43, v3;
	v16 =	vadd.f32 v19, v16  }
0x1be: {  	v53 =	vld [tilespmem:$0x18FF0];
	v13 =	vadd.f32 v62, v13;
	v3 =	vmul.f32 v45, v3;
	v1 =	vadd.f32 v2, v1  }
0x1bf: {  	[tilespmem:$0x19380] =	vst v10;
	v57 =	vld [tilespmem:$0x19070];
	v14 =	vadd.f32 v44, v14;
	v56 =	vmul.f32 v47, v0;
	v55 =	vadd.f32 v18, v16  }
0x1c0: {  	[tilespmem:$0x19400] =	vst v9;
	v0 =	vmul.f32 v48, v0;
	v5 =	vadd.f32 v46, v15;
	v1 =	vadd.f32 v3, v1  }
0x1c1: {  	[tilespmem:$0x19480] =	vst v8;
	v54 =	vadd.f32 v50, v14;
	v4 =	vmul.f32 v49, v6;
	v58 =	vadd.f32 v56, v55  }
0x1c2: {  	[tilespmem:$0x19500] =	vst v12;
	v61 =	vmul.f32 v26, v7;
	v2 =	vadd.f32 v52, v5;
	v0 =	vadd.f32 v0, v1  }
0x1c3: {  	v62 =	vmul.f32 v53, v7;
	[tilespmem:$0x19580] =	vst v11;
	v5 =	vadd.f32 v59, v54;
	v3 =	vadd.f32 v4, v58  }
0x1c4: {  	v63 =	vmul.f32 v57, v7;
	[tilespmem:$0x19600] =	vst v13;
	v2 =	vadd.f32 v61, v2;
	v0 =	vadd.f32 v60, v0  }
0x1c5: {  	[tilespmem:$0x19680] =	vst v5;
	v3 =	vadd.f32 v62, v3  }
0x1c6: {  	s16 =	sadd.s32 $0x1, s16;
	[tilespmem:$0x19700] =	vst v2;
	v0 =	vadd.f32 v63, v0  }
0x1c7: {  	p0 =	sne.s32 s16, s7;
	[tilespmem:$0x19780] =	vst v3  }
.Ltmp1:
0x1c8: {  	[tilespmem:$0x19800] =	vst v0;
	(pc) =	sbr.rel @p0 .LBB2_1-.Ltmp1, $4  }
0x1c9: {  	[hbm4b:s6+s3] =	stream.linear.scatter [tilespmem:s15], [sflag:$0x2], $0x500, $0x38;
	[tilespmem:$0x19B80] =	vst v63  }
0x1ca: {  	_ =	swait.ge [sflag:s10], $0x500  }
0x1cb: {  	[sflag:s10] =	ssyncset.done $0x0  }
0x1cc: {  	[sflag:s10] =	ssyncadd.s32 $0xFFFFFB00  }
0x1cd: {  	_ =	sfence.sel $0x180000  }
0x1ce: {  	[bflag:$0x0] =	sbarrier.arrive $0xFFFF  }
0x1cf: {  	p0 =	sne.s32 s0, $0x0;
	_ =	strace $0x90000047  }
0x1d0: {  	s0 =	sadd.s32 @!p0 $0x100000, s2;
	[bflag:$0x2] =	sbarrier.arrive $0xFFFF  }
0x1d1: {  	[sflag:s0] =	ssyncadd.tile.s32 @!p0 $0x1;
	_ =	shalt  }
.Lfunc_end2:
_tile_overlayer_lowered:
.L_overlay_start_2:
0x1d2: {  	(tag) =	ssettag $0x2  }
0x1d3: {  	s0 =	rddreg [dreg:$0x0];
	s2 =	stileid.u32  }
0x1d4: {  	s1 =	rddreg [dreg:$0x1];
	p0 =	sne.s32 s2, $0x0  }
0x1d5: {  	s3 =	rddreg [dreg:$0x2];
	[bflag:$0x3] =	sbarrier.arrive $0xFFFF;
	s2 =	simm.s32 @!p0 $0x1C02  }
0x1d6: {  	[timem:s3], [sflag:s2] =	dma.local @!p0 [hbm:s0], s1  }
0x1d7: {  	s0 =	simm.s32 @!p0 $0x2  }
0x1d8: {  	_ =	swait.ge @!p0 [sflag:s0], s1  }
0x1d9: {  	s1 =	ssub.s32 @!p0 $0x0, s1;
	[sflag:s0] =	ssyncset.done @!p0 $0x0  }
0x1da: {  	[sflag:s0] =	ssyncadd.s32 @!p0 s1  }
0x1db: {  	[bflag:$0x3] =	sbarrier.arrive $0xFFFF  }
0x1dc: {  	_ =	shalt  }

</sc_bundles>
